<compile_context>
chip_gen: v7x
topology: tpu7x:2x2x1
jax: 0.10.2.dev20260603
libtpu: 0.0.44.dev20260713+nightly
codegen_flags: <defaults>
</compile_context>

<pallas_src>
import jax
import jax.numpy as jnp
from jax import lax
from jax.experimental import pallas as pl
from jax.experimental.pallas import tpu as pltpu
from jax.experimental.pallas import tpu_sc as plsc

_N = 10000
_E = 2048
_NNZ = 320000
_C = 128
_EPS = 1e-6

_NC = 2
_NS = 16
_NW = _NC * _NS
_CH = _NNZ // _NW
_B = 125
_NB = _CH // _B

_CHP = 10240
_EB = _E + 128
_NBP = _N + 240

_mesh = plsc.VectorSubcoreMesh(core_axis_name="c", subcore_axis_name="s")



def _sc_pass(s_rows):
    if s_rows == _E:
        n_wr, rps = _NS, _E // _NS
        n_ph, qb = 1, 5
    else:
        n_wr, rps = 10, _N // 10
        n_ph, qb = 2, 2
    nbp = _NB // n_ph
    nq = nbp // qb

    def body(table, gids, sids, z128, out_acc, gid_v, sid_v, *rest):
        rows = rest[:qb]
        acc = rest[qb]
        gsem = rest[qb + 1:2 * qb + 1]
        ssem = rest[2 * qb + 1:]
        sid = lax.axis_index("s")
        cid = lax.axis_index("c")
        wid = sid * _NC + cid

        @pl.when(sid < n_wr)
        def _():
            pltpu.sync_copy(z128.at[pl.ds(0, rps)],
                            acc.at[pl.ds(sid * rps, rps)])

        plsc.subcore_barrier()

        for ph in range(n_ph):
            pltpu.sync_copy(gids.at[wid, pl.ds(ph * nbp, nbp)], gid_v)
            pltpu.sync_copy(sids.at[wid, pl.ds(ph * nbp, nbp)], sid_v)
            for p in range(qb):
                pltpu.async_copy(table.at[gid_v.at[p]], rows[p], gsem[p])

            if qb > 2:
                def step(k, carry):
                    base = qb * k
                    for p in range(qb):
                        j = base + p
                        pltpu.make_async_copy(
                            table.at[gid_v.at[j]], rows[p], gsem[p]).wait()
                        pltpu.async_copy(
                            rows[p], acc.at[sid_v.at[j]], ssem[p], add=True)
                    for p in range(qb):
                        j = base + p
                        pltpu.make_async_copy(
                            rows[p], acc.at[sid_v.at[j]], ssem[p]).wait()

                        @pl.when(k < nq - 1)
                        def _():
                            pltpu.async_copy(
                                table.at[gid_v.at[j + qb]], rows[p], gsem[p])

                    return carry
            else:
                def step(k, carry):
                    j0 = 2 * k
                    j1 = 2 * k + 1
                    pltpu.make_async_copy(
                        table.at[gid_v.at[j0]], rows[0], gsem[0]).wait()
                    pltpu.sync_copy(rows[0], acc.at[sid_v.at[j0]], add=True)
                    pltpu.make_async_copy(
                        table.at[gid_v.at[j1]], rows[1], gsem[1]).wait()

                    @pl.when(k < nq - 1)
                    def _():
                        pltpu.async_copy(
                            table.at[gid_v.at[j0 + 2]], rows[0], gsem[0])

                    pltpu.sync_copy(rows[1], acc.at[sid_v.at[j1]], add=True)

                    @pl.when(k < nq - 1)
                    def _():
                        pltpu.async_copy(
                            table.at[gid_v.at[j1 + 2]], rows[1], gsem[1])

                    return carry

            lax.fori_loop(0, nq, step, 0)
        plsc.subcore_barrier()

        @pl.when(sid < n_wr)
        def _():
            pltpu.sync_copy(acc.at[pl.ds(sid * rps, rps)],
                            out_acc.at[pl.ds(cid * s_rows + sid * rps, rps)])

    return pl.kernel(
        body,
        out_type=jax.ShapeDtypeStruct((_NC * s_rows, _C), jnp.float32),
        mesh=_mesh,
        scratch_types=([pltpu.VMEM((nbp, _B), jnp.int32),
                        pltpu.VMEM((nbp, _B), jnp.int32)]
                       + [pltpu.VMEM((_B, _C), jnp.float32)] * qb
                       + [pltpu.VMEM_SHARED((s_rows, _C), jnp.float32)]
                       + [pltpu.SemaphoreType.DMA] * (2 * qb)))


def _sc_hist():
    def body(hin, vin, zf, out_de, out_dv, hv, vv, de_h, dv_h):
        sid = lax.axis_index("s")
        cid = lax.axis_index("c")
        wid = sid * _NC + cid
        pltpu.sync_copy(hin.at[pl.ds(wid * _CHP, _CHP)], hv)
        pltpu.sync_copy(vin.at[pl.ds(wid * _CHP, _CHP)], vv)
        pltpu.sync_copy(zf.at[pl.ds(0, _EB)], de_h)
        pltpu.sync_copy(zf.at[pl.ds(0, _NBP)], dv_h)

        ones = jnp.ones((16,), jnp.float32)

        def step(j, c):
            for u in range(4):
                o = (4 * j + u) * 16
                plsc.addupdate_scatter(de_h, [hv[pl.ds(o, 16)]], ones)
                plsc.addupdate_scatter(dv_h, [vv[pl.ds(o, 16)]], ones)
            return c

        lax.fori_loop(0, _CHP // 64, step, 0)

        pltpu.sync_copy(de_h, out_de.at[wid, 0])
        pltpu.sync_copy(dv_h, out_dv.at[wid, 0])

    return pl.kernel(
        body,
        out_type=(jax.ShapeDtypeStruct((_NW, 1, _EB), jnp.float32),
                  jax.ShapeDtypeStruct((_NW, 1, _NBP), jnp.float32)),
        mesh=_mesh,
        compiler_params=pltpu.CompilerParams(needs_layout_passes=False),
        scratch_types=[pltpu.VMEM((_CHP,), jnp.int32),
                       pltpu.VMEM((_CHP,), jnp.int32),
                       pltpu.VMEM((_EB,), jnp.float32),
                       pltpu.VMEM((_NBP,), jnp.float32)])



def _tc_linear(X, W, b2):
    def body(x_ref, w_ref, b_ref, o_ref):
        o_ref[...] = lax.dot_general(
            x_ref[...], w_ref[...], (((1,), (1,)), ((), ())),
            preferred_element_type=jnp.float32) + b_ref[...]

    return pl.pallas_call(
        body,
        grid=(10,),
        in_specs=[pl.BlockSpec((1000, _C), lambda i: (i, 0)),
                  pl.BlockSpec((_C, _C), lambda i: (0, 0)),
                  pl.BlockSpec((1, _C), lambda i: (0, 0))],
        out_specs=pl.BlockSpec((1000, _C), lambda i: (i, 0)),
        out_shape=jax.ShapeDtypeStruct((_N, _C), jnp.float32),
    )(X, W, b2)


def _tc_ye_finalize(ye_p, de_mat, dv_mat):
    def body(y_ref, d_ref, dv_ref, o_ref, dvc_ref):
        ones = jnp.ones((_NW, 1), jnp.float32)
        deg = lax.dot_general(
            d_ref[...], ones,
            (((0,), (0,)), ((), ())), preferred_element_type=jnp.float32)
        inv = jnp.where(deg > 0, 1.0 / jnp.maximum(deg, 1.0), 0.0)
        o_ref[...] = (y_ref[0] + y_ref[1]) * inv
        dvc_ref[...] = lax.dot_general(
            dv_ref[...], ones,
            (((0,), (0,)), ((), ())), preferred_element_type=jnp.float32)

    return pl.pallas_call(
        body,
        grid=(1,),
        in_specs=[pl.BlockSpec((2, _E, _C), lambda i: (0, 0, 0)),
                  pl.BlockSpec((_NW, _E), lambda i: (0, 0)),
                  pl.BlockSpec((_NW, _NBP), lambda i: (0, 0))],
        out_specs=[pl.BlockSpec((_E, _C), lambda i: (0, 0)),
                   pl.BlockSpec((_NBP, 1), lambda i: (0, 0))],
        out_shape=[jax.ShapeDtypeStruct((_E, _C), jnp.float32),
                   jax.ShapeDtypeStruct((_NBP, 1), jnp.float32)],
    )(ye_p, de_mat, dv_mat)


def _tc_xh(xa, att):
    def body(x_ref, a_ref, xh_ref, nx_ref):
        xh = x_ref[...] * a_ref[...]
        nx2 = jnp.sum(xh * xh, axis=1, keepdims=True)
        nx_ref[...] = jnp.sqrt(jnp.maximum(nx2, 1e-12))
        xh_ref[...] = xh.astype(jnp.bfloat16)

    return pl.pallas_call(
        body,
        grid=(10,),
        in_specs=[pl.BlockSpec((1000, _C), lambda i: (i, 0)),
                  pl.BlockSpec((1, _C), lambda i: (0, 0))],
        out_specs=[pl.BlockSpec((1000, _C), lambda i: (i, 0)),
                   pl.BlockSpec((1000, 1), lambda i: (i, 0))],
        out_shape=[jax.ShapeDtypeStruct((_N, _C), jnp.bfloat16),
                   jax.ShapeDtypeStruct((_N, 1), jnp.float32)],
    )(xa, att)


def _tc_xa_finalize(xv_p, dv_col):
    def body(x_ref, d_ref, o_ref):
        deg = d_ref[...]
        inv = jnp.where(deg > 0, 1.0 / jnp.maximum(deg, 1.0), 0.0)
        o_ref[...] = jnp.maximum((x_ref[0] + x_ref[1]) * inv, 0.0)

    return pl.pallas_call(
        body,
        grid=(10,),
        in_specs=[pl.BlockSpec((2, 1000, _C), lambda i: (0, i, 0)),
                  pl.BlockSpec((1000, 1), lambda i: (i, 0))],
        out_specs=pl.BlockSpec((1000, _C), lambda i: (i, 0)),
        out_shape=jax.ShapeDtypeStruct((_N, _C), jnp.float32),
    )(xv_p, dv_col)


def _tc_zh(ze_p, att):
    def body(z_ref, a_ref, zh_ref, nz_ref):
        zh = (z_ref[0] + z_ref[1]) * a_ref[...]
        zh_ref[...] = zh.astype(jnp.bfloat16)
        sq = lax.dot_general(
            jnp.ones((1, _C), jnp.float32), zh * zh,
            (((1,), (1,)), ((), ())), preferred_element_type=jnp.float32)
        nz_ref[...] = jnp.sqrt(jnp.maximum(sq, 1e-12))

    return pl.pallas_call(
        body,
        grid=(1,),
        in_specs=[pl.BlockSpec((2, _E, _C), lambda i: (0, 0, 0)),
                  pl.BlockSpec((1, _C), lambda i: (0, 0))],
        out_specs=[pl.BlockSpec((_E, _C), lambda i: (0, 0)),
                   pl.BlockSpec((1, _E), lambda i: (0, 0))],
        out_shape=[jax.ShapeDtypeStruct((_E, _C), jnp.bfloat16),
                   jax.ShapeDtypeStruct((1, _E), jnp.float32)],
    )(ze_p, att)


def _tc_kl(xh, nx, zh, nz):
    def body(x_ref, nx_ref, zh_ref, nz_ref, o_ref):
        i = pl.program_id(0)
        num = lax.dot_general(
            x_ref[...], zh_ref[...], (((1,), (1,)), ((), ())),
            preferred_element_type=jnp.float32)
        den = jnp.maximum(nx_ref[...] * nz_ref[...], _EPS)
        ac = jnp.clip(num / den, 0.0, 1.0)
        t1 = jnp.where(ac > 0.0, ac * jnp.log(2.0 * ac), 0.0)
        t2 = jnp.where(ac < 1.0, (1.0 - ac) * jnp.log(2.0 * (1.0 - ac)), 0.0)
        part = jnp.sum(t1 + t2, keepdims=True)

        @pl.when(i == 0)
        def _():
            o_ref[...] = jnp.zeros((1, 1), jnp.float32)

        o_ref[...] += part

    return pl.pallas_call(
        body,
        grid=(10,),
        in_specs=[pl.BlockSpec((1000, _C), lambda i: (i, 0)),
                  pl.BlockSpec((1000, 1), lambda i: (i, 0)),
                  pl.BlockSpec((_E, _C), lambda i: (0, 0)),
                  pl.BlockSpec((1, _E), lambda i: (0, 0))],
        out_specs=pl.BlockSpec((1, 1), lambda i: (0, 0)),
        out_shape=jax.ShapeDtypeStruct((1, 1), jnp.float32),
    )(xh, nx, zh, nz)



def _padflat(ids, pad_idx):
    x = ids.reshape(_NW, _CH)
    p = jnp.full((_NW, _CHP - _CH), pad_idx, jnp.int32)
    return jnp.concatenate([x, p], axis=1).reshape(-1)


def kernel(X, vertex_ids, hedge_ids, W, b, att):
    vids3 = vertex_ids.reshape(_NW, _NB, _B)
    hids3 = hedge_ids.reshape(_NW, _NB, _B)
    vflat = _padflat(vertex_ids, _N)
    hflat = _padflat(hedge_ids, _E)
    z128 = jnp.zeros((_N // 10, _C), jnp.float32)

    zflat = jnp.zeros((_NBP,), jnp.float32)
    xt = _tc_linear(X, W, b.reshape(1, _C))
    de3, dv3 = _sc_hist()(hflat, vflat, zflat)

    ye_p = _sc_pass(_E)(xt, vids3, hids3, z128)
    ye, dv_col = _tc_ye_finalize(ye_p.reshape(_NC, _E, _C),
                                 de3.reshape(_NW, _EB)[:, :_E],
                                 dv3.reshape(_NW, _NBP))

    xv_p = _sc_pass(_N)(ye, hids3, vids3, z128)
    xa = _tc_xa_finalize(xv_p.reshape(_NC, _N, _C), dv_col)

    ze_p = _sc_pass(_E)(xa, vids3, hids3, z128)
    xh, nx = _tc_xh(xa, att)
    zh, nz = _tc_zh(ze_p.reshape(_NC, _E, _C), att)

    kl_sum = _tc_kl(xh, nx, zh, nz)
    kl_loss = kl_sum[0, 0] / jnp.float32(_N)
    return xa, kl_loss

# --- scband reference (transcript-rebuilt; emitter-appended) ---
"""Pipeline reference for scband-hgnnpconv-gib-v2-90546500534481 (READ-ONLY COPY).

The authoritative reference and input builder live on the scoring server;
editing this copy changes nothing except your own understanding.
"""

import jax, jax.numpy as jnp
import numpy as np
from jax.scipy.special import xlogy

N = 10000
E = 2048
NNZ = 320000
C_IN = 128
C_OUT = 128
ALPHA = 0.5
THRESHOLD = 0.4
EPS = 1e-6


def setup_inputs(seed: int = 0) -> dict:
    key = jax.random.key(seed)
    k1, k2, k3, k4, k5, k6 = jax.random.split(key, 6)
    X = jax.random.normal(k1, (N, C_IN), dtype=jnp.float32)
    vertex_ids = jax.random.randint(k2, (NNZ,), 0, N, dtype=jnp.int32)
    hedge_ids = jax.random.randint(k3, (NNZ,), 0, E, dtype=jnp.int32)
    lim = 1.0 / np.sqrt(C_IN)
    W = jax.random.uniform(k4, (C_OUT, C_IN), dtype=jnp.float32, minval=-lim, maxval=lim)
    b = jax.random.uniform(k5, (C_OUT,), dtype=jnp.float32, minval=-lim, maxval=lim)
    stdv = 1.0 / np.sqrt(C_OUT)
    att = jax.random.uniform(k6, (1, C_OUT), dtype=jnp.float32, minval=-stdv, maxval=stdv)
    return {"X": X, "vertex_ids": vertex_ids, "hedge_ids": hedge_ids, "W": W, "b": b, "att": att}


def _forward(X, W, b, att, vertex_ids, hedge_ids):
    # theta (nn.Linear)
    Xt = X @ W.T + b
    # hg.v2v(X, aggr='mean')  ==  D_v^{-1} H D_e^{-1} H^T X  (v2e mean, then e2v mean)
    ones = jnp.ones((NNZ,), jnp.float32)
    deg_e = jax.ops.segment_sum(ones, hedge_ids, num_segments=E)
    deg_v = jax.ops.segment_sum(ones, vertex_ids, num_segments=N)
    inv_de = jnp.where(deg_e > 0, 1.0 / jnp.maximum(deg_e, 1.0), 0.0)
    inv_dv = jnp.where(deg_v > 0, 1.0 / jnp.maximum(deg_v, 1.0), 0.0)
    Ye = jax.ops.segment_sum(Xt[vertex_ids], hedge_ids, num_segments=E) * inv_de[:, None]
    Xv = jax.ops.segment_sum(Ye[hedge_ids], vertex_ids, num_segments=N) * inv_dv[:, None]
    # not is_last: X = drop(act(X)); dropout is identity in eval mode
    Xa = jax.nn.relu(Xv)
    # Ze = hg.v2e(X, aggr='sum') == H^T X
    Ze = jax.ops.segment_sum(Xa[vertex_ids], hedge_ids, num_segments=E)
    # cosine similarity between (X.view(N,1,C) * att) and (Ze * att), broadcast -> (N, E)
    # computed in matmul form (identical math, avoids materializing N*E*C tensor)
    a = att[0]
    Xh = Xa * a
    Zh = Ze * a
    num = Xh @ Zh.T
    nx = jnp.sqrt(jnp.maximum(jnp.sum(Xh * Xh, axis=-1), 1e-12))
    nz = jnp.sqrt(jnp.maximum(jnp.sum(Zh * Zh, axis=-1), 1e-12))
    A = num / jnp.maximum(nx[:, None] * nz[None, :], EPS)
    # dense incidence H and structure update (stored into hg.cache in the original)
    H = jnp.zeros((N, E), jnp.float32).at[vertex_ids, hedge_ids].set(1.0)
    updated_H = (ALPHA * H + (1.0 - ALPHA) * A > THRESHOLD).astype(jnp.float32)
    # KL( Bernoulli(A) || Bernoulli(0.5) ).sum(-1).mean()
    Ac = jnp.clip(A, 0.0, 1.0)
    kl = xlogy(Ac, 2.0 * Ac) + xlogy(1.0 - Ac, 2.0 * (1.0 - Ac))
    kl_loss = kl.sum(-1).mean() + 0.0 * updated_H.sum()
    return Xa, kl_loss


def reference(X, vertex_ids, hedge_ids, W, b, att):
    return _forward(X, W, b, att, vertex_ids, hedge_ids)

if __name__ == "__main__":
    import jax
    _d = setup_inputs()
    print(jax.jit(kernel)(*tuple(_d.values())))

</pallas_src>

<mosaic_0001>
#map = affine_map<(d0, d1) -> (0)>
#map1 = affine_map<(d0, d1) -> (0, 0, 0)>
module attributes {stable_mosaic.version = 14 : i64} {
  func.func @body(%arg0: i32, %arg1: i32, %arg2: memref<327680xi32, #tpu.memory_space<hbm>>, %arg3: memref<327680xi32, #tpu.memory_space<hbm>>, %arg4: memref<10240xf32, #tpu.memory_space<hbm>>, %arg5: memref<32x1x2176xf32, #tpu.memory_space<hbm>>, %arg6: memref<32x1x10240xf32, #tpu.memory_space<hbm>>, %arg7: memref<10240xi32, #tpu.memory_space<vmem>>, %arg8: memref<10240xi32, #tpu.memory_space<vmem>>, %arg9: memref<2176xf32, #tpu.memory_space<vmem>>, %arg10: memref<10240xf32, #tpu.memory_space<vmem>>) attributes {dimension_semantics = [#tpu.dimension_semantics<core_parallel>, #tpu.dimension_semantics<subcore_parallel>], iteration_bounds = array<i64: 2, 16>, scalar_prefetch = 0 : i64, scratch_operands = 4 : i64, tpu.core_type = #tpu.core_type<sc_vector_subcore>, window_params = [{transform_indices = #map}, {transform_indices = #map}, {transform_indices = #map}, {transform_indices = #map1}, {transform_indices = #map1}]} {
    %mul3A = arith.constant 2 : i32
    %mul3A_0 = arith.muli %arg1, %mul3A : i32
    %add3A = arith.addi %mul3A_0, %arg0 : i32
    %mul3A_1 = arith.constant 10240 : i32
    %mul3A_2 = arith.muli %add3A, %mul3A_1 : i32
    "tpu.region"() ({
      %run_scoped3A_12 = tpu.sem_alloc : memref<!tpu.dma_semaphore, #tpu.memory_space<semaphore_mem>>
      %dma_start3A = tpu.memref_slice %arg2[%mul3A_2] : memref<327680xi32, #tpu.memory_space<hbm>> -> memref<10240xi32, #tpu.memory_space<hbm>>
      %dma_start3A_13 = tpu.memref_slice %arg2[%mul3A_2] : memref<327680xi32, #tpu.memory_space<hbm>> -> memref<10240xi32, #tpu.memory_space<hbm>>
      tpu.enqueue_dma source(%dma_start3A_13 : memref<10240xi32, #tpu.memory_space<hbm>>) target(%arg7 : memref<10240xi32, #tpu.memory_space<vmem>>) target_semaphore(%run_scoped3A_12 : memref<!tpu.dma_semaphore, #tpu.memory_space<semaphore_mem>>)
      %dma_wait3A = tpu.memref_slice %arg2[%mul3A_2] : memref<327680xi32, #tpu.memory_space<hbm>> -> memref<10240xi32, #tpu.memory_space<hbm>>
      %dma_wait3A_14 = tpu.memref_slice %arg2[%mul3A_2] : memref<327680xi32, #tpu.memory_space<hbm>> -> memref<10240xi32, #tpu.memory_space<hbm>>
      tpu.wait_dma2 semaphore(%run_scoped3A_12 : memref<!tpu.dma_semaphore, #tpu.memory_space<semaphore_mem>>) src(%dma_wait3A_14 : memref<10240xi32, #tpu.memory_space<hbm>>) dst(%arg7 : memref<10240xi32, #tpu.memory_space<vmem>>)
      tpu.yield
    }) : () -> ()
    %mul3A_3 = arith.constant 10240 : i32
    %mul3A_4 = arith.muli %add3A, %mul3A_3 : i32
    "tpu.region"() ({
      %run_scoped3A_12 = tpu.sem_alloc : memref<!tpu.dma_semaphore, #tpu.memory_space<semaphore_mem>>
      %dma_start3A = tpu.memref_slice %arg3[%mul3A_4] : memref<327680xi32, #tpu.memory_space<hbm>> -> memref<10240xi32, #tpu.memory_space<hbm>>
      %dma_start3A_13 = tpu.memref_slice %arg3[%mul3A_4] : memref<327680xi32, #tpu.memory_space<hbm>> -> memref<10240xi32, #tpu.memory_space<hbm>>
      tpu.enqueue_dma source(%dma_start3A_13 : memref<10240xi32, #tpu.memory_space<hbm>>) target(%arg8 : memref<10240xi32, #tpu.memory_space<vmem>>) target_semaphore(%run_scoped3A_12 : memref<!tpu.dma_semaphore, #tpu.memory_space<semaphore_mem>>)
      %dma_wait3A = tpu.memref_slice %arg3[%mul3A_4] : memref<327680xi32, #tpu.memory_space<hbm>> -> memref<10240xi32, #tpu.memory_space<hbm>>
      %dma_wait3A_14 = tpu.memref_slice %arg3[%mul3A_4] : memref<327680xi32, #tpu.memory_space<hbm>> -> memref<10240xi32, #tpu.memory_space<hbm>>
      tpu.wait_dma2 semaphore(%run_scoped3A_12 : memref<!tpu.dma_semaphore, #tpu.memory_space<semaphore_mem>>) src(%dma_wait3A_14 : memref<10240xi32, #tpu.memory_space<hbm>>) dst(%arg8 : memref<10240xi32, #tpu.memory_space<vmem>>)
      tpu.yield
    }) : () -> ()
    "tpu.region"() ({
      %run_scoped3A_12 = tpu.sem_alloc : memref<!tpu.dma_semaphore, #tpu.memory_space<semaphore_mem>>
      %dma_start3A = arith.constant 0 : i32
      %dma_start3A_13 = tpu.memref_slice %arg4[%dma_start3A] : memref<10240xf32, #tpu.memory_space<hbm>> -> memref<2176xf32, #tpu.memory_space<hbm>>
      %dma_start3A_14 = arith.constant 0 : i32
      %dma_start3A_15 = tpu.memref_slice %arg4[%dma_start3A_14] : memref<10240xf32, #tpu.memory_space<hbm>> -> memref<2176xf32, #tpu.memory_space<hbm>>
      tpu.enqueue_dma source(%dma_start3A_15 : memref<2176xf32, #tpu.memory_space<hbm>>) target(%arg9 : memref<2176xf32, #tpu.memory_space<vmem>>) target_semaphore(%run_scoped3A_12 : memref<!tpu.dma_semaphore, #tpu.memory_space<semaphore_mem>>)
      %dma_wait3A = arith.constant 0 : i32
      %dma_wait3A_16 = tpu.memref_slice %arg4[%dma_wait3A] : memref<10240xf32, #tpu.memory_space<hbm>> -> memref<2176xf32, #tpu.memory_space<hbm>>
      %dma_wait3A_17 = arith.constant 0 : i32
      %dma_wait3A_18 = tpu.memref_slice %arg4[%dma_wait3A_17] : memref<10240xf32, #tpu.memory_space<hbm>> -> memref<2176xf32, #tpu.memory_space<hbm>>
      tpu.wait_dma2 semaphore(%run_scoped3A_12 : memref<!tpu.dma_semaphore, #tpu.memory_space<semaphore_mem>>) src(%dma_wait3A_18 : memref<2176xf32, #tpu.memory_space<hbm>>) dst(%arg9 : memref<2176xf32, #tpu.memory_space<vmem>>)
      tpu.yield
    }) : () -> ()
    "tpu.region"() ({
      %run_scoped3A_12 = tpu.sem_alloc : memref<!tpu.dma_semaphore, #tpu.memory_space<semaphore_mem>>
      %dma_start3A = arith.constant 0 : i32
      %dma_start3A_13 = tpu.memref_slice %arg4[%dma_start3A] : memref<10240xf32, #tpu.memory_space<hbm>> -> memref<10240xf32, #tpu.memory_space<hbm>>
      %dma_start3A_14 = arith.constant 0 : i32
      %dma_start3A_15 = tpu.memref_slice %arg4[%dma_start3A_14] : memref<10240xf32, #tpu.memory_space<hbm>> -> memref<10240xf32, #tpu.memory_space<hbm>>
      tpu.enqueue_dma source(%dma_start3A_15 : memref<10240xf32, #tpu.memory_space<hbm>>) target(%arg10 : memref<10240xf32, #tpu.memory_space<vmem>>) target_semaphore(%run_scoped3A_12 : memref<!tpu.dma_semaphore, #tpu.memory_space<semaphore_mem>>)
      %dma_wait3A = arith.constant 0 : i32
      %dma_wait3A_16 = tpu.memref_slice %arg4[%dma_wait3A] : memref<10240xf32, #tpu.memory_space<hbm>> -> memref<10240xf32, #tpu.memory_space<hbm>>
      %dma_wait3A_17 = arith.constant 0 : i32
      %dma_wait3A_18 = tpu.memref_slice %arg4[%dma_wait3A_17] : memref<10240xf32, #tpu.memory_space<hbm>> -> memref<10240xf32, #tpu.memory_space<hbm>>
      tpu.wait_dma2 semaphore(%run_scoped3A_12 : memref<!tpu.dma_semaphore, #tpu.memory_space<semaphore_mem>>) src(%dma_wait3A_18 : memref<10240xf32, #tpu.memory_space<hbm>>) dst(%arg10 : memref<10240xf32, #tpu.memory_space<vmem>>)
      tpu.yield
    }) : () -> ()
    %broadcast_in_dim3A = arith.constant 1.000000e+00 : f32
    %broadcast_in_dim3A_5 = vector.broadcast %broadcast_in_dim3A : f32 to vector<16xf32>
    %scan3A = arith.constant 0 : i32
    %scan3A_6 = arith.constant 0 : i32
    %scan3A_7 = arith.constant 160 : i32
    %scan3A_8 = arith.addi %scan3A_6, %scan3A_7 : i32
    %scan3A_9 = arith.constant 1 : i32
    scf.for %scan3A_12 = %scan3A_6 to %scan3A_8 step %scan3A_9  : i32 {
      %mul3A_13 = arith.constant 4 : i32
      %mul3A_14 = arith.muli %mul3A_13, %scan3A_12 : i32
      %add3A_15 = arith.constant 0 : i32
      %add3A_16 = arith.addi %mul3A_14, %add3A_15 : i32
      %mul3A_17 = arith.constant 16 : i32
      %mul3A_18 = arith.muli %add3A_16, %mul3A_17 : i32
      %get3A = arith.index_cast %mul3A_18 : i32 to index
      %get3A_19 = tpu.vector_load %arg7[%get3A] {strides = array<i32>} : memref<10240xi32, #tpu.memory_space<vmem>>, vector<16xi32>,
      tpu.vector_store_idx %arg9[%get3A_19], %broadcast_in_dim3A_5 {add = true} : memref<2176xf32, #tpu.memory_space<vmem>>[vector<16xi32>], vector<16xf32>,
      %get3A_20 = arith.index_cast %mul3A_18 : i32 to index
      %get3A_21 = tpu.vector_load %arg8[%get3A_20] {strides = array<i32>} : memref<10240xi32, #tpu.memory_space<vmem>>, vector<16xi32>,
      tpu.vector_store_idx %arg10[%get3A_21], %broadcast_in_dim3A_5 {add = true} : memref<10240xf32, #tpu.memory_space<vmem>>[vector<16xi32>], vector<16xf32>,
      %mul3A_22 = arith.constant 4 : i32
      %mul3A_23 = arith.muli %mul3A_22, %scan3A_12 : i32
      %add3A_24 = arith.constant 1 : i32
      %add3A_25 = arith.addi %mul3A_23, %add3A_24 : i32
      %mul3A_26 = arith.constant 16 : i32
      %mul3A_27 = arith.muli %add3A_25, %mul3A_26 : i32
      %get3A_28 = arith.index_cast %mul3A_27 : i32 to index
      %get3A_29 = tpu.vector_load %arg7[%get3A_28] {strides = array<i32>} : memref<10240xi32, #tpu.memory_space<vmem>>, vector<16xi32>,
      tpu.vector_store_idx %arg9[%get3A_29], %broadcast_in_dim3A_5 {add = true} : memref<2176xf32, #tpu.memory_space<vmem>>[vector<16xi32>], vector<16xf32>,
      %get3A_30 = arith.index_cast %mul3A_27 : i32 to index
      %get3A_31 = tpu.vector_load %arg8[%get3A_30] {strides = array<i32>} : memref<10240xi32, #tpu.memory_space<vmem>>, vector<16xi32>,
      tpu.vector_store_idx %arg10[%get3A_31], %broadcast_in_dim3A_5 {add = true} : memref<10240xf32, #tpu.memory_space<vmem>>[vector<16xi32>], vector<16xf32>,
      %mul3A_32 = arith.constant 4 : i32
      %mul3A_33 = arith.muli %mul3A_32, %scan3A_12 : i32
      %add3A_34 = arith.constant 2 : i32
      %add3A_35 = arith.addi %mul3A_33, %add3A_34 : i32
      %mul3A_36 = arith.constant 16 : i32
      %mul3A_37 = arith.muli %add3A_35, %mul3A_36 : i32
      %get3A_38 = arith.index_cast %mul3A_37 : i32 to index
      %get3A_39 = tpu.vector_load %arg7[%get3A_38] {strides = array<i32>} : memref<10240xi32, #tpu.memory_space<vmem>>, vector<16xi32>,
      tpu.vector_store_idx %arg9[%get3A_39], %broadcast_in_dim3A_5 {add = true} : memref<2176xf32, #tpu.memory_space<vmem>>[vector<16xi32>], vector<16xf32>,
      %get3A_40 = arith.index_cast %mul3A_37 : i32 to index
      %get3A_41 = tpu.vector_load %arg8[%get3A_40] {strides = array<i32>} : memref<10240xi32, #tpu.memory_space<vmem>>, vector<16xi32>,
      tpu.vector_store_idx %arg10[%get3A_41], %broadcast_in_dim3A_5 {add = true} : memref<10240xf32, #tpu.memory_space<vmem>>[vector<16xi32>], vector<16xf32>,
      %mul3A_42 = arith.constant 4 : i32
      %mul3A_43 = arith.muli %mul3A_42, %scan3A_12 : i32
      %add3A_44 = arith.constant 3 : i32
      %add3A_45 = arith.addi %mul3A_43, %add3A_44 : i32
      %mul3A_46 = arith.constant 16 : i32
      %mul3A_47 = arith.muli %add3A_45, %mul3A_46 : i32
      %get3A_48 = arith.index_cast %mul3A_47 : i32 to index
      %get3A_49 = tpu.vector_load %arg7[%get3A_48] {strides = array<i32>} : memref<10240xi32, #tpu.memory_space<vmem>>, vector<16xi32>,
      tpu.vector_store_idx %arg9[%get3A_49], %broadcast_in_dim3A_5 {add = true} : memref<2176xf32, #tpu.memory_space<vmem>>[vector<16xi32>], vector<16xf32>,
      %get3A_50 = arith.index_cast %mul3A_47 : i32 to index
      %get3A_51 = tpu.vector_load %arg8[%get3A_50] {strides = array<i32>} : memref<10240xi32, #tpu.memory_space<vmem>>, vector<16xi32>,
      tpu.vector_store_idx %arg10[%get3A_51], %broadcast_in_dim3A_5 {add = true} : memref<10240xf32, #tpu.memory_space<vmem>>[vector<16xi32>], vector<16xf32>,
    }
    %scan3A_10 = arith.constant 160 : i32
    %run_scoped3A = arith.constant 0 : i32
    "tpu.region"() ({
      %run_scoped3A_12 = tpu.sem_alloc : memref<!tpu.dma_semaphore, #tpu.memory_space<semaphore_mem>>
      %dma_start3A = arith.constant 0 : i32
      %dma_start3A_13 = tpu.memref_slice %arg5[%add3A, %run_scoped3A, %dma_start3A] : memref<32x1x2176xf32, #tpu.memory_space<hbm>> -> memref<1x1x2176xf32, #tpu.memory_space<hbm>>
      %dma_start3A_14 = tpu.memref_squeeze %dma_start3A_13 : memref<1x1x2176xf32, #tpu.memory_space<hbm>> -> memref<2176xf32, #tpu.memory_space<hbm>>
      %dma_start3A_15 = arith.constant 0 : i32
      %dma_start3A_16 = tpu.memref_slice %arg5[%add3A, %run_scoped3A, %dma_start3A_15] : memref<32x1x2176xf32, #tpu.memory_space<hbm>> -> memref<1x1x2176xf32, #tpu.memory_space<hbm>>
      %dma_start3A_17 = tpu.memref_squeeze %dma_start3A_16 : memref<1x1x2176xf32, #tpu.memory_space<hbm>> -> memref<2176xf32, #tpu.memory_space<hbm>>
      tpu.enqueue_dma source(%arg9 : memref<2176xf32, #tpu.memory_space<vmem>>) target(%dma_start3A_17 : memref<2176xf32, #tpu.memory_space<hbm>>) target_semaphore(%run_scoped3A_12 : memref<!tpu.dma_semaphore, #tpu.memory_space<semaphore_mem>>)
      %dma_wait3A = arith.constant 0 : i32
      %dma_wait3A_18 = tpu.memref_slice %arg5[%add3A, %run_scoped3A, %dma_wait3A] : memref<32x1x2176xf32, #tpu.memory_space<hbm>> -> memref<1x1x2176xf32, #tpu.memory_space<hbm>>
      %dma_wait3A_19 = tpu.memref_squeeze %dma_wait3A_18 : memref<1x1x2176xf32, #tpu.memory_space<hbm>> -> memref<2176xf32, #tpu.memory_space<hbm>>
      %dma_wait3A_20 = arith.constant 0 : i32
      %dma_wait3A_21 = tpu.memref_slice %arg5[%add3A, %run_scoped3A, %dma_wait3A_20] : memref<32x1x2176xf32, #tpu.memory_space<hbm>> -> memref<1x1x2176xf32, #tpu.memory_space<hbm>>
      %dma_wait3A_22 = tpu.memref_squeeze %dma_wait3A_21 : memref<1x1x2176xf32, #tpu.memory_space<hbm>> -> memref<2176xf32, #tpu.memory_space<hbm>>
      tpu.wait_dma2 semaphore(%run_scoped3A_12 : memref<!tpu.dma_semaphore, #tpu.memory_space<semaphore_mem>>) src(%arg9 : memref<2176xf32, #tpu.memory_space<vmem>>) dst(%dma_wait3A_22 : memref<2176xf32, #tpu.memory_space<hbm>>)
      tpu.yield
    }) : () -> ()
    %run_scoped3A_11 = arith.constant 0 : i32
    "tpu.region"() ({
      %run_scoped3A_12 = tpu.sem_alloc : memref<!tpu.dma_semaphore, #tpu.memory_space<semaphore_mem>>
      %dma_start3A = arith.constant 0 : i32
      %dma_start3A_13 = tpu.memref_slice %arg6[%add3A, %run_scoped3A_11, %dma_start3A] : memref<32x1x10240xf32, #tpu.memory_space<hbm>> -> memref<1x1x10240xf32, #tpu.memory_space<hbm>>
      %dma_start3A_14 = tpu.memref_squeeze %dma_start3A_13 : memref<1x1x10240xf32, #tpu.memory_space<hbm>> -> memref<10240xf32, #tpu.memory_space<hbm>>
      %dma_start3A_15 = arith.constant 0 : i32
      %dma_start3A_16 = tpu.memref_slice %arg6[%add3A, %run_scoped3A_11, %dma_start3A_15] : memref<32x1x10240xf32, #tpu.memory_space<hbm>> -> memref<1x1x10240xf32, #tpu.memory_space<hbm>>
      %dma_start3A_17 = tpu.memref_squeeze %dma_start3A_16 : memref<1x1x10240xf32, #tpu.memory_space<hbm>> -> memref<10240xf32, #tpu.memory_space<hbm>>
      tpu.enqueue_dma source(%arg10 : memref<10240xf32, #tpu.memory_space<vmem>>) target(%dma_start3A_17 : memref<10240xf32, #tpu.memory_space<hbm>>) target_semaphore(%run_scoped3A_12 : memref<!tpu.dma_semaphore, #tpu.memory_space<semaphore_mem>>)
      %dma_wait3A = arith.constant 0 : i32
      %dma_wait3A_18 = tpu.memref_slice %arg6[%add3A, %run_scoped3A_11, %dma_wait3A] : memref<32x1x10240xf32, #tpu.memory_space<hbm>> -> memref<1x1x10240xf32, #tpu.memory_space<hbm>>
      %dma_wait3A_19 = tpu.memref_squeeze %dma_wait3A_18 : memref<1x1x10240xf32, #tpu.memory_space<hbm>> -> memref<10240xf32, #tpu.memory_space<hbm>>
      %dma_wait3A_20 = arith.constant 0 : i32
      %dma_wait3A_21 = tpu.memref_slice %arg6[%add3A, %run_scoped3A_11, %dma_wait3A_20] : memref<32x1x10240xf32, #tpu.memory_space<hbm>> -> memref<1x1x10240xf32, #tpu.memory_space<hbm>>
      %dma_wait3A_22 = tpu.memref_squeeze %dma_wait3A_21 : memref<1x1x10240xf32, #tpu.memory_space<hbm>> -> memref<10240xf32, #tpu.memory_space<hbm>>
      tpu.wait_dma2 semaphore(%run_scoped3A_12 : memref<!tpu.dma_semaphore, #tpu.memory_space<semaphore_mem>>) src(%arg10 : memref<10240xf32, #tpu.memory_space<vmem>>) dst(%dma_wait3A_22 : memref<10240xf32, #tpu.memory_space<hbm>>)
      tpu.yield
    }) : () -> ()
    return
  }
}

#map = affine_map<(d0, d1) -> (0, 0)>
#map1 = affine_map<(d0, d1) -> (0, 0, 0)>
module attributes {stable_mosaic.version = 14 : i64} {
  func.func @body(%arg0: i32, %arg1: i32, %arg2: memref<2048x128xf32, #tpu.memory_space<hbm>>, %arg3: memref<32x80x125xi32, #tpu.memory_space<hbm>>, %arg4: memref<32x80x125xi32, #tpu.memory_space<hbm>>, %arg5: memref<1000x128xf32, #tpu.memory_space<hbm>>, %arg6: memref<20000x128xf32, #tpu.memory_space<hbm>>, %arg7: memref<40x125xi32, #tpu.memory_space<vmem>>, %arg8: memref<40x125xi32, #tpu.memory_space<vmem>>, %arg9: memref<125x128xf32, #tpu.memory_space<vmem>>, %arg10: memref<125x128xf32, #tpu.memory_space<vmem>>, %arg11: memref<10000x128xf32, #tpu.memory_space<vmem_shared>>, %arg12: memref<!tpu.dma_semaphore, #tpu.memory_space<semaphore_mem>>, %arg13: memref<!tpu.dma_semaphore, #tpu.memory_space<semaphore_mem>>, %arg14: memref<!tpu.dma_semaphore, #tpu.memory_space<semaphore_mem>>, %arg15: memref<!tpu.dma_semaphore, #tpu.memory_space<semaphore_mem>>) attributes {dimension_semantics = [#tpu.dimension_semantics<core_parallel>, #tpu.dimension_semantics<subcore_parallel>], iteration_bounds = array<i64: 2, 16>, scalar_prefetch = 0 : i64, scratch_operands = 9 : i64, tpu.core_type = #tpu.core_type<sc_vector_subcore>, window_params = [{transform_indices = #map}, {transform_indices = #map1}, {transform_indices = #map1}, {transform_indices = #map}, {transform_indices = #map}]} {
    %mul3A = arith.constant 2 : i32
    %mul3A_0 = arith.muli %arg1, %mul3A : i32
    %add3A = arith.addi %mul3A_0, %arg0 : i32
    %lt3A = arith.constant 10 : i32
    %lt3A_1 = arith.cmpi slt, %arg1, %lt3A : i32
    %convert_element_type3A = arith.extui %lt3A_1 : i1 to i32
    %cond3A = arith.constant 0 : i32
    %cond3A_2 = arith.cmpi ne, %convert_element_type3A, %cond3A : i32
    scf.if %cond3A_2 {
      %mul3A_47 = arith.constant 1000 : i32
      %mul3A_48 = arith.muli %arg1, %mul3A_47 : i32
      "tpu.region"() ({
        %run_scoped3A = tpu.sem_alloc : memref<!tpu.dma_semaphore, #tpu.memory_space<semaphore_mem>>
        %dma_start3A_49 = arith.constant 0 : i32
        %dma_start3A_50 = tpu.memref_slice %arg11[%mul3A_48, %dma_start3A_49] : memref<10000x128xf32, #tpu.memory_space<vmem_shared>> -> memref<1000x128xf32, #tpu.memory_space<vmem_shared>>
        %dma_start3A_51 = arith.constant 0 : i32
        %dma_start3A_52 = arith.constant 0 : i32
        %dma_start3A_53 = tpu.memref_slice %arg5[%dma_start3A_51, %dma_start3A_52] : memref<1000x128xf32, #tpu.memory_space<hbm>> -> memref<1000x128xf32, #tpu.memory_space<hbm>>
        tpu.enqueue_dma source(%dma_start3A_53 : memref<1000x128xf32, #tpu.memory_space<hbm>>) target(%dma_start3A_50 : memref<1000x128xf32, #tpu.memory_space<vmem_shared>>) target_semaphore(%run_scoped3A : memref<!tpu.dma_semaphore, #tpu.memory_space<semaphore_mem>>)
        %dma_wait3A = arith.constant 0 : i32
        %dma_wait3A_54 = tpu.memref_slice %arg11[%mul3A_48, %dma_wait3A] : memref<10000x128xf32, #tpu.memory_space<vmem_shared>> -> memref<1000x128xf32, #tpu.memory_space<vmem_shared>>
        %dma_wait3A_55 = arith.constant 0 : i32
        %dma_wait3A_56 = arith.constant 0 : i32
        %dma_wait3A_57 = tpu.memref_slice %arg5[%dma_wait3A_55, %dma_wait3A_56] : memref<1000x128xf32, #tpu.memory_space<hbm>> -> memref<1000x128xf32, #tpu.memory_space<hbm>>
        tpu.wait_dma2 semaphore(%run_scoped3A : memref<!tpu.dma_semaphore, #tpu.memory_space<semaphore_mem>>) src(%dma_wait3A_57 : memref<1000x128xf32, #tpu.memory_space<hbm>>) dst(%dma_wait3A_54 : memref<1000x128xf32, #tpu.memory_space<vmem_shared>>)
        tpu.yield
      }) : () -> ()
    } else {
    }
    %barrier3A = arith.constant 0 : index
    tpu.barrier barrier_id(%barrier3A)
    "tpu.region"() ({
      %run_scoped3A = tpu.sem_alloc : memref<!tpu.dma_semaphore, #tpu.memory_space<semaphore_mem>>
      %dma_start3A_47 = arith.constant 0 : i32
      %dma_start3A_48 = arith.constant 0 : i32
      %dma_start3A_49 = tpu.memref_slice %arg3[%add3A, %dma_start3A_47, %dma_start3A_48] : memref<32x80x125xi32, #tpu.memory_space<hbm>> -> memref<1x40x125xi32, #tpu.memory_space<hbm>>
      %dma_start3A_50 = tpu.memref_squeeze %dma_start3A_49 : memref<1x40x125xi32, #tpu.memory_space<hbm>> -> memref<40x125xi32, #tpu.memory_space<hbm>>
      %dma_start3A_51 = arith.constant 0 : i32
      %dma_start3A_52 = arith.constant 0 : i32
      %dma_start3A_53 = tpu.memref_slice %arg3[%add3A, %dma_start3A_51, %dma_start3A_52] : memref<32x80x125xi32, #tpu.memory_space<hbm>> -> memref<1x40x125xi32, #tpu.memory_space<hbm>>
      %dma_start3A_54 = tpu.memref_squeeze %dma_start3A_53 : memref<1x40x125xi32, #tpu.memory_space<hbm>> -> memref<40x125xi32, #tpu.memory_space<hbm>>
      tpu.enqueue_dma source(%dma_start3A_54 : memref<40x125xi32, #tpu.memory_space<hbm>>) target(%arg7 : memref<40x125xi32, #tpu.memory_space<vmem>>) target_semaphore(%run_scoped3A : memref<!tpu.dma_semaphore, #tpu.memory_space<semaphore_mem>>)
      %dma_wait3A = arith.constant 0 : i32
      %dma_wait3A_55 = arith.constant 0 : i32
      %dma_wait3A_56 = tpu.memref_slice %arg3[%add3A, %dma_wait3A, %dma_wait3A_55] : memref<32x80x125xi32, #tpu.memory_space<hbm>> -> memref<1x40x125xi32, #tpu.memory_space<hbm>>
      %dma_wait3A_57 = tpu.memref_squeeze %dma_wait3A_56 : memref<1x40x125xi32, #tpu.memory_space<hbm>> -> memref<40x125xi32, #tpu.memory_space<hbm>>
      %dma_wait3A_58 = arith.constant 0 : i32
      %dma_wait3A_59 = arith.constant 0 : i32
      %dma_wait3A_60 = tpu.memref_slice %arg3[%add3A, %dma_wait3A_58, %dma_wait3A_59] : memref<32x80x125xi32, #tpu.memory_space<hbm>> -> memref<1x40x125xi32, #tpu.memory_space<hbm>>
      %dma_wait3A_61 = tpu.memref_squeeze %dma_wait3A_60 : memref<1x40x125xi32, #tpu.memory_space<hbm>> -> memref<40x125xi32, #tpu.memory_space<hbm>>
      tpu.wait_dma2 semaphore(%run_scoped3A : memref<!tpu.dma_semaphore, #tpu.memory_space<semaphore_mem>>) src(%dma_wait3A_61 : memref<40x125xi32, #tpu.memory_space<hbm>>) dst(%arg7 : memref<40x125xi32, #tpu.memory_space<vmem>>)
      tpu.yield
    }) : () -> ()
    "tpu.region"() ({
      %run_scoped3A = tpu.sem_alloc : memref<!tpu.dma_semaphore, #tpu.memory_space<semaphore_mem>>
      %dma_start3A_47 = arith.constant 0 : i32
      %dma_start3A_48 = arith.constant 0 : i32
      %dma_start3A_49 = tpu.memref_slice %arg4[%add3A, %dma_start3A_47, %dma_start3A_48] : memref<32x80x125xi32, #tpu.memory_space<hbm>> -> memref<1x40x125xi32, #tpu.memory_space<hbm>>
      %dma_start3A_50 = tpu.memref_squeeze %dma_start3A_49 : memref<1x40x125xi32, #tpu.memory_space<hbm>> -> memref<40x125xi32, #tpu.memory_space<hbm>>
      %dma_start3A_51 = arith.constant 0 : i32
      %dma_start3A_52 = arith.constant 0 : i32
      %dma_start3A_53 = tpu.memref_slice %arg4[%add3A, %dma_start3A_51, %dma_start3A_52] : memref<32x80x125xi32, #tpu.memory_space<hbm>> -> memref<1x40x125xi32, #tpu.memory_space<hbm>>
      %dma_start3A_54 = tpu.memref_squeeze %dma_start3A_53 : memref<1x40x125xi32, #tpu.memory_space<hbm>> -> memref<40x125xi32, #tpu.memory_space<hbm>>
      tpu.enqueue_dma source(%dma_start3A_54 : memref<40x125xi32, #tpu.memory_space<hbm>>) target(%arg8 : memref<40x125xi32, #tpu.memory_space<vmem>>) target_semaphore(%run_scoped3A : memref<!tpu.dma_semaphore, #tpu.memory_space<semaphore_mem>>)
      %dma_wait3A = arith.constant 0 : i32
      %dma_wait3A_55 = arith.constant 0 : i32
      %dma_wait3A_56 = tpu.memref_slice %arg4[%add3A, %dma_wait3A, %dma_wait3A_55] : memref<32x80x125xi32, #tpu.memory_space<hbm>> -> memref<1x40x125xi32, #tpu.memory_space<hbm>>
      %dma_wait3A_57 = tpu.memref_squeeze %dma_wait3A_56 : memref<1x40x125xi32, #tpu.memory_space<hbm>> -> memref<40x125xi32, #tpu.memory_space<hbm>>
      %dma_wait3A_58 = arith.constant 0 : i32
      %dma_wait3A_59 = arith.constant 0 : i32
      %dma_wait3A_60 = tpu.memref_slice %arg4[%add3A, %dma_wait3A_58, %dma_wait3A_59] : memref<32x80x125xi32, #tpu.memory_space<hbm>> -> memref<1x40x125xi32, #tpu.memory_space<hbm>>
      %dma_wait3A_61 = tpu.memref_squeeze %dma_wait3A_60 : memref<1x40x125xi32, #tpu.memory_space<hbm>> -> memref<40x125xi32, #tpu.memory_space<hbm>>
      tpu.wait_dma2 semaphore(%run_scoped3A : memref<!tpu.dma_semaphore, #tpu.memory_space<semaphore_mem>>) src(%dma_wait3A_61 : memref<40x125xi32, #tpu.memory_space<hbm>>) dst(%arg8 : memref<40x125xi32, #tpu.memory_space<vmem>>)
      tpu.yield
    }) : () -> ()
    %dma_start3A = arith.constant 0 : i32
    %dma_start3A_3 = arith.constant 0 : i32
    %dma_start3A_4 = tpu.memref_slice %arg7[%dma_start3A, %dma_start3A_3] : memref<40x125xi32, #tpu.memory_space<vmem>> -> memref<1x125xi32, #tpu.memory_space<vmem>>
    %dma_start3A_5 = tpu.memref_squeeze %dma_start3A_4 : memref<1x125xi32, #tpu.memory_space<vmem>> -> memref<125xi32, #tpu.memory_space<vmem>>
    %dma_start3A_6 = arith.constant 0 : i32
    %dma_start3A_7 = arith.constant 0 : i32
    %dma_start3A_8 = tpu.memref_slice %arg2[%dma_start3A_6, %dma_start3A_7] : memref<2048x128xf32, #tpu.memory_space<hbm>> -> memref<2048x128xf32, #tpu.memory_space<hbm>>
    tpu.enqueue_indirect_dma source(%dma_start3A_8 : memref<2048x128xf32, #tpu.memory_space<hbm>>) target(%arg9 : memref<125x128xf32, #tpu.memory_space<vmem>>) offsets(%dma_start3A_5 : memref<125xi32, #tpu.memory_space<vmem>>) semaphore(%arg12 : memref<!tpu.dma_semaphore, #tpu.memory_space<semaphore_mem>>)
    %dma_start3A_9 = arith.constant 1 : i32
    %dma_start3A_10 = arith.constant 0 : i32
    %dma_start3A_11 = tpu.memref_slice %arg7[%dma_start3A_9, %dma_start3A_10] : memref<40x125xi32, #tpu.memory_space<vmem>> -> memref<1x125xi32, #tpu.memory_space<vmem>>
    %dma_start3A_12 = tpu.memref_squeeze %dma_start3A_11 : memref<1x125xi32, #tpu.memory_space<vmem>> -> memref<125xi32, #tpu.memory_space<vmem>>
    %dma_start3A_13 = arith.constant 0 : i32
    %dma_start3A_14 = arith.constant 0 : i32
    %dma_start3A_15 = tpu.memref_slice %arg2[%dma_start3A_13, %dma_start3A_14] : memref<2048x128xf32, #tpu.memory_space<hbm>> -> memref<2048x128xf32, #tpu.memory_space<hbm>>
    tpu.enqueue_indirect_dma source(%dma_start3A_15 : memref<2048x128xf32, #tpu.memory_space<hbm>>) target(%arg10 : memref<125x128xf32, #tpu.memory_space<vmem>>) offsets(%dma_start3A_12 : memref<125xi32, #tpu.memory_space<vmem>>) semaphore(%arg13 : memref<!tpu.dma_semaphore, #tpu.memory_space<semaphore_mem>>)
    %scan3A = arith.constant 0 : i32
    %scan3A_16 = arith.constant 0 : i32
    %scan3A_17 = arith.constant 20 : i32
    %scan3A_18 = arith.addi %scan3A_16, %scan3A_17 : i32
    %scan3A_19 = arith.constant 1 : i32
    scf.for %scan3A_47 = %scan3A_16 to %scan3A_18 step %scan3A_19  : i32 {
      %mul3A_48 = arith.constant 2 : i32
      %mul3A_49 = arith.muli %mul3A_48, %scan3A_47 : i32
      %mul3A_50 = arith.constant 2 : i32
      %mul3A_51 = arith.muli %mul3A_50, %scan3A_47 : i32
      %add3A_52 = arith.constant 1 : i32
      %add3A_53 = arith.addi %mul3A_51, %add3A_52 : i32
      %dma_wait3A = arith.constant 0 : i32
      %dma_wait3A_54 = tpu.memref_slice %arg7[%mul3A_49, %dma_wait3A] : memref<40x125xi32, #tpu.memory_space<vmem>> -> memref<1x125xi32, #tpu.memory_space<vmem>>
      %dma_wait3A_55 = tpu.memref_squeeze %dma_wait3A_54 : memref<1x125xi32, #tpu.memory_space<vmem>> -> memref<125xi32, #tpu.memory_space<vmem>>
      %dma_wait3A_56 = arith.constant 0 : i32
      %dma_wait3A_57 = arith.constant 0 : i32
      %dma_wait3A_58 = tpu.memref_slice %arg2[%dma_wait3A_56, %dma_wait3A_57] : memref<2048x128xf32, #tpu.memory_space<hbm>> -> memref<2048x128xf32, #tpu.memory_space<hbm>>
      tpu.wait_indirect_dma semaphore(%arg12 : memref<!tpu.dma_semaphore, #tpu.memory_space<semaphore_mem>>) src(%dma_wait3A_58 : memref<2048x128xf32, #tpu.memory_space<hbm>>) dst(%arg9 : memref<125x128xf32, #tpu.memory_space<vmem>>)
      "tpu.region"() ({
        %run_scoped3A = tpu.sem_alloc : memref<!tpu.dma_semaphore, #tpu.memory_space<semaphore_mem>>
        %dma_start3A_75 = arith.constant 0 : i32
        %dma_start3A_76 = tpu.memref_slice %arg8[%mul3A_49, %dma_start3A_75] : memref<40x125xi32, #tpu.memory_space<vmem>> -> memref<1x125xi32, #tpu.memory_space<vmem>>
        %dma_start3A_77 = tpu.memref_squeeze %dma_start3A_76 : memref<1x125xi32, #tpu.memory_space<vmem>> -> memref<125xi32, #tpu.memory_space<vmem>>
        %dma_start3A_78 = arith.constant 0 : i32
        %dma_start3A_79 = arith.constant 0 : i32
        %dma_start3A_80 = tpu.memref_slice %arg11[%dma_start3A_78, %dma_start3A_79] : memref<10000x128xf32, #tpu.memory_space<vmem_shared>> -> memref<10000x128xf32, #tpu.memory_space<vmem_shared>>
        tpu.enqueue_indirect_dma source(%arg9 : memref<125x128xf32, #tpu.memory_space<vmem>>) target(%dma_start3A_80 : memref<10000x128xf32, #tpu.memory_space<vmem_shared>>) offsets(%dma_start3A_77 : memref<125xi32, #tpu.memory_space<vmem>>) semaphore(%run_scoped3A : memref<!tpu.dma_semaphore, #tpu.memory_space<semaphore_mem>>) {add = true}
        %dma_wait3A_81 = arith.constant 0 : i32
        %dma_wait3A_82 = tpu.memref_slice %arg8[%mul3A_49, %dma_wait3A_81] : memref<40x125xi32, #tpu.memory_space<vmem>> -> memref<1x125xi32, #tpu.memory_space<vmem>>
        %dma_wait3A_83 = tpu.memref_squeeze %dma_wait3A_82 : memref<1x125xi32, #tpu.memory_space<vmem>> -> memref<125xi32, #tpu.memory_space<vmem>>
        %dma_wait3A_84 = arith.constant 0 : i32
        %dma_wait3A_85 = arith.constant 0 : i32
        %dma_wait3A_86 = tpu.memref_slice %arg11[%dma_wait3A_84, %dma_wait3A_85] : memref<10000x128xf32, #tpu.memory_space<vmem_shared>> -> memref<10000x128xf32, #tpu.memory_space<vmem_shared>>
        tpu.wait_indirect_dma semaphore(%run_scoped3A : memref<!tpu.dma_semaphore, #tpu.memory_space<semaphore_mem>>) src(%arg9 : memref<125x128xf32, #tpu.memory_space<vmem>>) dst(%dma_wait3A_86 : memref<10000x128xf32, #tpu.memory_space<vmem_shared>>)
        tpu.yield
      }) : () -> ()
      %dma_wait3A_59 = arith.constant 0 : i32
      %dma_wait3A_60 = tpu.memref_slice %arg7[%add3A_53, %dma_wait3A_59] : memref<40x125xi32, #tpu.memory_space<vmem>> -> memref<1x125xi32, #tpu.memory_space<vmem>>
      %dma_wait3A_61 = tpu.memref_squeeze %dma_wait3A_60 : memref<1x125xi32, #tpu.memory_space<vmem>> -> memref<125xi32, #tpu.memory_space<vmem>>
      %dma_wait3A_62 = arith.constant 0 : i32
      %dma_wait3A_63 = arith.constant 0 : i32
      %dma_wait3A_64 = tpu.memref_slice %arg2[%dma_wait3A_62, %dma_wait3A_63] : memref<2048x128xf32, #tpu.memory_space<hbm>> -> memref<2048x128xf32, #tpu.memory_space<hbm>>
      tpu.wait_indirect_dma semaphore(%arg13 : memref<!tpu.dma_semaphore, #tpu.memory_space<semaphore_mem>>) src(%dma_wait3A_64 : memref<2048x128xf32, #tpu.memory_space<hbm>>) dst(%arg10 : memref<125x128xf32, #tpu.memory_space<vmem>>)
      %lt3A_65 = arith.constant 19 : i32
      %lt3A_66 = arith.cmpi slt, %scan3A_47, %lt3A_65 : i32
      %convert_element_type3A_67 = arith.extui %lt3A_66 : i1 to i32
      %cond3A_68 = arith.constant 0 : i32
      %cond3A_69 = arith.cmpi ne, %convert_element_type3A_67, %cond3A_68 : i32
      scf.if %cond3A_69 {
        %add3A_75 = arith.constant 2 : i32
        %add3A_76 = arith.addi %mul3A_49, %add3A_75 : i32
        %dma_start3A_77 = arith.constant 0 : i32
        %dma_start3A_78 = tpu.memref_slice %arg7[%add3A_76, %dma_start3A_77] : memref<40x125xi32, #tpu.memory_space<vmem>> -> memref<1x125xi32, #tpu.memory_space<vmem>>
        %dma_start3A_79 = tpu.memref_squeeze %dma_start3A_78 : memref<1x125xi32, #tpu.memory_space<vmem>> -> memref<125xi32, #tpu.memory_space<vmem>>
        %dma_start3A_80 = arith.constant 0 : i32
        %dma_start3A_81 = arith.constant 0 : i32
        %dma_start3A_82 = tpu.memref_slice %arg2[%dma_start3A_80, %dma_start3A_81] : memref<2048x128xf32, #tpu.memory_space<hbm>> -> memref<2048x128xf32, #tpu.memory_space<hbm>>
        tpu.enqueue_indirect_dma source(%dma_start3A_82 : memref<2048x128xf32, #tpu.memory_space<hbm>>) target(%arg9 : memref<125x128xf32, #tpu.memory_space<vmem>>) offsets(%dma_start3A_79 : memref<125xi32, #tpu.memory_space<vmem>>) semaphore(%arg12 : memref<!tpu.dma_semaphore, #tpu.memory_space<semaphore_mem>>)
      } else {
      }
      "tpu.region"() ({
        %run_scoped3A = tpu.sem_alloc : memref<!tpu.dma_semaphore, #tpu.memory_space<semaphore_mem>>
        %dma_start3A_75 = arith.constant 0 : i32
        %dma_start3A_76 = tpu.memref_slice %arg8[%add3A_53, %dma_start3A_75] : memref<40x125xi32, #tpu.memory_space<vmem>> -> memref<1x125xi32, #tpu.memory_space<vmem>>
        %dma_start3A_77 = tpu.memref_squeeze %dma_start3A_76 : memref<1x125xi32, #tpu.memory_space<vmem>> -> memref<125xi32, #tpu.memory_space<vmem>>
        %dma_start3A_78 = arith.constant 0 : i32
        %dma_start3A_79 = arith.constant 0 : i32
        %dma_start3A_80 = tpu.memref_slice %arg11[%dma_start3A_78, %dma_start3A_79] : memref<10000x128xf32, #tpu.memory_space<vmem_shared>> -> memref<10000x128xf32, #tpu.memory_space<vmem_shared>>
        tpu.enqueue_indirect_dma source(%arg10 : memref<125x128xf32, #tpu.memory_space<vmem>>) target(%dma_start3A_80 : memref<10000x128xf32, #tpu.memory_space<vmem_shared>>) offsets(%dma_start3A_77 : memref<125xi32, #tpu.memory_space<vmem>>) semaphore(%run_scoped3A : memref<!tpu.dma_semaphore, #tpu.memory_space<semaphore_mem>>) {add = true}
        %dma_wait3A_81 = arith.constant 0 : i32
        %dma_wait3A_82 = tpu.memref_slice %arg8[%add3A_53, %dma_wait3A_81] : memref<40x125xi32, #tpu.memory_space<vmem>> -> memref<1x125xi32, #tpu.memory_space<vmem>>
        %dma_wait3A_83 = tpu.memref_squeeze %dma_wait3A_82 : memref<1x125xi32, #tpu.memory_space<vmem>> -> memref<125xi32, #tpu.memory_space<vmem>>
        %dma_wait3A_84 = arith.constant 0 : i32
        %dma_wait3A_85 = arith.constant 0 : i32
        %dma_wait3A_86 = tpu.memref_slice %arg11[%dma_wait3A_84, %dma_wait3A_85] : memref<10000x128xf32, #tpu.memory_space<vmem_shared>> -> memref<10000x128xf32, #tpu.memory_space<vmem_shared>>
        tpu.wait_indirect_dma semaphore(%run_scoped3A : memref<!tpu.dma_semaphore, #tpu.memory_space<semaphore_mem>>) src(%arg10 : memref<125x128xf32, #tpu.memory_space<vmem>>) dst(%dma_wait3A_86 : memref<10000x128xf32, #tpu.memory_space<vmem_shared>>)
        tpu.yield
      }) : () -> ()
      %lt3A_70 = arith.constant 19 : i32
      %lt3A_71 = arith.cmpi slt, %scan3A_47, %lt3A_70 : i32
      %convert_element_type3A_72 = arith.extui %lt3A_71 : i1 to i32
      %cond3A_73 = arith.constant 0 : i32
      %cond3A_74 = arith.cmpi ne, %convert_element_type3A_72, %cond3A_73 : i32
      scf.if %cond3A_74 {
        %add3A_75 = arith.constant 2 : i32
        %add3A_76 = arith.addi %add3A_53, %add3A_75 : i32
        %dma_start3A_77 = arith.constant 0 : i32
        %dma_start3A_78 = tpu.memref_slice %arg7[%add3A_76, %dma_start3A_77] : memref<40x125xi32, #tpu.memory_space<vmem>> -> memref<1x125xi32, #tpu.memory_space<vmem>>
        %dma_start3A_79 = tpu.memref_squeeze %dma_start3A_78 : memref<1x125xi32, #tpu.memory_space<vmem>> -> memref<125xi32, #tpu.memory_space<vmem>>
        %dma_start3A_80 = arith.constant 0 : i32
        %dma_start3A_81 = arith.constant 0 : i32
        %dma_start3A_82 = tpu.memref_slice %arg2[%dma_start3A_80, %dma_start3A_81] : memref<2048x128xf32, #tpu.memory_space<hbm>> -> memref<2048x128xf32, #tpu.memory_space<hbm>>
        tpu.enqueue_indirect_dma source(%dma_start3A_82 : memref<2048x128xf32, #tpu.memory_space<hbm>>) target(%arg10 : memref<125x128xf32, #tpu.memory_space<vmem>>) offsets(%dma_start3A_79 : memref<125xi32, #tpu.memory_space<vmem>>) semaphore(%arg13 : memref<!tpu.dma_semaphore, #tpu.memory_space<semaphore_mem>>)
      } else {
      }
    }
    %scan3A_20 = arith.constant 20 : i32
    "tpu.region"() ({
      %run_scoped3A = tpu.sem_alloc : memref<!tpu.dma_semaphore, #tpu.memory_space<semaphore_mem>>
      %dma_start3A_47 = arith.constant 40 : i32
      %dma_start3A_48 = arith.constant 0 : i32
      %dma_start3A_49 = tpu.memref_slice %arg3[%add3A, %dma_start3A_47, %dma_start3A_48] : memref<32x80x125xi32, #tpu.memory_space<hbm>> -> memref<1x40x125xi32, #tpu.memory_space<hbm>>
      %dma_start3A_50 = tpu.memref_squeeze %dma_start3A_49 : memref<1x40x125xi32, #tpu.memory_space<hbm>> -> memref<40x125xi32, #tpu.memory_space<hbm>>
      %dma_start3A_51 = arith.constant 40 : i32
      %dma_start3A_52 = arith.constant 0 : i32
      %dma_start3A_53 = tpu.memref_slice %arg3[%add3A, %dma_start3A_51, %dma_start3A_52] : memref<32x80x125xi32, #tpu.memory_space<hbm>> -> memref<1x40x125xi32, #tpu.memory_space<hbm>>
      %dma_start3A_54 = tpu.memref_squeeze %dma_start3A_53 : memref<1x40x125xi32, #tpu.memory_space<hbm>> -> memref<40x125xi32, #tpu.memory_space<hbm>>
      tpu.enqueue_dma source(%dma_start3A_54 : memref<40x125xi32, #tpu.memory_space<hbm>>) target(%arg7 : memref<40x125xi32, #tpu.memory_space<vmem>>) target_semaphore(%run_scoped3A : memref<!tpu.dma_semaphore, #tpu.memory_space<semaphore_mem>>)
      %dma_wait3A = arith.constant 40 : i32
      %dma_wait3A_55 = arith.constant 0 : i32
      %dma_wait3A_56 = tpu.memref_slice %arg3[%add3A, %dma_wait3A, %dma_wait3A_55] : memref<32x80x125xi32, #tpu.memory_space<hbm>> -> memref<1x40x125xi32, #tpu.memory_space<hbm>>
      %dma_wait3A_57 = tpu.memref_squeeze %dma_wait3A_56 : memref<1x40x125xi32, #tpu.memory_space<hbm>> -> memref<40x125xi32, #tpu.memory_space<hbm>>
      %dma_wait3A_58 = arith.constant 40 : i32
      %dma_wait3A_59 = arith.constant 0 : i32
      %dma_wait3A_60 = tpu.memref_slice %arg3[%add3A, %dma_wait3A_58, %dma_wait3A_59] : memref<32x80x125xi32, #tpu.memory_space<hbm>> -> memref<1x40x125xi32, #tpu.memory_space<hbm>>
      %dma_wait3A_61 = tpu.memref_squeeze %dma_wait3A_60 : memref<1x40x125xi32, #tpu.memory_space<hbm>> -> memref<40x125xi32, #tpu.memory_space<hbm>>
      tpu.wait_dma2 semaphore(%run_scoped3A : memref<!tpu.dma_semaphore, #tpu.memory_space<semaphore_mem>>) src(%dma_wait3A_61 : memref<40x125xi32, #tpu.memory_space<hbm>>) dst(%arg7 : memref<40x125xi32, #tpu.memory_space<vmem>>)
      tpu.yield
    }) : () -> ()
    "tpu.region"() ({
      %run_scoped3A = tpu.sem_alloc : memref<!tpu.dma_semaphore, #tpu.memory_space<semaphore_mem>>
      %dma_start3A_47 = arith.constant 40 : i32
      %dma_start3A_48 = arith.constant 0 : i32
      %dma_start3A_49 = tpu.memref_slice %arg4[%add3A, %dma_start3A_47, %dma_start3A_48] : memref<32x80x125xi32, #tpu.memory_space<hbm>> -> memref<1x40x125xi32, #tpu.memory_space<hbm>>
      %dma_start3A_50 = tpu.memref_squeeze %dma_start3A_49 : memref<1x40x125xi32, #tpu.memory_space<hbm>> -> memref<40x125xi32, #tpu.memory_space<hbm>>
      %dma_start3A_51 = arith.constant 40 : i32
      %dma_start3A_52 = arith.constant 0 : i32
      %dma_start3A_53 = tpu.memref_slice %arg4[%add3A, %dma_start3A_51, %dma_start3A_52] : memref<32x80x125xi32, #tpu.memory_space<hbm>> -> memref<1x40x125xi32, #tpu.memory_space<hbm>>
      %dma_start3A_54 = tpu.memref_squeeze %dma_start3A_53 : memref<1x40x125xi32, #tpu.memory_space<hbm>> -> memref<40x125xi32, #tpu.memory_space<hbm>>
      tpu.enqueue_dma source(%dma_start3A_54 : memref<40x125xi32, #tpu.memory_space<hbm>>) target(%arg8 : memref<40x125xi32, #tpu.memory_space<vmem>>) target_semaphore(%run_scoped3A : memref<!tpu.dma_semaphore, #tpu.memory_space<semaphore_mem>>)
      %dma_wait3A = arith.constant 40 : i32
      %dma_wait3A_55 = arith.constant 0 : i32
      %dma_wait3A_56 = tpu.memref_slice %arg4[%add3A, %dma_wait3A, %dma_wait3A_55] : memref<32x80x125xi32, #tpu.memory_space<hbm>> -> memref<1x40x125xi32, #tpu.memory_space<hbm>>
      %dma_wait3A_57 = tpu.memref_squeeze %dma_wait3A_56 : memref<1x40x125xi32, #tpu.memory_space<hbm>> -> memref<40x125xi32, #tpu.memory_space<hbm>>
      %dma_wait3A_58 = arith.constant 40 : i32
      %dma_wait3A_59 = arith.constant 0 : i32
      %dma_wait3A_60 = tpu.memref_slice %arg4[%add3A, %dma_wait3A_58, %dma_wait3A_59] : memref<32x80x125xi32, #tpu.memory_space<hbm>> -> memref<1x40x125xi32, #tpu.memory_space<hbm>>
      %dma_wait3A_61 = tpu.memref_squeeze %dma_wait3A_60 : memref<1x40x125xi32, #tpu.memory_space<hbm>> -> memref<40x125xi32, #tpu.memory_space<hbm>>
      tpu.wait_dma2 semaphore(%run_scoped3A : memref<!tpu.dma_semaphore, #tpu.memory_space<semaphore_mem>>) src(%dma_wait3A_61 : memref<40x125xi32, #tpu.memory_space<hbm>>) dst(%arg8 : memref<40x125xi32, #tpu.memory_space<vmem>>)
      tpu.yield
    }) : () -> ()
    %dma_start3A_21 = arith.constant 0 : i32
    %dma_start3A_22 = arith.constant 0 : i32
    %dma_start3A_23 = tpu.memref_slice %arg7[%dma_start3A_21, %dma_start3A_22] : memref<40x125xi32, #tpu.memory_space<vmem>> -> memref<1x125xi32, #tpu.memory_space<vmem>>
    %dma_start3A_24 = tpu.memref_squeeze %dma_start3A_23 : memref<1x125xi32, #tpu.memory_space<vmem>> -> memref<125xi32, #tpu.memory_space<vmem>>
    %dma_start3A_25 = arith.constant 0 : i32
    %dma_start3A_26 = arith.constant 0 : i32
    %dma_start3A_27 = tpu.memref_slice %arg2[%dma_start3A_25, %dma_start3A_26] : memref<2048x128xf32, #tpu.memory_space<hbm>> -> memref<2048x128xf32, #tpu.memory_space<hbm>>
    tpu.enqueue_indirect_dma source(%dma_start3A_27 : memref<2048x128xf32, #tpu.memory_space<hbm>>) target(%arg9 : memref<125x128xf32, #tpu.memory_space<vmem>>) offsets(%dma_start3A_24 : memref<125xi32, #tpu.memory_space<vmem>>) semaphore(%arg12 : memref<!tpu.dma_semaphore, #tpu.memory_space<semaphore_mem>>)
    %dma_start3A_28 = arith.constant 1 : i32
    %dma_start3A_29 = arith.constant 0 : i32
    %dma_start3A_30 = tpu.memref_slice %arg7[%dma_start3A_28, %dma_start3A_29] : memref<40x125xi32, #tpu.memory_space<vmem>> -> memref<1x125xi32, #tpu.memory_space<vmem>>
    %dma_start3A_31 = tpu.memref_squeeze %dma_start3A_30 : memref<1x125xi32, #tpu.memory_space<vmem>> -> memref<125xi32, #tpu.memory_space<vmem>>
    %dma_start3A_32 = arith.constant 0 : i32
    %dma_start3A_33 = arith.constant 0 : i32
    %dma_start3A_34 = tpu.memref_slice %arg2[%dma_start3A_32, %dma_start3A_33] : memref<2048x128xf32, #tpu.memory_space<hbm>> -> memref<2048x128xf32, #tpu.memory_space<hbm>>
    tpu.enqueue_indirect_dma source(%dma_start3A_34 : memref<2048x128xf32, #tpu.memory_space<hbm>>) target(%arg10 : memref<125x128xf32, #tpu.memory_space<vmem>>) offsets(%dma_start3A_31 : memref<125xi32, #tpu.memory_space<vmem>>) semaphore(%arg13 : memref<!tpu.dma_semaphore, #tpu.memory_space<semaphore_mem>>)
    %scan3A_35 = arith.constant 0 : i32
    %scan3A_36 = arith.constant 0 : i32
    %scan3A_37 = arith.constant 20 : i32
    %scan3A_38 = arith.addi %scan3A_36, %scan3A_37 : i32
    %scan3A_39 = arith.constant 1 : i32
    scf.for %scan3A_47 = %scan3A_36 to %scan3A_38 step %scan3A_39  : i32 {
      %mul3A_48 = arith.constant 2 : i32
      %mul3A_49 = arith.muli %mul3A_48, %scan3A_47 : i32
      %mul3A_50 = arith.constant 2 : i32
      %mul3A_51 = arith.muli %mul3A_50, %scan3A_47 : i32
      %add3A_52 = arith.constant 1 : i32
      %add3A_53 = arith.addi %mul3A_51, %add3A_52 : i32
      %dma_wait3A = arith.constant 0 : i32
      %dma_wait3A_54 = tpu.memref_slice %arg7[%mul3A_49, %dma_wait3A] : memref<40x125xi32, #tpu.memory_space<vmem>> -> memref<1x125xi32, #tpu.memory_space<vmem>>
      %dma_wait3A_55 = tpu.memref_squeeze %dma_wait3A_54 : memref<1x125xi32, #tpu.memory_space<vmem>> -> memref<125xi32, #tpu.memory_space<vmem>>
      %dma_wait3A_56 = arith.constant 0 : i32
      %dma_wait3A_57 = arith.constant 0 : i32
      %dma_wait3A_58 = tpu.memref_slice %arg2[%dma_wait3A_56, %dma_wait3A_57] : memref<2048x128xf32, #tpu.memory_space<hbm>> -> memref<2048x128xf32, #tpu.memory_space<hbm>>
      tpu.wait_indirect_dma semaphore(%arg12 : memref<!tpu.dma_semaphore, #tpu.memory_space<semaphore_mem>>) src(%dma_wait3A_58 : memref<2048x128xf32, #tpu.memory_space<hbm>>) dst(%arg9 : memref<125x128xf32, #tpu.memory_space<vmem>>)
      "tpu.region"() ({
        %run_scoped3A = tpu.sem_alloc : memref<!tpu.dma_semaphore, #tpu.memory_space<semaphore_mem>>
        %dma_start3A_75 = arith.constant 0 : i32
        %dma_start3A_76 = tpu.memref_slice %arg8[%mul3A_49, %dma_start3A_75] : memref<40x125xi32, #tpu.memory_space<vmem>> -> memref<1x125xi32, #tpu.memory_space<vmem>>
        %dma_start3A_77 = tpu.memref_squeeze %dma_start3A_76 : memref<1x125xi32, #tpu.memory_space<vmem>> -> memref<125xi32, #tpu.memory_space<vmem>>
        %dma_start3A_78 = arith.constant 0 : i32
        %dma_start3A_79 = arith.constant 0 : i32
        %dma_start3A_80 = tpu.memref_slice %arg11[%dma_start3A_78, %dma_start3A_79] : memref<10000x128xf32, #tpu.memory_space<vmem_shared>> -> memref<10000x128xf32, #tpu.memory_space<vmem_shared>>
        tpu.enqueue_indirect_dma source(%arg9 : memref<125x128xf32, #tpu.memory_space<vmem>>) target(%dma_start3A_80 : memref<10000x128xf32, #tpu.memory_space<vmem_shared>>) offsets(%dma_start3A_77 : memref<125xi32, #tpu.memory_space<vmem>>) semaphore(%run_scoped3A : memref<!tpu.dma_semaphore, #tpu.memory_space<semaphore_mem>>) {add = true}
        %dma_wait3A_81 = arith.constant 0 : i32
        %dma_wait3A_82 = tpu.memref_slice %arg8[%mul3A_49, %dma_wait3A_81] : memref<40x125xi32, #tpu.memory_space<vmem>> -> memref<1x125xi32, #tpu.memory_space<vmem>>
        %dma_wait3A_83 = tpu.memref_squeeze %dma_wait3A_82 : memref<1x125xi32, #tpu.memory_space<vmem>> -> memref<125xi32, #tpu.memory_space<vmem>>
        %dma_wait3A_84 = arith.constant 0 : i32
        %dma_wait3A_85 = arith.constant 0 : i32
        %dma_wait3A_86 = tpu.memref_slice %arg11[%dma_wait3A_84, %dma_wait3A_85] : memref<10000x128xf32, #tpu.memory_space<vmem_shared>> -> memref<10000x128xf32, #tpu.memory_space<vmem_shared>>
        tpu.wait_indirect_dma semaphore(%run_scoped3A : memref<!tpu.dma_semaphore, #tpu.memory_space<semaphore_mem>>) src(%arg9 : memref<125x128xf32, #tpu.memory_space<vmem>>) dst(%dma_wait3A_86 : memref<10000x128xf32, #tpu.memory_space<vmem_shared>>)
        tpu.yield
      }) : () -> ()
      %dma_wait3A_59 = arith.constant 0 : i32
      %dma_wait3A_60 = tpu.memref_slice %arg7[%add3A_53, %dma_wait3A_59] : memref<40x125xi32, #tpu.memory_space<vmem>> -> memref<1x125xi32, #tpu.memory_space<vmem>>
      %dma_wait3A_61 = tpu.memref_squeeze %dma_wait3A_60 : memref<1x125xi32, #tpu.memory_space<vmem>> -> memref<125xi32, #tpu.memory_space<vmem>>
      %dma_wait3A_62 = arith.constant 0 : i32
      %dma_wait3A_63 = arith.constant 0 : i32
      %dma_wait3A_64 = tpu.memref_slice %arg2[%dma_wait3A_62, %dma_wait3A_63] : memref<2048x128xf32, #tpu.memory_space<hbm>> -> memref<2048x128xf32, #tpu.memory_space<hbm>>
      tpu.wait_indirect_dma semaphore(%arg13 : memref<!tpu.dma_semaphore, #tpu.memory_space<semaphore_mem>>) src(%dma_wait3A_64 : memref<2048x128xf32, #tpu.memory_space<hbm>>) dst(%arg10 : memref<125x128xf32, #tpu.memory_space<vmem>>)
      %lt3A_65 = arith.constant 19 : i32
      %lt3A_66 = arith.cmpi slt, %scan3A_47, %lt3A_65 : i32
      %convert_element_type3A_67 = arith.extui %lt3A_66 : i1 to i32
      %cond3A_68 = arith.constant 0 : i32
      %cond3A_69 = arith.cmpi ne, %convert_element_type3A_67, %cond3A_68 : i32
      scf.if %cond3A_69 {
        %add3A_75 = arith.constant 2 : i32
        %add3A_76 = arith.addi %mul3A_49, %add3A_75 : i32
        %dma_start3A_77 = arith.constant 0 : i32
        %dma_start3A_78 = tpu.memref_slice %arg7[%add3A_76, %dma_start3A_77] : memref<40x125xi32, #tpu.memory_space<vmem>> -> memref<1x125xi32, #tpu.memory_space<vmem>>
        %dma_start3A_79 = tpu.memref_squeeze %dma_start3A_78 : memref<1x125xi32, #tpu.memory_space<vmem>> -> memref<125xi32, #tpu.memory_space<vmem>>
        %dma_start3A_80 = arith.constant 0 : i32
        %dma_start3A_81 = arith.constant 0 : i32
        %dma_start3A_82 = tpu.memref_slice %arg2[%dma_start3A_80, %dma_start3A_81] : memref<2048x128xf32, #tpu.memory_space<hbm>> -> memref<2048x128xf32, #tpu.memory_space<hbm>>
        tpu.enqueue_indirect_dma source(%dma_start3A_82 : memref<2048x128xf32, #tpu.memory_space<hbm>>) target(%arg9 : memref<125x128xf32, #tpu.memory_space<vmem>>) offsets(%dma_start3A_79 : memref<125xi32, #tpu.memory_space<vmem>>) semaphore(%arg12 : memref<!tpu.dma_semaphore, #tpu.memory_space<semaphore_mem>>)
      } else {
      }
      "tpu.region"() ({
        %run_scoped3A = tpu.sem_alloc : memref<!tpu.dma_semaphore, #tpu.memory_space<semaphore_mem>>
        %dma_start3A_75 = arith.constant 0 : i32
        %dma_start3A_76 = tpu.memref_slice %arg8[%add3A_53, %dma_start3A_75] : memref<40x125xi32, #tpu.memory_space<vmem>> -> memref<1x125xi32, #tpu.memory_space<vmem>>
        %dma_start3A_77 = tpu.memref_squeeze %dma_start3A_76 : memref<1x125xi32, #tpu.memory_space<vmem>> -> memref<125xi32, #tpu.memory_space<vmem>>
        %dma_start3A_78 = arith.constant 0 : i32
        %dma_start3A_79 = arith.constant 0 : i32
        %dma_start3A_80 = tpu.memref_slice %arg11[%dma_start3A_78, %dma_start3A_79] : memref<10000x128xf32, #tpu.memory_space<vmem_shared>> -> memref<10000x128xf32, #tpu.memory_space<vmem_shared>>
        tpu.enqueue_indirect_dma source(%arg10 : memref<125x128xf32, #tpu.memory_space<vmem>>) target(%dma_start3A_80 : memref<10000x128xf32, #tpu.memory_space<vmem_shared>>) offsets(%dma_start3A_77 : memref<125xi32, #tpu.memory_space<vmem>>) semaphore(%run_scoped3A : memref<!tpu.dma_semaphore, #tpu.memory_space<semaphore_mem>>) {add = true}
        %dma_wait3A_81 = arith.constant 0 : i32
        %dma_wait3A_82 = tpu.memref_slice %arg8[%add3A_53, %dma_wait3A_81] : memref<40x125xi32, #tpu.memory_space<vmem>> -> memref<1x125xi32, #tpu.memory_space<vmem>>
        %dma_wait3A_83 = tpu.memref_squeeze %dma_wait3A_82 : memref<1x125xi32, #tpu.memory_space<vmem>> -> memref<125xi32, #tpu.memory_space<vmem>>
        %dma_wait3A_84 = arith.constant 0 : i32
        %dma_wait3A_85 = arith.constant 0 : i32
        %dma_wait3A_86 = tpu.memref_slice %arg11[%dma_wait3A_84, %dma_wait3A_85] : memref<10000x128xf32, #tpu.memory_space<vmem_shared>> -> memref<10000x128xf32, #tpu.memory_space<vmem_shared>>
        tpu.wait_indirect_dma semaphore(%run_scoped3A : memref<!tpu.dma_semaphore, #tpu.memory_space<semaphore_mem>>) src(%arg10 : memref<125x128xf32, #tpu.memory_space<vmem>>) dst(%dma_wait3A_86 : memref<10000x128xf32, #tpu.memory_space<vmem_shared>>)
        tpu.yield
      }) : () -> ()
      %lt3A_70 = arith.constant 19 : i32
      %lt3A_71 = arith.cmpi slt, %scan3A_47, %lt3A_70 : i32
      %convert_element_type3A_72 = arith.extui %lt3A_71 : i1 to i32
      %cond3A_73 = arith.constant 0 : i32
      %cond3A_74 = arith.cmpi ne, %convert_element_type3A_72, %cond3A_73 : i32
      scf.if %cond3A_74 {
        %add3A_75 = arith.constant 2 : i32
        %add3A_76 = arith.addi %add3A_53, %add3A_75 : i32
        %dma_start3A_77 = arith.constant 0 : i32
        %dma_start3A_78 = tpu.memref_slice %arg7[%add3A_76, %dma_start3A_77] : memref<40x125xi32, #tpu.memory_space<vmem>> -> memref<1x125xi32, #tpu.memory_space<vmem>>
        %dma_start3A_79 = tpu.memref_squeeze %dma_start3A_78 : memref<1x125xi32, #tpu.memory_space<vmem>> -> memref<125xi32, #tpu.memory_space<vmem>>
        %dma_start3A_80 = arith.constant 0 : i32
        %dma_start3A_81 = arith.constant 0 : i32
        %dma_start3A_82 = tpu.memref_slice %arg2[%dma_start3A_80, %dma_start3A_81] : memref<2048x128xf32, #tpu.memory_space<hbm>> -> memref<2048x128xf32, #tpu.memory_space<hbm>>
        tpu.enqueue_indirect_dma source(%dma_start3A_82 : memref<2048x128xf32, #tpu.memory_space<hbm>>) target(%arg10 : memref<125x128xf32, #tpu.memory_space<vmem>>) offsets(%dma_start3A_79 : memref<125xi32, #tpu.memory_space<vmem>>) semaphore(%arg13 : memref<!tpu.dma_semaphore, #tpu.memory_space<semaphore_mem>>)
      } else {
      }
    }
    %scan3A_40 = arith.constant 20 : i32
    %barrier3A_41 = arith.constant 0 : index
    tpu.barrier barrier_id(%barrier3A_41)
    %lt3A_42 = arith.constant 10 : i32
    %lt3A_43 = arith.cmpi slt, %arg1, %lt3A_42 : i32
    %convert_element_type3A_44 = arith.extui %lt3A_43 : i1 to i32
    %cond3A_45 = arith.constant 0 : i32
    %cond3A_46 = arith.cmpi ne, %convert_element_type3A_44, %cond3A_45 : i32
    scf.if %cond3A_46 {
      %mul3A_47 = arith.constant 1000 : i32
      %mul3A_48 = arith.muli %arg1, %mul3A_47 : i32
      %mul3A_49 = arith.constant 10000 : i32
      %mul3A_50 = arith.muli %arg0, %mul3A_49 : i32
      %mul3A_51 = arith.constant 1000 : i32
      %mul3A_52 = arith.muli %arg1, %mul3A_51 : i32
      %add3A_53 = arith.addi %mul3A_50, %mul3A_52 : i32
      "tpu.region"() ({
        %run_scoped3A = tpu.sem_alloc : memref<!tpu.dma_semaphore, #tpu.memory_space<semaphore_mem>>
        %dma_start3A_54 = arith.constant 0 : i32
        %dma_start3A_55 = tpu.memref_slice %arg6[%add3A_53, %dma_start3A_54] : memref<20000x128xf32, #tpu.memory_space<hbm>> -> memref<1000x128xf32, #tpu.memory_space<hbm>>
        %dma_start3A_56 = arith.constant 0 : i32
        %dma_start3A_57 = tpu.memref_slice %arg11[%mul3A_48, %dma_start3A_56] : memref<10000x128xf32, #tpu.memory_space<vmem_shared>> -> memref<1000x128xf32, #tpu.memory_space<vmem_shared>>
        tpu.enqueue_dma source(%dma_start3A_57 : memref<1000x128xf32, #tpu.memory_space<vmem_shared>>) target(%dma_start3A_55 : memref<1000x128xf32, #tpu.memory_space<hbm>>) target_semaphore(%run_scoped3A : memref<!tpu.dma_semaphore, #tpu.memory_space<semaphore_mem>>)
        %dma_wait3A = arith.constant 0 : i32
        %dma_wait3A_58 = tpu.memref_slice %arg6[%add3A_53, %dma_wait3A] : memref<20000x128xf32, #tpu.memory_space<hbm>> -> memref<1000x128xf32, #tpu.memory_space<hbm>>
        %dma_wait3A_59 = arith.constant 0 : i32
        %dma_wait3A_60 = tpu.memref_slice %arg11[%mul3A_48, %dma_wait3A_59] : memref<10000x128xf32, #tpu.memory_space<vmem_shared>> -> memref<1000x128xf32, #tpu.memory_space<vmem_shared>>
        tpu.wait_dma2 semaphore(%run_scoped3A : memref<!tpu.dma_semaphore, #tpu.memory_space<semaphore_mem>>) src(%dma_wait3A_60 : memref<1000x128xf32, #tpu.memory_space<vmem_shared>>) dst(%dma_wait3A_58 : memref<1000x128xf32, #tpu.memory_space<hbm>>)
        tpu.yield
      }) : () -> ()
    } else {
    }
    return
  }
}

#map = affine_map<(d0, d1) -> (0, 0)>
#map1 = affine_map<(d0, d1) -> (0, 0, 0)>
module attributes {stable_mosaic.version = 14 : i64} {
  func.func @body(%arg0: i32, %arg1: i32, %arg2: memref<10000x128xf32, #tpu.memory_space<hbm>>, %arg3: memref<32x80x125xi32, #tpu.memory_space<hbm>>, %arg4: memref<32x80x125xi32, #tpu.memory_space<hbm>>, %arg5: memref<1000x128xf32, #tpu.memory_space<hbm>>, %arg6: memref<4096x128xf32, #tpu.memory_space<hbm>>, %arg7: memref<80x125xi32, #tpu.memory_space<vmem>>, %arg8: memref<80x125xi32, #tpu.memory_space<vmem>>, %arg9: memref<125x128xf32, #tpu.memory_space<vmem>>, %arg10: memref<125x128xf32, #tpu.memory_space<vmem>>, %arg11: memref<125x128xf32, #tpu.memory_space<vmem>>, %arg12: memref<125x128xf32, #tpu.memory_space<vmem>>, %arg13: memref<125x128xf32, #tpu.memory_space<vmem>>, %arg14: memref<2048x128xf32, #tpu.memory_space<vmem_shared>>, %arg15: memref<!tpu.dma_semaphore, #tpu.memory_space<semaphore_mem>>, %arg16: memref<!tpu.dma_semaphore, #tpu.memory_space<semaphore_mem>>, %arg17: memref<!tpu.dma_semaphore, #tpu.memory_space<semaphore_mem>>, %arg18: memref<!tpu.dma_semaphore, #tpu.memory_space<semaphore_mem>>, %arg19: memref<!tpu.dma_semaphore, #tpu.memory_space<semaphore_mem>>, %arg20: memref<!tpu.dma_semaphore, #tpu.memory_space<semaphore_mem>>, %arg21: memref<!tpu.dma_semaphore, #tpu.memory_space<semaphore_mem>>, %arg22: memref<!tpu.dma_semaphore, #tpu.memory_space<semaphore_mem>>, %arg23: memref<!tpu.dma_semaphore, #tpu.memory_space<semaphore_mem>>, %arg24: memref<!tpu.dma_semaphore, #tpu.memory_space<semaphore_mem>>) attributes {dimension_semantics = [#tpu.dimension_semantics<core_parallel>, #tpu.dimension_semantics<subcore_parallel>], iteration_bounds = array<i64: 2, 16>, scalar_prefetch = 0 : i64, scratch_operands = 18 : i64, tpu.core_type = #tpu.core_type<sc_vector_subcore>, window_params = [{transform_indices = #map}, {transform_indices = #map1}, {transform_indices = #map1}, {transform_indices = #map}, {transform_indices = #map}]} {
    %mul3A = arith.constant 2 : i32
    %mul3A_0 = arith.muli %arg1, %mul3A : i32
    %add3A = arith.addi %mul3A_0, %arg0 : i32
    %lt3A = arith.constant 16 : i32
    %lt3A_1 = arith.cmpi slt, %arg1, %lt3A : i32
    %convert_element_type3A = arith.extui %lt3A_1 : i1 to i32
    %cond3A = arith.constant 0 : i32
    %cond3A_2 = arith.cmpi ne, %convert_element_type3A, %cond3A : i32
    scf.if %cond3A_2 {
      %mul3A_48 = arith.constant 128 : i32
      %mul3A_49 = arith.muli %arg1, %mul3A_48 : i32
      "tpu.region"() ({
        %run_scoped3A = tpu.sem_alloc : memref<!tpu.dma_semaphore, #tpu.memory_space<semaphore_mem>>
        %dma_start3A_50 = arith.constant 0 : i32
        %dma_start3A_51 = tpu.memref_slice %arg14[%mul3A_49, %dma_start3A_50] : memref<2048x128xf32, #tpu.memory_space<vmem_shared>> -> memref<128x128xf32, #tpu.memory_space<vmem_shared>>
        %dma_start3A_52 = arith.constant 0 : i32
        %dma_start3A_53 = arith.constant 0 : i32
        %dma_start3A_54 = tpu.memref_slice %arg5[%dma_start3A_52, %dma_start3A_53] : memref<1000x128xf32, #tpu.memory_space<hbm>> -> memref<128x128xf32, #tpu.memory_space<hbm>>
        tpu.enqueue_dma source(%dma_start3A_54 : memref<128x128xf32, #tpu.memory_space<hbm>>) target(%dma_start3A_51 : memref<128x128xf32, #tpu.memory_space<vmem_shared>>) target_semaphore(%run_scoped3A : memref<!tpu.dma_semaphore, #tpu.memory_space<semaphore_mem>>)
        %dma_wait3A = arith.constant 0 : i32
        %dma_wait3A_55 = tpu.memref_slice %arg14[%mul3A_49, %dma_wait3A] : memref<2048x128xf32, #tpu.memory_space<vmem_shared>> -> memref<128x128xf32, #tpu.memory_space<vmem_shared>>
        %dma_wait3A_56 = arith.constant 0 : i32
        %dma_wait3A_57 = arith.constant 0 : i32
        %dma_wait3A_58 = tpu.memref_slice %arg5[%dma_wait3A_56, %dma_wait3A_57] : memref<1000x128xf32, #tpu.memory_space<hbm>> -> memref<128x128xf32, #tpu.memory_space<hbm>>
        tpu.wait_dma2 semaphore(%run_scoped3A : memref<!tpu.dma_semaphore, #tpu.memory_space<semaphore_mem>>) src(%dma_wait3A_58 : memref<128x128xf32, #tpu.memory_space<hbm>>) dst(%dma_wait3A_55 : memref<128x128xf32, #tpu.memory_space<vmem_shared>>)
        tpu.yield
      }) : () -> ()
    } else {
    }
    %barrier3A = arith.constant 0 : index
    tpu.barrier barrier_id(%barrier3A)
    "tpu.region"() ({
      %run_scoped3A = tpu.sem_alloc : memref<!tpu.dma_semaphore, #tpu.memory_space<semaphore_mem>>
      %dma_start3A_48 = arith.constant 0 : i32
      %dma_start3A_49 = arith.constant 0 : i32
      %dma_start3A_50 = tpu.memref_slice %arg3[%add3A, %dma_start3A_48, %dma_start3A_49] : memref<32x80x125xi32, #tpu.memory_space<hbm>> -> memref<1x80x125xi32, #tpu.memory_space<hbm>>
      %dma_start3A_51 = tpu.memref_squeeze %dma_start3A_50 : memref<1x80x125xi32, #tpu.memory_space<hbm>> -> memref<80x125xi32, #tpu.memory_space<hbm>>
      %dma_start3A_52 = arith.constant 0 : i32
      %dma_start3A_53 = arith.constant 0 : i32
      %dma_start3A_54 = tpu.memref_slice %arg3[%add3A, %dma_start3A_52, %dma_start3A_53] : memref<32x80x125xi32, #tpu.memory_space<hbm>> -> memref<1x80x125xi32, #tpu.memory_space<hbm>>
      %dma_start3A_55 = tpu.memref_squeeze %dma_start3A_54 : memref<1x80x125xi32, #tpu.memory_space<hbm>> -> memref<80x125xi32, #tpu.memory_space<hbm>>
      tpu.enqueue_dma source(%dma_start3A_55 : memref<80x125xi32, #tpu.memory_space<hbm>>) target(%arg7 : memref<80x125xi32, #tpu.memory_space<vmem>>) target_semaphore(%run_scoped3A : memref<!tpu.dma_semaphore, #tpu.memory_space<semaphore_mem>>)
      %dma_wait3A = arith.constant 0 : i32
      %dma_wait3A_56 = arith.constant 0 : i32
      %dma_wait3A_57 = tpu.memref_slice %arg3[%add3A, %dma_wait3A, %dma_wait3A_56] : memref<32x80x125xi32, #tpu.memory_space<hbm>> -> memref<1x80x125xi32, #tpu.memory_space<hbm>>
      %dma_wait3A_58 = tpu.memref_squeeze %dma_wait3A_57 : memref<1x80x125xi32, #tpu.memory_space<hbm>> -> memref<80x125xi32, #tpu.memory_space<hbm>>
      %dma_wait3A_59 = arith.constant 0 : i32
      %dma_wait3A_60 = arith.constant 0 : i32
      %dma_wait3A_61 = tpu.memref_slice %arg3[%add3A, %dma_wait3A_59, %dma_wait3A_60] : memref<32x80x125xi32, #tpu.memory_space<hbm>> -> memref<1x80x125xi32, #tpu.memory_space<hbm>>
      %dma_wait3A_62 = tpu.memref_squeeze %dma_wait3A_61 : memref<1x80x125xi32, #tpu.memory_space<hbm>> -> memref<80x125xi32, #tpu.memory_space<hbm>>
      tpu.wait_dma2 semaphore(%run_scoped3A : memref<!tpu.dma_semaphore, #tpu.memory_space<semaphore_mem>>) src(%dma_wait3A_62 : memref<80x125xi32, #tpu.memory_space<hbm>>) dst(%arg7 : memref<80x125xi32, #tpu.memory_space<vmem>>)
      tpu.yield
    }) : () -> ()
    "tpu.region"() ({
      %run_scoped3A = tpu.sem_alloc : memref<!tpu.dma_semaphore, #tpu.memory_space<semaphore_mem>>
      %dma_start3A_48 = arith.constant 0 : i32
      %dma_start3A_49 = arith.constant 0 : i32
      %dma_start3A_50 = tpu.memref_slice %arg4[%add3A, %dma_start3A_48, %dma_start3A_49] : memref<32x80x125xi32, #tpu.memory_space<hbm>> -> memref<1x80x125xi32, #tpu.memory_space<hbm>>
      %dma_start3A_51 = tpu.memref_squeeze %dma_start3A_50 : memref<1x80x125xi32, #tpu.memory_space<hbm>> -> memref<80x125xi32, #tpu.memory_space<hbm>>
      %dma_start3A_52 = arith.constant 0 : i32
      %dma_start3A_53 = arith.constant 0 : i32
      %dma_start3A_54 = tpu.memref_slice %arg4[%add3A, %dma_start3A_52, %dma_start3A_53] : memref<32x80x125xi32, #tpu.memory_space<hbm>> -> memref<1x80x125xi32, #tpu.memory_space<hbm>>
      %dma_start3A_55 = tpu.memref_squeeze %dma_start3A_54 : memref<1x80x125xi32, #tpu.memory_space<hbm>> -> memref<80x125xi32, #tpu.memory_space<hbm>>
      tpu.enqueue_dma source(%dma_start3A_55 : memref<80x125xi32, #tpu.memory_space<hbm>>) target(%arg8 : memref<80x125xi32, #tpu.memory_space<vmem>>) target_semaphore(%run_scoped3A : memref<!tpu.dma_semaphore, #tpu.memory_space<semaphore_mem>>)
      %dma_wait3A = arith.constant 0 : i32
      %dma_wait3A_56 = arith.constant 0 : i32
      %dma_wait3A_57 = tpu.memref_slice %arg4[%add3A, %dma_wait3A, %dma_wait3A_56] : memref<32x80x125xi32, #tpu.memory_space<hbm>> -> memref<1x80x125xi32, #tpu.memory_space<hbm>>
      %dma_wait3A_58 = tpu.memref_squeeze %dma_wait3A_57 : memref<1x80x125xi32, #tpu.memory_space<hbm>> -> memref<80x125xi32, #tpu.memory_space<hbm>>
      %dma_wait3A_59 = arith.constant 0 : i32
      %dma_wait3A_60 = arith.constant 0 : i32
      %dma_wait3A_61 = tpu.memref_slice %arg4[%add3A, %dma_wait3A_59, %dma_wait3A_60] : memref<32x80x125xi32, #tpu.memory_space<hbm>> -> memref<1x80x125xi32, #tpu.memory_space<hbm>>
      %dma_wait3A_62 = tpu.memref_squeeze %dma_wait3A_61 : memref<1x80x125xi32, #tpu.memory_space<hbm>> -> memref<80x125xi32, #tpu.memory_space<hbm>>
      tpu.wait_dma2 semaphore(%run_scoped3A : memref<!tpu.dma_semaphore, #tpu.memory_space<semaphore_mem>>) src(%dma_wait3A_62 : memref<80x125xi32, #tpu.memory_space<hbm>>) dst(%arg8 : memref<80x125xi32, #tpu.memory_space<vmem>>)
      tpu.yield
    }) : () -> ()
    %dma_start3A = arith.constant 0 : i32
    %dma_start3A_3 = arith.constant 0 : i32
    %dma_start3A_4 = tpu.memref_slice %arg7[%dma_start3A, %dma_start3A_3] : memref<80x125xi32, #tpu.memory_space<vmem>> -> memref<1x125xi32, #tpu.memory_space<vmem>>
    %dma_start3A_5 = tpu.memref_squeeze %dma_start3A_4 : memref<1x125xi32, #tpu.memory_space<vmem>> -> memref<125xi32, #tpu.memory_space<vmem>>
    %dma_start3A_6 = arith.constant 0 : i32
    %dma_start3A_7 = arith.constant 0 : i32
    %dma_start3A_8 = tpu.memref_slice %arg2[%dma_start3A_6, %dma_start3A_7] : memref<10000x128xf32, #tpu.memory_space<hbm>> -> memref<10000x128xf32, #tpu.memory_space<hbm>>
    tpu.enqueue_indirect_dma source(%dma_start3A_8 : memref<10000x128xf32, #tpu.memory_space<hbm>>) target(%arg9 : memref<125x128xf32, #tpu.memory_space<vmem>>) offsets(%dma_start3A_5 : memref<125xi32, #tpu.memory_space<vmem>>) semaphore(%arg15 : memref<!tpu.dma_semaphore, #tpu.memory_space<semaphore_mem>>)
    %dma_start3A_9 = arith.constant 1 : i32
    %dma_start3A_10 = arith.constant 0 : i32
    %dma_start3A_11 = tpu.memref_slice %arg7[%dma_start3A_9, %dma_start3A_10] : memref<80x125xi32, #tpu.memory_space<vmem>> -> memref<1x125xi32, #tpu.memory_space<vmem>>
    %dma_start3A_12 = tpu.memref_squeeze %dma_start3A_11 : memref<1x125xi32, #tpu.memory_space<vmem>> -> memref<125xi32, #tpu.memory_space<vmem>>
    %dma_start3A_13 = arith.constant 0 : i32
    %dma_start3A_14 = arith.constant 0 : i32
    %dma_start3A_15 = tpu.memref_slice %arg2[%dma_start3A_13, %dma_start3A_14] : memref<10000x128xf32, #tpu.memory_space<hbm>> -> memref<10000x128xf32, #tpu.memory_space<hbm>>
    tpu.enqueue_indirect_dma source(%dma_start3A_15 : memref<10000x128xf32, #tpu.memory_space<hbm>>) target(%arg10 : memref<125x128xf32, #tpu.memory_space<vmem>>) offsets(%dma_start3A_12 : memref<125xi32, #tpu.memory_space<vmem>>) semaphore(%arg16 : memref<!tpu.dma_semaphore, #tpu.memory_space<semaphore_mem>>)
    %dma_start3A_16 = arith.constant 2 : i32
    %dma_start3A_17 = arith.constant 0 : i32
    %dma_start3A_18 = tpu.memref_slice %arg7[%dma_start3A_16, %dma_start3A_17] : memref<80x125xi32, #tpu.memory_space<vmem>> -> memref<1x125xi32, #tpu.memory_space<vmem>>
    %dma_start3A_19 = tpu.memref_squeeze %dma_start3A_18 : memref<1x125xi32, #tpu.memory_space<vmem>> -> memref<125xi32, #tpu.memory_space<vmem>>
    %dma_start3A_20 = arith.constant 0 : i32
    %dma_start3A_21 = arith.constant 0 : i32
    %dma_start3A_22 = tpu.memref_slice %arg2[%dma_start3A_20, %dma_start3A_21] : memref<10000x128xf32, #tpu.memory_space<hbm>> -> memref<10000x128xf32, #tpu.memory_space<hbm>>
    tpu.enqueue_indirect_dma source(%dma_start3A_22 : memref<10000x128xf32, #tpu.memory_space<hbm>>) target(%arg11 : memref<125x128xf32, #tpu.memory_space<vmem>>) offsets(%dma_start3A_19 : memref<125xi32, #tpu.memory_space<vmem>>) semaphore(%arg17 : memref<!tpu.dma_semaphore, #tpu.memory_space<semaphore_mem>>)
    %dma_start3A_23 = arith.constant 3 : i32
    %dma_start3A_24 = arith.constant 0 : i32
    %dma_start3A_25 = tpu.memref_slice %arg7[%dma_start3A_23, %dma_start3A_24] : memref<80x125xi32, #tpu.memory_space<vmem>> -> memref<1x125xi32, #tpu.memory_space<vmem>>
    %dma_start3A_26 = tpu.memref_squeeze %dma_start3A_25 : memref<1x125xi32, #tpu.memory_space<vmem>> -> memref<125xi32, #tpu.memory_space<vmem>>
    %dma_start3A_27 = arith.constant 0 : i32
    %dma_start3A_28 = arith.constant 0 : i32
    %dma_start3A_29 = tpu.memref_slice %arg2[%dma_start3A_27, %dma_start3A_28] : memref<10000x128xf32, #tpu.memory_space<hbm>> -> memref<10000x128xf32, #tpu.memory_space<hbm>>
    tpu.enqueue_indirect_dma source(%dma_start3A_29 : memref<10000x128xf32, #tpu.memory_space<hbm>>) target(%arg12 : memref<125x128xf32, #tpu.memory_space<vmem>>) offsets(%dma_start3A_26 : memref<125xi32, #tpu.memory_space<vmem>>) semaphore(%arg18 : memref<!tpu.dma_semaphore, #tpu.memory_space<semaphore_mem>>)
    %dma_start3A_30 = arith.constant 4 : i32
    %dma_start3A_31 = arith.constant 0 : i32
    %dma_start3A_32 = tpu.memref_slice %arg7[%dma_start3A_30, %dma_start3A_31] : memref<80x125xi32, #tpu.memory_space<vmem>> -> memref<1x125xi32, #tpu.memory_space<vmem>>
    %dma_start3A_33 = tpu.memref_squeeze %dma_start3A_32 : memref<1x125xi32, #tpu.memory_space<vmem>> -> memref<125xi32, #tpu.memory_space<vmem>>
    %dma_start3A_34 = arith.constant 0 : i32
    %dma_start3A_35 = arith.constant 0 : i32
    %dma_start3A_36 = tpu.memref_slice %arg2[%dma_start3A_34, %dma_start3A_35] : memref<10000x128xf32, #tpu.memory_space<hbm>> -> memref<10000x128xf32, #tpu.memory_space<hbm>>
    tpu.enqueue_indirect_dma source(%dma_start3A_36 : memref<10000x128xf32, #tpu.memory_space<hbm>>) target(%arg13 : memref<125x128xf32, #tpu.memory_space<vmem>>) offsets(%dma_start3A_33 : memref<125xi32, #tpu.memory_space<vmem>>) semaphore(%arg19 : memref<!tpu.dma_semaphore, #tpu.memory_space<semaphore_mem>>)
    %scan3A = arith.constant 0 : i32
    %scan3A_37 = arith.constant 0 : i32
    %scan3A_38 = arith.constant 16 : i32
    %scan3A_39 = arith.addi %scan3A_37, %scan3A_38 : i32
    %scan3A_40 = arith.constant 1 : i32
    scf.for %scan3A_48 = %scan3A_37 to %scan3A_39 step %scan3A_40  : i32 {
      %mul3A_49 = arith.constant 5 : i32
      %mul3A_50 = arith.muli %mul3A_49, %scan3A_48 : i32
      %add3A_51 = arith.constant 0 : i32
      %add3A_52 = arith.addi %mul3A_50, %add3A_51 : i32
      %dma_wait3A = arith.constant 0 : i32
      %dma_wait3A_53 = tpu.memref_slice %arg7[%add3A_52, %dma_wait3A] : memref<80x125xi32, #tpu.memory_space<vmem>> -> memref<1x125xi32, #tpu.memory_space<vmem>>
      %dma_wait3A_54 = tpu.memref_squeeze %dma_wait3A_53 : memref<1x125xi32, #tpu.memory_space<vmem>> -> memref<125xi32, #tpu.memory_space<vmem>>
      %dma_wait3A_55 = arith.constant 0 : i32
      %dma_wait3A_56 = arith.constant 0 : i32
      %dma_wait3A_57 = tpu.memref_slice %arg2[%dma_wait3A_55, %dma_wait3A_56] : memref<10000x128xf32, #tpu.memory_space<hbm>> -> memref<10000x128xf32, #tpu.memory_space<hbm>>
      tpu.wait_indirect_dma semaphore(%arg15 : memref<!tpu.dma_semaphore, #tpu.memory_space<semaphore_mem>>) src(%dma_wait3A_57 : memref<10000x128xf32, #tpu.memory_space<hbm>>) dst(%arg9 : memref<125x128xf32, #tpu.memory_space<vmem>>)
      %dma_start3A_58 = arith.constant 0 : i32
      %dma_start3A_59 = tpu.memref_slice %arg8[%add3A_52, %dma_start3A_58] : memref<80x125xi32, #tpu.memory_space<vmem>> -> memref<1x125xi32, #tpu.memory_space<vmem>>
      %dma_start3A_60 = tpu.memref_squeeze %dma_start3A_59 : memref<1x125xi32, #tpu.memory_space<vmem>> -> memref<125xi32, #tpu.memory_space<vmem>>
      %dma_start3A_61 = arith.constant 0 : i32
      %dma_start3A_62 = arith.constant 0 : i32
      %dma_start3A_63 = tpu.memref_slice %arg14[%dma_start3A_61, %dma_start3A_62] : memref<2048x128xf32, #tpu.memory_space<vmem_shared>> -> memref<2048x128xf32, #tpu.memory_space<vmem_shared>>
      tpu.enqueue_indirect_dma source(%arg9 : memref<125x128xf32, #tpu.memory_space<vmem>>) target(%dma_start3A_63 : memref<2048x128xf32, #tpu.memory_space<vmem_shared>>) offsets(%dma_start3A_60 : memref<125xi32, #tpu.memory_space<vmem>>) semaphore(%arg20 : memref<!tpu.dma_semaphore, #tpu.memory_space<semaphore_mem>>) {add = true}
      %add3A_64 = arith.constant 1 : i32
      %add3A_65 = arith.addi %mul3A_50, %add3A_64 : i32
      %dma_wait3A_66 = arith.constant 0 : i32
      %dma_wait3A_67 = tpu.memref_slice %arg7[%add3A_65, %dma_wait3A_66] : memref<80x125xi32, #tpu.memory_space<vmem>> -> memref<1x125xi32, #tpu.memory_space<vmem>>
      %dma_wait3A_68 = tpu.memref_squeeze %dma_wait3A_67 : memref<1x125xi32, #tpu.memory_space<vmem>> -> memref<125xi32, #tpu.memory_space<vmem>>
      %dma_wait3A_69 = arith.constant 0 : i32
      %dma_wait3A_70 = arith.constant 0 : i32
      %dma_wait3A_71 = tpu.memref_slice %arg2[%dma_wait3A_69, %dma_wait3A_70] : memref<10000x128xf32, #tpu.memory_space<hbm>> -> memref<10000x128xf32, #tpu.memory_space<hbm>>
      tpu.wait_indirect_dma semaphore(%arg16 : memref<!tpu.dma_semaphore, #tpu.memory_space<semaphore_mem>>) src(%dma_wait3A_71 : memref<10000x128xf32, #tpu.memory_space<hbm>>) dst(%arg10 : memref<125x128xf32, #tpu.memory_space<vmem>>)
      %dma_start3A_72 = arith.constant 0 : i32
      %dma_start3A_73 = tpu.memref_slice %arg8[%add3A_65, %dma_start3A_72] : memref<80x125xi32, #tpu.memory_space<vmem>> -> memref<1x125xi32, #tpu.memory_space<vmem>>
      %dma_start3A_74 = tpu.memref_squeeze %dma_start3A_73 : memref<1x125xi32, #tpu.memory_space<vmem>> -> memref<125xi32, #tpu.memory_space<vmem>>
      %dma_start3A_75 = arith.constant 0 : i32
      %dma_start3A_76 = arith.constant 0 : i32
      %dma_start3A_77 = tpu.memref_slice %arg14[%dma_start3A_75, %dma_start3A_76] : memref<2048x128xf32, #tpu.memory_space<vmem_shared>> -> memref<2048x128xf32, #tpu.memory_space<vmem_shared>>
      tpu.enqueue_indirect_dma source(%arg10 : memref<125x128xf32, #tpu.memory_space<vmem>>) target(%dma_start3A_77 : memref<2048x128xf32, #tpu.memory_space<vmem_shared>>) offsets(%dma_start3A_74 : memref<125xi32, #tpu.memory_space<vmem>>) semaphore(%arg21 : memref<!tpu.dma_semaphore, #tpu.memory_space<semaphore_mem>>) {add = true}
      %add3A_78 = arith.constant 2 : i32
      %add3A_79 = arith.addi %mul3A_50, %add3A_78 : i32
      %dma_wait3A_80 = arith.constant 0 : i32
      %dma_wait3A_81 = tpu.memref_slice %arg7[%add3A_79, %dma_wait3A_80] : memref<80x125xi32, #tpu.memory_space<vmem>> -> memref<1x125xi32, #tpu.memory_space<vmem>>
      %dma_wait3A_82 = tpu.memref_squeeze %dma_wait3A_81 : memref<1x125xi32, #tpu.memory_space<vmem>> -> memref<125xi32, #tpu.memory_space<vmem>>
      %dma_wait3A_83 = arith.constant 0 : i32
      %dma_wait3A_84 = arith.constant 0 : i32
      %dma_wait3A_85 = tpu.memref_slice %arg2[%dma_wait3A_83, %dma_wait3A_84] : memref<10000x128xf32, #tpu.memory_space<hbm>> -> memref<10000x128xf32, #tpu.memory_space<hbm>>
      tpu.wait_indirect_dma semaphore(%arg17 : memref<!tpu.dma_semaphore, #tpu.memory_space<semaphore_mem>>) src(%dma_wait3A_85 : memref<10000x128xf32, #tpu.memory_space<hbm>>) dst(%arg11 : memref<125x128xf32, #tpu.memory_space<vmem>>)
      %dma_start3A_86 = arith.constant 0 : i32
      %dma_start3A_87 = tpu.memref_slice %arg8[%add3A_79, %dma_start3A_86] : memref<80x125xi32, #tpu.memory_space<vmem>> -> memref<1x125xi32, #tpu.memory_space<vmem>>
      %dma_start3A_88 = tpu.memref_squeeze %dma_start3A_87 : memref<1x125xi32, #tpu.memory_space<vmem>> -> memref<125xi32, #tpu.memory_space<vmem>>
      %dma_start3A_89 = arith.constant 0 : i32
      %dma_start3A_90 = arith.constant 0 : i32
      %dma_start3A_91 = tpu.memref_slice %arg14[%dma_start3A_89, %dma_start3A_90] : memref<2048x128xf32, #tpu.memory_space<vmem_shared>> -> memref<2048x128xf32, #tpu.memory_space<vmem_shared>>
      tpu.enqueue_indirect_dma source(%arg11 : memref<125x128xf32, #tpu.memory_space<vmem>>) target(%dma_start3A_91 : memref<2048x128xf32, #tpu.memory_space<vmem_shared>>) offsets(%dma_start3A_88 : memref<125xi32, #tpu.memory_space<vmem>>) semaphore(%arg22 : memref<!tpu.dma_semaphore, #tpu.memory_space<semaphore_mem>>) {add = true}
      %add3A_92 = arith.constant 3 : i32
      %add3A_93 = arith.addi %mul3A_50, %add3A_92 : i32
      %dma_wait3A_94 = arith.constant 0 : i32
      %dma_wait3A_95 = tpu.memref_slice %arg7[%add3A_93, %dma_wait3A_94] : memref<80x125xi32, #tpu.memory_space<vmem>> -> memref<1x125xi32, #tpu.memory_space<vmem>>
      %dma_wait3A_96 = tpu.memref_squeeze %dma_wait3A_95 : memref<1x125xi32, #tpu.memory_space<vmem>> -> memref<125xi32, #tpu.memory_space<vmem>>
      %dma_wait3A_97 = arith.constant 0 : i32
      %dma_wait3A_98 = arith.constant 0 : i32
      %dma_wait3A_99 = tpu.memref_slice %arg2[%dma_wait3A_97, %dma_wait3A_98] : memref<10000x128xf32, #tpu.memory_space<hbm>> -> memref<10000x128xf32, #tpu.memory_space<hbm>>
      tpu.wait_indirect_dma semaphore(%arg18 : memref<!tpu.dma_semaphore, #tpu.memory_space<semaphore_mem>>) src(%dma_wait3A_99 : memref<10000x128xf32, #tpu.memory_space<hbm>>) dst(%arg12 : memref<125x128xf32, #tpu.memory_space<vmem>>)
      %dma_start3A_100 = arith.constant 0 : i32
      %dma_start3A_101 = tpu.memref_slice %arg8[%add3A_93, %dma_start3A_100] : memref<80x125xi32, #tpu.memory_space<vmem>> -> memref<1x125xi32, #tpu.memory_space<vmem>>
      %dma_start3A_102 = tpu.memref_squeeze %dma_start3A_101 : memref<1x125xi32, #tpu.memory_space<vmem>> -> memref<125xi32, #tpu.memory_space<vmem>>
      %dma_start3A_103 = arith.constant 0 : i32
      %dma_start3A_104 = arith.constant 0 : i32
      %dma_start3A_105 = tpu.memref_slice %arg14[%dma_start3A_103, %dma_start3A_104] : memref<2048x128xf32, #tpu.memory_space<vmem_shared>> -> memref<2048x128xf32, #tpu.memory_space<vmem_shared>>
      tpu.enqueue_indirect_dma source(%arg12 : memref<125x128xf32, #tpu.memory_space<vmem>>) target(%dma_start3A_105 : memref<2048x128xf32, #tpu.memory_space<vmem_shared>>) offsets(%dma_start3A_102 : memref<125xi32, #tpu.memory_space<vmem>>) semaphore(%arg23 : memref<!tpu.dma_semaphore, #tpu.memory_space<semaphore_mem>>) {add = true}
      %add3A_106 = arith.constant 4 : i32
      %add3A_107 = arith.addi %mul3A_50, %add3A_106 : i32
      %dma_wait3A_108 = arith.constant 0 : i32
      %dma_wait3A_109 = tpu.memref_slice %arg7[%add3A_107, %dma_wait3A_108] : memref<80x125xi32, #tpu.memory_space<vmem>> -> memref<1x125xi32, #tpu.memory_space<vmem>>
      %dma_wait3A_110 = tpu.memref_squeeze %dma_wait3A_109 : memref<1x125xi32, #tpu.memory_space<vmem>> -> memref<125xi32, #tpu.memory_space<vmem>>
      %dma_wait3A_111 = arith.constant 0 : i32
      %dma_wait3A_112 = arith.constant 0 : i32
      %dma_wait3A_113 = tpu.memref_slice %arg2[%dma_wait3A_111, %dma_wait3A_112] : memref<10000x128xf32, #tpu.memory_space<hbm>> -> memref<10000x128xf32, #tpu.memory_space<hbm>>
      tpu.wait_indirect_dma semaphore(%arg19 : memref<!tpu.dma_semaphore, #tpu.memory_space<semaphore_mem>>) src(%dma_wait3A_113 : memref<10000x128xf32, #tpu.memory_space<hbm>>) dst(%arg13 : memref<125x128xf32, #tpu.memory_space<vmem>>)
      %dma_start3A_114 = arith.constant 0 : i32
      %dma_start3A_115 = tpu.memref_slice %arg8[%add3A_107, %dma_start3A_114] : memref<80x125xi32, #tpu.memory_space<vmem>> -> memref<1x125xi32, #tpu.memory_space<vmem>>
      %dma_start3A_116 = tpu.memref_squeeze %dma_start3A_115 : memref<1x125xi32, #tpu.memory_space<vmem>> -> memref<125xi32, #tpu.memory_space<vmem>>
      %dma_start3A_117 = arith.constant 0 : i32
      %dma_start3A_118 = arith.constant 0 : i32
      %dma_start3A_119 = tpu.memref_slice %arg14[%dma_start3A_117, %dma_start3A_118] : memref<2048x128xf32, #tpu.memory_space<vmem_shared>> -> memref<2048x128xf32, #tpu.memory_space<vmem_shared>>
      tpu.enqueue_indirect_dma source(%arg13 : memref<125x128xf32, #tpu.memory_space<vmem>>) target(%dma_start3A_119 : memref<2048x128xf32, #tpu.memory_space<vmem_shared>>) offsets(%dma_start3A_116 : memref<125xi32, #tpu.memory_space<vmem>>) semaphore(%arg24 : memref<!tpu.dma_semaphore, #tpu.memory_space<semaphore_mem>>) {add = true}
      %add3A_120 = arith.constant 0 : i32
      %add3A_121 = arith.addi %mul3A_50, %add3A_120 : i32
      %dma_wait3A_122 = arith.constant 0 : i32
      %dma_wait3A_123 = tpu.memref_slice %arg8[%add3A_121, %dma_wait3A_122] : memref<80x125xi32, #tpu.memory_space<vmem>> -> memref<1x125xi32, #tpu.memory_space<vmem>>
      %dma_wait3A_124 = tpu.memref_squeeze %dma_wait3A_123 : memref<1x125xi32, #tpu.memory_space<vmem>> -> memref<125xi32, #tpu.memory_space<vmem>>
      %dma_wait3A_125 = arith.constant 0 : i32
      %dma_wait3A_126 = arith.constant 0 : i32
      %dma_wait3A_127 = tpu.memref_slice %arg14[%dma_wait3A_125, %dma_wait3A_126] : memref<2048x128xf32, #tpu.memory_space<vmem_shared>> -> memref<2048x128xf32, #tpu.memory_space<vmem_shared>>
      tpu.wait_indirect_dma semaphore(%arg20 : memref<!tpu.dma_semaphore, #tpu.memory_space<semaphore_mem>>) src(%arg9 : memref<125x128xf32, #tpu.memory_space<vmem>>) dst(%dma_wait3A_127 : memref<2048x128xf32, #tpu.memory_space<vmem_shared>>)
      %lt3A_128 = arith.constant 15 : i32
      %lt3A_129 = arith.cmpi slt, %scan3A_48, %lt3A_128 : i32
      %convert_element_type3A_130 = arith.extui %lt3A_129 : i1 to i32
      %cond3A_131 = arith.constant 0 : i32
      %cond3A_132 = arith.cmpi ne, %convert_element_type3A_130, %cond3A_131 : i32
      scf.if %cond3A_132 {
        %add3A_185 = arith.constant 5 : i32
        %add3A_186 = arith.addi %add3A_121, %add3A_185 : i32
        %dma_start3A_187 = arith.constant 0 : i32
        %dma_start3A_188 = tpu.memref_slice %arg7[%add3A_186, %dma_start3A_187] : memref<80x125xi32, #tpu.memory_space<vmem>> -> memref<1x125xi32, #tpu.memory_space<vmem>>
        %dma_start3A_189 = tpu.memref_squeeze %dma_start3A_188 : memref<1x125xi32, #tpu.memory_space<vmem>> -> memref<125xi32, #tpu.memory_space<vmem>>
        %dma_start3A_190 = arith.constant 0 : i32
        %dma_start3A_191 = arith.constant 0 : i32
        %dma_start3A_192 = tpu.memref_slice %arg2[%dma_start3A_190, %dma_start3A_191] : memref<10000x128xf32, #tpu.memory_space<hbm>> -> memref<10000x128xf32, #tpu.memory_space<hbm>>
        tpu.enqueue_indirect_dma source(%dma_start3A_192 : memref<10000x128xf32, #tpu.memory_space<hbm>>) target(%arg9 : memref<125x128xf32, #tpu.memory_space<vmem>>) offsets(%dma_start3A_189 : memref<125xi32, #tpu.memory_space<vmem>>) semaphore(%arg15 : memref<!tpu.dma_semaphore, #tpu.memory_space<semaphore_mem>>)
      } else {
      }
      %add3A_133 = arith.constant 1 : i32
      %add3A_134 = arith.addi %mul3A_50, %add3A_133 : i32
      %dma_wait3A_135 = arith.constant 0 : i32
      %dma_wait3A_136 = tpu.memref_slice %arg8[%add3A_134, %dma_wait3A_135] : memref<80x125xi32, #tpu.memory_space<vmem>> -> memref<1x125xi32, #tpu.memory_space<vmem>>
      %dma_wait3A_137 = tpu.memref_squeeze %dma_wait3A_136 : memref<1x125xi32, #tpu.memory_space<vmem>> -> memref<125xi32, #tpu.memory_space<vmem>>
      %dma_wait3A_138 = arith.constant 0 : i32
      %dma_wait3A_139 = arith.constant 0 : i32
      %dma_wait3A_140 = tpu.memref_slice %arg14[%dma_wait3A_138, %dma_wait3A_139] : memref<2048x128xf32, #tpu.memory_space<vmem_shared>> -> memref<2048x128xf32, #tpu.memory_space<vmem_shared>>
      tpu.wait_indirect_dma semaphore(%arg21 : memref<!tpu.dma_semaphore, #tpu.memory_space<semaphore_mem>>) src(%arg10 : memref<125x128xf32, #tpu.memory_space<vmem>>) dst(%dma_wait3A_140 : memref<2048x128xf32, #tpu.memory_space<vmem_shared>>)
      %lt3A_141 = arith.constant 15 : i32
      %lt3A_142 = arith.cmpi slt, %scan3A_48, %lt3A_141 : i32
      %convert_element_type3A_143 = arith.extui %lt3A_142 : i1 to i32
      %cond3A_144 = arith.constant 0 : i32
      %cond3A_145 = arith.cmpi ne, %convert_element_type3A_143, %cond3A_144 : i32
      scf.if %cond3A_145 {
        %add3A_185 = arith.constant 5 : i32
        %add3A_186 = arith.addi %add3A_134, %add3A_185 : i32
        %dma_start3A_187 = arith.constant 0 : i32
        %dma_start3A_188 = tpu.memref_slice %arg7[%add3A_186, %dma_start3A_187] : memref<80x125xi32, #tpu.memory_space<vmem>> -> memref<1x125xi32, #tpu.memory_space<vmem>>
        %dma_start3A_189 = tpu.memref_squeeze %dma_start3A_188 : memref<1x125xi32, #tpu.memory_space<vmem>> -> memref<125xi32, #tpu.memory_space<vmem>>
        %dma_start3A_190 = arith.constant 0 : i32
        %dma_start3A_191 = arith.constant 0 : i32
        %dma_start3A_192 = tpu.memref_slice %arg2[%dma_start3A_190, %dma_start3A_191] : memref<10000x128xf32, #tpu.memory_space<hbm>> -> memref<10000x128xf32, #tpu.memory_space<hbm>>
        tpu.enqueue_indirect_dma source(%dma_start3A_192 : memref<10000x128xf32, #tpu.memory_space<hbm>>) target(%arg10 : memref<125x128xf32, #tpu.memory_space<vmem>>) offsets(%dma_start3A_189 : memref<125xi32, #tpu.memory_space<vmem>>) semaphore(%arg16 : memref<!tpu.dma_semaphore, #tpu.memory_space<semaphore_mem>>)
      } else {
      }
      %add3A_146 = arith.constant 2 : i32
      %add3A_147 = arith.addi %mul3A_50, %add3A_146 : i32
      %dma_wait3A_148 = arith.constant 0 : i32
      %dma_wait3A_149 = tpu.memref_slice %arg8[%add3A_147, %dma_wait3A_148] : memref<80x125xi32, #tpu.memory_space<vmem>> -> memref<1x125xi32, #tpu.memory_space<vmem>>
      %dma_wait3A_150 = tpu.memref_squeeze %dma_wait3A_149 : memref<1x125xi32, #tpu.memory_space<vmem>> -> memref<125xi32, #tpu.memory_space<vmem>>
      %dma_wait3A_151 = arith.constant 0 : i32
      %dma_wait3A_152 = arith.constant 0 : i32
      %dma_wait3A_153 = tpu.memref_slice %arg14[%dma_wait3A_151, %dma_wait3A_152] : memref<2048x128xf32, #tpu.memory_space<vmem_shared>> -> memref<2048x128xf32, #tpu.memory_space<vmem_shared>>
      tpu.wait_indirect_dma semaphore(%arg22 : memref<!tpu.dma_semaphore, #tpu.memory_space<semaphore_mem>>) src(%arg11 : memref<125x128xf32, #tpu.memory_space<vmem>>) dst(%dma_wait3A_153 : memref<2048x128xf32, #tpu.memory_space<vmem_shared>>)
      %lt3A_154 = arith.constant 15 : i32
      %lt3A_155 = arith.cmpi slt, %scan3A_48, %lt3A_154 : i32
      %convert_element_type3A_156 = arith.extui %lt3A_155 : i1 to i32
      %cond3A_157 = arith.constant 0 : i32
      %cond3A_158 = arith.cmpi ne, %convert_element_type3A_156, %cond3A_157 : i32
      scf.if %cond3A_158 {
        %add3A_185 = arith.constant 5 : i32
        %add3A_186 = arith.addi %add3A_147, %add3A_185 : i32
        %dma_start3A_187 = arith.constant 0 : i32
        %dma_start3A_188 = tpu.memref_slice %arg7[%add3A_186, %dma_start3A_187] : memref<80x125xi32, #tpu.memory_space<vmem>> -> memref<1x125xi32, #tpu.memory_space<vmem>>
        %dma_start3A_189 = tpu.memref_squeeze %dma_start3A_188 : memref<1x125xi32, #tpu.memory_space<vmem>> -> memref<125xi32, #tpu.memory_space<vmem>>
        %dma_start3A_190 = arith.constant 0 : i32
        %dma_start3A_191 = arith.constant 0 : i32
        %dma_start3A_192 = tpu.memref_slice %arg2[%dma_start3A_190, %dma_start3A_191] : memref<10000x128xf32, #tpu.memory_space<hbm>> -> memref<10000x128xf32, #tpu.memory_space<hbm>>
        tpu.enqueue_indirect_dma source(%dma_start3A_192 : memref<10000x128xf32, #tpu.memory_space<hbm>>) target(%arg11 : memref<125x128xf32, #tpu.memory_space<vmem>>) offsets(%dma_start3A_189 : memref<125xi32, #tpu.memory_space<vmem>>) semaphore(%arg17 : memref<!tpu.dma_semaphore, #tpu.memory_space<semaphore_mem>>)
      } else {
      }
      %add3A_159 = arith.constant 3 : i32
      %add3A_160 = arith.addi %mul3A_50, %add3A_159 : i32
      %dma_wait3A_161 = arith.constant 0 : i32
      %dma_wait3A_162 = tpu.memref_slice %arg8[%add3A_160, %dma_wait3A_161] : memref<80x125xi32, #tpu.memory_space<vmem>> -> memref<1x125xi32, #tpu.memory_space<vmem>>
      %dma_wait3A_163 = tpu.memref_squeeze %dma_wait3A_162 : memref<1x125xi32, #tpu.memory_space<vmem>> -> memref<125xi32, #tpu.memory_space<vmem>>
      %dma_wait3A_164 = arith.constant 0 : i32
      %dma_wait3A_165 = arith.constant 0 : i32
      %dma_wait3A_166 = tpu.memref_slice %arg14[%dma_wait3A_164, %dma_wait3A_165] : memref<2048x128xf32, #tpu.memory_space<vmem_shared>> -> memref<2048x128xf32, #tpu.memory_space<vmem_shared>>
      tpu.wait_indirect_dma semaphore(%arg23 : memref<!tpu.dma_semaphore, #tpu.memory_space<semaphore_mem>>) src(%arg12 : memref<125x128xf32, #tpu.memory_space<vmem>>) dst(%dma_wait3A_166 : memref<2048x128xf32, #tpu.memory_space<vmem_shared>>)
      %lt3A_167 = arith.constant 15 : i32
      %lt3A_168 = arith.cmpi slt, %scan3A_48, %lt3A_167 : i32
      %convert_element_type3A_169 = arith.extui %lt3A_168 : i1 to i32
      %cond3A_170 = arith.constant 0 : i32
      %cond3A_171 = arith.cmpi ne, %convert_element_type3A_169, %cond3A_170 : i32
      scf.if %cond3A_171 {
        %add3A_185 = arith.constant 5 : i32
        %add3A_186 = arith.addi %add3A_160, %add3A_185 : i32
        %dma_start3A_187 = arith.constant 0 : i32
        %dma_start3A_188 = tpu.memref_slice %arg7[%add3A_186, %dma_start3A_187] : memref<80x125xi32, #tpu.memory_space<vmem>> -> memref<1x125xi32, #tpu.memory_space<vmem>>
        %dma_start3A_189 = tpu.memref_squeeze %dma_start3A_188 : memref<1x125xi32, #tpu.memory_space<vmem>> -> memref<125xi32, #tpu.memory_space<vmem>>
        %dma_start3A_190 = arith.constant 0 : i32
        %dma_start3A_191 = arith.constant 0 : i32
        %dma_start3A_192 = tpu.memref_slice %arg2[%dma_start3A_190, %dma_start3A_191] : memref<10000x128xf32, #tpu.memory_space<hbm>> -> memref<10000x128xf32, #tpu.memory_space<hbm>>
        tpu.enqueue_indirect_dma source(%dma_start3A_192 : memref<10000x128xf32, #tpu.memory_space<hbm>>) target(%arg12 : memref<125x128xf32, #tpu.memory_space<vmem>>) offsets(%dma_start3A_189 : memref<125xi32, #tpu.memory_space<vmem>>) semaphore(%arg18 : memref<!tpu.dma_semaphore, #tpu.memory_space<semaphore_mem>>)
      } else {
      }
      %add3A_172 = arith.constant 4 : i32
      %add3A_173 = arith.addi %mul3A_50, %add3A_172 : i32
      %dma_wait3A_174 = arith.constant 0 : i32
      %dma_wait3A_175 = tpu.memref_slice %arg8[%add3A_173, %dma_wait3A_174] : memref<80x125xi32, #tpu.memory_space<vmem>> -> memref<1x125xi32, #tpu.memory_space<vmem>>
      %dma_wait3A_176 = tpu.memref_squeeze %dma_wait3A_175 : memref<1x125xi32, #tpu.memory_space<vmem>> -> memref<125xi32, #tpu.memory_space<vmem>>
      %dma_wait3A_177 = arith.constant 0 : i32
      %dma_wait3A_178 = arith.constant 0 : i32
      %dma_wait3A_179 = tpu.memref_slice %arg14[%dma_wait3A_177, %dma_wait3A_178] : memref<2048x128xf32, #tpu.memory_space<vmem_shared>> -> memref<2048x128xf32, #tpu.memory_space<vmem_shared>>
      tpu.wait_indirect_dma semaphore(%arg24 : memref<!tpu.dma_semaphore, #tpu.memory_space<semaphore_mem>>) src(%arg13 : memref<125x128xf32, #tpu.memory_space<vmem>>) dst(%dma_wait3A_179 : memref<2048x128xf32, #tpu.memory_space<vmem_shared>>)
      %lt3A_180 = arith.constant 15 : i32
      %lt3A_181 = arith.cmpi slt, %scan3A_48, %lt3A_180 : i32
      %convert_element_type3A_182 = arith.extui %lt3A_181 : i1 to i32
      %cond3A_183 = arith.constant 0 : i32
      %cond3A_184 = arith.cmpi ne, %convert_element_type3A_182, %cond3A_183 : i32
      scf.if %cond3A_184 {
        %add3A_185 = arith.constant 5 : i32
        %add3A_186 = arith.addi %add3A_173, %add3A_185 : i32
        %dma_start3A_187 = arith.constant 0 : i32
        %dma_start3A_188 = tpu.memref_slice %arg7[%add3A_186, %dma_start3A_187] : memref<80x125xi32, #tpu.memory_space<vmem>> -> memref<1x125xi32, #tpu.memory_space<vmem>>
        %dma_start3A_189 = tpu.memref_squeeze %dma_start3A_188 : memref<1x125xi32, #tpu.memory_space<vmem>> -> memref<125xi32, #tpu.memory_space<vmem>>
        %dma_start3A_190 = arith.constant 0 : i32
        %dma_start3A_191 = arith.constant 0 : i32
        %dma_start3A_192 = tpu.memref_slice %arg2[%dma_start3A_190, %dma_start3A_191] : memref<10000x128xf32, #tpu.memory_space<hbm>> -> memref<10000x128xf32, #tpu.memory_space<hbm>>
        tpu.enqueue_indirect_dma source(%dma_start3A_192 : memref<10000x128xf32, #tpu.memory_space<hbm>>) target(%arg13 : memref<125x128xf32, #tpu.memory_space<vmem>>) offsets(%dma_start3A_189 : memref<125xi32, #tpu.memory_space<vmem>>) semaphore(%arg19 : memref<!tpu.dma_semaphore, #tpu.memory_space<semaphore_mem>>)
      } else {
      }
    }
    %scan3A_41 = arith.constant 16 : i32
    %barrier3A_42 = arith.constant 0 : index
    tpu.barrier barrier_id(%barrier3A_42)
    %lt3A_43 = arith.constant 16 : i32
    %lt3A_44 = arith.cmpi slt, %arg1, %lt3A_43 : i32
    %convert_element_type3A_45 = arith.extui %lt3A_44 : i1 to i32
    %cond3A_46 = arith.constant 0 : i32
    %cond3A_47 = arith.cmpi ne, %convert_element_type3A_45, %cond3A_46 : i32
    scf.if %cond3A_47 {
      %mul3A_48 = arith.constant 128 : i32
      %mul3A_49 = arith.muli %arg1, %mul3A_48 : i32
      %mul3A_50 = arith.constant 2048 : i32
      %mul3A_51 = arith.muli %arg0, %mul3A_50 : i32
      %mul3A_52 = arith.constant 128 : i32
      %mul3A_53 = arith.muli %arg1, %mul3A_52 : i32
      %add3A_54 = arith.addi %mul3A_51, %mul3A_53 : i32
      "tpu.region"() ({
        %run_scoped3A = tpu.sem_alloc : memref<!tpu.dma_semaphore, #tpu.memory_space<semaphore_mem>>
        %dma_start3A_55 = arith.constant 0 : i32
        %dma_start3A_56 = tpu.memref_slice %arg6[%add3A_54, %dma_start3A_55] : memref<4096x128xf32, #tpu.memory_space<hbm>> -> memref<128x128xf32, #tpu.memory_space<hbm>>
        %dma_start3A_57 = arith.constant 0 : i32
        %dma_start3A_58 = tpu.memref_slice %arg14[%mul3A_49, %dma_start3A_57] : memref<2048x128xf32, #tpu.memory_space<vmem_shared>> -> memref<128x128xf32, #tpu.memory_space<vmem_shared>>
        tpu.enqueue_dma source(%dma_start3A_58 : memref<128x128xf32, #tpu.memory_space<vmem_shared>>) target(%dma_start3A_56 : memref<128x128xf32, #tpu.memory_space<hbm>>) target_semaphore(%run_scoped3A : memref<!tpu.dma_semaphore, #tpu.memory_space<semaphore_mem>>)
        %dma_wait3A = arith.constant 0 : i32
        %dma_wait3A_59 = tpu.memref_slice %arg6[%add3A_54, %dma_wait3A] : memref<4096x128xf32, #tpu.memory_space<hbm>> -> memref<128x128xf32, #tpu.memory_space<hbm>>
        %dma_wait3A_60 = arith.constant 0 : i32
        %dma_wait3A_61 = tpu.memref_slice %arg14[%mul3A_49, %dma_wait3A_60] : memref<2048x128xf32, #tpu.memory_space<vmem_shared>> -> memref<128x128xf32, #tpu.memory_space<vmem_shared>>
        tpu.wait_dma2 semaphore(%run_scoped3A : memref<!tpu.dma_semaphore, #tpu.memory_space<semaphore_mem>>) src(%dma_wait3A_61 : memref<128x128xf32, #tpu.memory_space<vmem_shared>>) dst(%dma_wait3A_59 : memref<128x128xf32, #tpu.memory_space<hbm>>)
        tpu.yield
      }) : () -> ()
    } else {
    }
    return
  }
}

#map = affine_map<(d0, d1) -> (0, 0)>
#map1 = affine_map<(d0, d1) -> (0, 0, 0)>
module attributes {stable_mosaic.version = 14 : i64} {
  func.func @body(%arg0: i32, %arg1: i32, %arg2: memref<10000x128xf32, #tpu.memory_space<hbm>>, %arg3: memref<32x80x125xi32, #tpu.memory_space<hbm>>, %arg4: memref<32x80x125xi32, #tpu.memory_space<hbm>>, %arg5: memref<1000x128xf32, #tpu.memory_space<hbm>>, %arg6: memref<4096x128xf32, #tpu.memory_space<hbm>>, %arg7: memref<80x125xi32, #tpu.memory_space<vmem>>, %arg8: memref<80x125xi32, #tpu.memory_space<vmem>>, %arg9: memref<125x128xf32, #tpu.memory_space<vmem>>, %arg10: memref<125x128xf32, #tpu.memory_space<vmem>>, %arg11: memref<125x128xf32, #tpu.memory_space<vmem>>, %arg12: memref<125x128xf32, #tpu.memory_space<vmem>>, %arg13: memref<125x128xf32, #tpu.memory_space<vmem>>, %arg14: memref<2048x128xf32, #tpu.memory_space<vmem_shared>>, %arg15: memref<!tpu.dma_semaphore, #tpu.memory_space<semaphore_mem>>, %arg16: memref<!tpu.dma_semaphore, #tpu.memory_space<semaphore_mem>>, %arg17: memref<!tpu.dma_semaphore, #tpu.memory_space<semaphore_mem>>, %arg18: memref<!tpu.dma_semaphore, #tpu.memory_space<semaphore_mem>>, %arg19: memref<!tpu.dma_semaphore, #tpu.memory_space<semaphore_mem>>, %arg20: memref<!tpu.dma_semaphore, #tpu.memory_space<semaphore_mem>>, %arg21: memref<!tpu.dma_semaphore, #tpu.memory_space<semaphore_mem>>, %arg22: memref<!tpu.dma_semaphore, #tpu.memory_space<semaphore_mem>>, %arg23: memref<!tpu.dma_semaphore, #tpu.memory_space<semaphore_mem>>, %arg24: memref<!tpu.dma_semaphore, #tpu.memory_space<semaphore_mem>>) attributes {dimension_semantics = [#tpu.dimension_semantics<core_parallel>, #tpu.dimension_semantics<subcore_parallel>], iteration_bounds = array<i64: 2, 16>, scalar_prefetch = 0 : i64, scratch_operands = 18 : i64, tpu.core_type = #tpu.core_type<sc_vector_subcore>, window_params = [{transform_indices = #map}, {transform_indices = #map1}, {transform_indices = #map1}, {transform_indices = #map}, {transform_indices = #map}]} {
    %mul3A = arith.constant 2 : i32
    %mul3A_0 = arith.muli %arg1, %mul3A : i32
    %add3A = arith.addi %mul3A_0, %arg0 : i32
    %lt3A = arith.constant 16 : i32
    %lt3A_1 = arith.cmpi slt, %arg1, %lt3A : i32
    %convert_element_type3A = arith.extui %lt3A_1 : i1 to i32
    %cond3A = arith.constant 0 : i32
    %cond3A_2 = arith.cmpi ne, %convert_element_type3A, %cond3A : i32
    scf.if %cond3A_2 {
      %mul3A_48 = arith.constant 128 : i32
      %mul3A_49 = arith.muli %arg1, %mul3A_48 : i32
      "tpu.region"() ({
        %run_scoped3A = tpu.sem_alloc : memref<!tpu.dma_semaphore, #tpu.memory_space<semaphore_mem>>
        %dma_start3A_50 = arith.constant 0 : i32
        %dma_start3A_51 = tpu.memref_slice %arg14[%mul3A_49, %dma_start3A_50] : memref<2048x128xf32, #tpu.memory_space<vmem_shared>> -> memref<128x128xf32, #tpu.memory_space<vmem_shared>>
        %dma_start3A_52 = arith.constant 0 : i32
        %dma_start3A_53 = arith.constant 0 : i32
        %dma_start3A_54 = tpu.memref_slice %arg5[%dma_start3A_52, %dma_start3A_53] : memref<1000x128xf32, #tpu.memory_space<hbm>> -> memref<128x128xf32, #tpu.memory_space<hbm>>
        tpu.enqueue_dma source(%dma_start3A_54 : memref<128x128xf32, #tpu.memory_space<hbm>>) target(%dma_start3A_51 : memref<128x128xf32, #tpu.memory_space<vmem_shared>>) target_semaphore(%run_scoped3A : memref<!tpu.dma_semaphore, #tpu.memory_space<semaphore_mem>>)
        %dma_wait3A = arith.constant 0 : i32
        %dma_wait3A_55 = tpu.memref_slice %arg14[%mul3A_49, %dma_wait3A] : memref<2048x128xf32, #tpu.memory_space<vmem_shared>> -> memref<128x128xf32, #tpu.memory_space<vmem_shared>>
        %dma_wait3A_56 = arith.constant 0 : i32
        %dma_wait3A_57 = arith.constant 0 : i32
        %dma_wait3A_58 = tpu.memref_slice %arg5[%dma_wait3A_56, %dma_wait3A_57] : memref<1000x128xf32, #tpu.memory_space<hbm>> -> memref<128x128xf32, #tpu.memory_space<hbm>>
        tpu.wait_dma2 semaphore(%run_scoped3A : memref<!tpu.dma_semaphore, #tpu.memory_space<semaphore_mem>>) src(%dma_wait3A_58 : memref<128x128xf32, #tpu.memory_space<hbm>>) dst(%dma_wait3A_55 : memref<128x128xf32, #tpu.memory_space<vmem_shared>>)
        tpu.yield
      }) : () -> ()
    } else {
    }
    %barrier3A = arith.constant 0 : index
    tpu.barrier barrier_id(%barrier3A)
    "tpu.region"() ({
      %run_scoped3A = tpu.sem_alloc : memref<!tpu.dma_semaphore, #tpu.memory_space<semaphore_mem>>
      %dma_start3A_48 = arith.constant 0 : i32
      %dma_start3A_49 = arith.constant 0 : i32
      %dma_start3A_50 = tpu.memref_slice %arg3[%add3A, %dma_start3A_48, %dma_start3A_49] : memref<32x80x125xi32, #tpu.memory_space<hbm>> -> memref<1x80x125xi32, #tpu.memory_space<hbm>>
      %dma_start3A_51 = tpu.memref_squeeze %dma_start3A_50 : memref<1x80x125xi32, #tpu.memory_space<hbm>> -> memref<80x125xi32, #tpu.memory_space<hbm>>
      %dma_start3A_52 = arith.constant 0 : i32
      %dma_start3A_53 = arith.constant 0 : i32
      %dma_start3A_54 = tpu.memref_slice %arg3[%add3A, %dma_start3A_52, %dma_start3A_53] : memref<32x80x125xi32, #tpu.memory_space<hbm>> -> memref<1x80x125xi32, #tpu.memory_space<hbm>>
      %dma_start3A_55 = tpu.memref_squeeze %dma_start3A_54 : memref<1x80x125xi32, #tpu.memory_space<hbm>> -> memref<80x125xi32, #tpu.memory_space<hbm>>
      tpu.enqueue_dma source(%dma_start3A_55 : memref<80x125xi32, #tpu.memory_space<hbm>>) target(%arg7 : memref<80x125xi32, #tpu.memory_space<vmem>>) target_semaphore(%run_scoped3A : memref<!tpu.dma_semaphore, #tpu.memory_space<semaphore_mem>>)
      %dma_wait3A = arith.constant 0 : i32
      %dma_wait3A_56 = arith.constant 0 : i32
      %dma_wait3A_57 = tpu.memref_slice %arg3[%add3A, %dma_wait3A, %dma_wait3A_56] : memref<32x80x125xi32, #tpu.memory_space<hbm>> -> memref<1x80x125xi32, #tpu.memory_space<hbm>>
      %dma_wait3A_58 = tpu.memref_squeeze %dma_wait3A_57 : memref<1x80x125xi32, #tpu.memory_space<hbm>> -> memref<80x125xi32, #tpu.memory_space<hbm>>
      %dma_wait3A_59 = arith.constant 0 : i32
      %dma_wait3A_60 = arith.constant 0 : i32
      %dma_wait3A_61 = tpu.memref_slice %arg3[%add3A, %dma_wait3A_59, %dma_wait3A_60] : memref<32x80x125xi32, #tpu.memory_space<hbm>> -> memref<1x80x125xi32, #tpu.memory_space<hbm>>
      %dma_wait3A_62 = tpu.memref_squeeze %dma_wait3A_61 : memref<1x80x125xi32, #tpu.memory_space<hbm>> -> memref<80x125xi32, #tpu.memory_space<hbm>>
      tpu.wait_dma2 semaphore(%run_scoped3A : memref<!tpu.dma_semaphore, #tpu.memory_space<semaphore_mem>>) src(%dma_wait3A_62 : memref<80x125xi32, #tpu.memory_space<hbm>>) dst(%arg7 : memref<80x125xi32, #tpu.memory_space<vmem>>)
      tpu.yield
    }) : () -> ()
    "tpu.region"() ({
      %run_scoped3A = tpu.sem_alloc : memref<!tpu.dma_semaphore, #tpu.memory_space<semaphore_mem>>
      %dma_start3A_48 = arith.constant 0 : i32
      %dma_start3A_49 = arith.constant 0 : i32
      %dma_start3A_50 = tpu.memref_slice %arg4[%add3A, %dma_start3A_48, %dma_start3A_49] : memref<32x80x125xi32, #tpu.memory_space<hbm>> -> memref<1x80x125xi32, #tpu.memory_space<hbm>>
      %dma_start3A_51 = tpu.memref_squeeze %dma_start3A_50 : memref<1x80x125xi32, #tpu.memory_space<hbm>> -> memref<80x125xi32, #tpu.memory_space<hbm>>
      %dma_start3A_52 = arith.constant 0 : i32
      %dma_start3A_53 = arith.constant 0 : i32
      %dma_start3A_54 = tpu.memref_slice %arg4[%add3A, %dma_start3A_52, %dma_start3A_53] : memref<32x80x125xi32, #tpu.memory_space<hbm>> -> memref<1x80x125xi32, #tpu.memory_space<hbm>>
      %dma_start3A_55 = tpu.memref_squeeze %dma_start3A_54 : memref<1x80x125xi32, #tpu.memory_space<hbm>> -> memref<80x125xi32, #tpu.memory_space<hbm>>
      tpu.enqueue_dma source(%dma_start3A_55 : memref<80x125xi32, #tpu.memory_space<hbm>>) target(%arg8 : memref<80x125xi32, #tpu.memory_space<vmem>>) target_semaphore(%run_scoped3A : memref<!tpu.dma_semaphore, #tpu.memory_space<semaphore_mem>>)
      %dma_wait3A = arith.constant 0 : i32
      %dma_wait3A_56 = arith.constant 0 : i32
      %dma_wait3A_57 = tpu.memref_slice %arg4[%add3A, %dma_wait3A, %dma_wait3A_56] : memref<32x80x125xi32, #tpu.memory_space<hbm>> -> memref<1x80x125xi32, #tpu.memory_space<hbm>>
      %dma_wait3A_58 = tpu.memref_squeeze %dma_wait3A_57 : memref<1x80x125xi32, #tpu.memory_space<hbm>> -> memref<80x125xi32, #tpu.memory_space<hbm>>
      %dma_wait3A_59 = arith.constant 0 : i32
      %dma_wait3A_60 = arith.constant 0 : i32
      %dma_wait3A_61 = tpu.memref_slice %arg4[%add3A, %dma_wait3A_59, %dma_wait3A_60] : memref<32x80x125xi32, #tpu.memory_space<hbm>> -> memref<1x80x125xi32, #tpu.memory_space<hbm>>
      %dma_wait3A_62 = tpu.memref_squeeze %dma_wait3A_61 : memref<1x80x125xi32, #tpu.memory_space<hbm>> -> memref<80x125xi32, #tpu.memory_space<hbm>>
      tpu.wait_dma2 semaphore(%run_scoped3A : memref<!tpu.dma_semaphore, #tpu.memory_space<semaphore_mem>>) src(%dma_wait3A_62 : memref<80x125xi32, #tpu.memory_space<hbm>>) dst(%arg8 : memref<80x125xi32, #tpu.memory_space<vmem>>)
      tpu.yield
    }) : () -> ()
    %dma_start3A = arith.constant 0 : i32
    %dma_start3A_3 = arith.constant 0 : i32
    %dma_start3A_4 = tpu.memref_slice %arg7[%dma_start3A, %dma_start3A_3] : memref<80x125xi32, #tpu.memory_space<vmem>> -> memref<1x125xi32, #tpu.memory_space<vmem>>
    %dma_start3A_5 = tpu.memref_squeeze %dma_start3A_4 : memref<1x125xi32, #tpu.memory_space<vmem>> -> memref<125xi32, #tpu.memory_space<vmem>>
    %dma_start3A_6 = arith.constant 0 : i32
    %dma_start3A_7 = arith.constant 0 : i32
    %dma_start3A_8 = tpu.memref_slice %arg2[%dma_start3A_6, %dma_start3A_7] : memref<10000x128xf32, #tpu.memory_space<hbm>> -> memref<10000x128xf32, #tpu.memory_space<hbm>>
    tpu.enqueue_indirect_dma source(%dma_start3A_8 : memref<10000x128xf32, #tpu.memory_space<hbm>>) target(%arg9 : memref<125x128xf32, #tpu.memory_space<vmem>>) offsets(%dma_start3A_5 : memref<125xi32, #tpu.memory_space<vmem>>) semaphore(%arg15 : memref<!tpu.dma_semaphore, #tpu.memory_space<semaphore_mem>>)
    %dma_start3A_9 = arith.constant 1 : i32
    %dma_start3A_10 = arith.constant 0 : i32
    %dma_start3A_11 = tpu.memref_slice %arg7[%dma_start3A_9, %dma_start3A_10] : memref<80x125xi32, #tpu.memory_space<vmem>> -> memref<1x125xi32, #tpu.memory_space<vmem>>
    %dma_start3A_12 = tpu.memref_squeeze %dma_start3A_11 : memref<1x125xi32, #tpu.memory_space<vmem>> -> memref<125xi32, #tpu.memory_space<vmem>>
    %dma_start3A_13 = arith.constant 0 : i32
    %dma_start3A_14 = arith.constant 0 : i32
    %dma_start3A_15 = tpu.memref_slice %arg2[%dma_start3A_13, %dma_start3A_14] : memref<10000x128xf32, #tpu.memory_space<hbm>> -> memref<10000x128xf32, #tpu.memory_space<hbm>>
    tpu.enqueue_indirect_dma source(%dma_start3A_15 : memref<10000x128xf32, #tpu.memory_space<hbm>>) target(%arg10 : memref<125x128xf32, #tpu.memory_space<vmem>>) offsets(%dma_start3A_12 : memref<125xi32, #tpu.memory_space<vmem>>) semaphore(%arg16 : memref<!tpu.dma_semaphore, #tpu.memory_space<semaphore_mem>>)
    %dma_start3A_16 = arith.constant 2 : i32
    %dma_start3A_17 = arith.constant 0 : i32
    %dma_start3A_18 = tpu.memref_slice %arg7[%dma_start3A_16, %dma_start3A_17] : memref<80x125xi32, #tpu.memory_space<vmem>> -> memref<1x125xi32, #tpu.memory_space<vmem>>
    %dma_start3A_19 = tpu.memref_squeeze %dma_start3A_18 : memref<1x125xi32, #tpu.memory_space<vmem>> -> memref<125xi32, #tpu.memory_space<vmem>>
    %dma_start3A_20 = arith.constant 0 : i32
    %dma_start3A_21 = arith.constant 0 : i32
    %dma_start3A_22 = tpu.memref_slice %arg2[%dma_start3A_20, %dma_start3A_21] : memref<10000x128xf32, #tpu.memory_space<hbm>> -> memref<10000x128xf32, #tpu.memory_space<hbm>>
    tpu.enqueue_indirect_dma source(%dma_start3A_22 : memref<10000x128xf32, #tpu.memory_space<hbm>>) target(%arg11 : memref<125x128xf32, #tpu.memory_space<vmem>>) offsets(%dma_start3A_19 : memref<125xi32, #tpu.memory_space<vmem>>) semaphore(%arg17 : memref<!tpu.dma_semaphore, #tpu.memory_space<semaphore_mem>>)
    %dma_start3A_23 = arith.constant 3 : i32
    %dma_start3A_24 = arith.constant 0 : i32
    %dma_start3A_25 = tpu.memref_slice %arg7[%dma_start3A_23, %dma_start3A_24] : memref<80x125xi32, #tpu.memory_space<vmem>> -> memref<1x125xi32, #tpu.memory_space<vmem>>
    %dma_start3A_26 = tpu.memref_squeeze %dma_start3A_25 : memref<1x125xi32, #tpu.memory_space<vmem>> -> memref<125xi32, #tpu.memory_space<vmem>>
    %dma_start3A_27 = arith.constant 0 : i32
    %dma_start3A_28 = arith.constant 0 : i32
    %dma_start3A_29 = tpu.memref_slice %arg2[%dma_start3A_27, %dma_start3A_28] : memref<10000x128xf32, #tpu.memory_space<hbm>> -> memref<10000x128xf32, #tpu.memory_space<hbm>>
    tpu.enqueue_indirect_dma source(%dma_start3A_29 : memref<10000x128xf32, #tpu.memory_space<hbm>>) target(%arg12 : memref<125x128xf32, #tpu.memory_space<vmem>>) offsets(%dma_start3A_26 : memref<125xi32, #tpu.memory_space<vmem>>) semaphore(%arg18 : memref<!tpu.dma_semaphore, #tpu.memory_space<semaphore_mem>>)
    %dma_start3A_30 = arith.constant 4 : i32
    %dma_start3A_31 = arith.constant 0 : i32
    %dma_start3A_32 = tpu.memref_slice %arg7[%dma_start3A_30, %dma_start3A_31] : memref<80x125xi32, #tpu.memory_space<vmem>> -> memref<1x125xi32, #tpu.memory_space<vmem>>
    %dma_start3A_33 = tpu.memref_squeeze %dma_start3A_32 : memref<1x125xi32, #tpu.memory_space<vmem>> -> memref<125xi32, #tpu.memory_space<vmem>>
    %dma_start3A_34 = arith.constant 0 : i32
    %dma_start3A_35 = arith.constant 0 : i32
    %dma_start3A_36 = tpu.memref_slice %arg2[%dma_start3A_34, %dma_start3A_35] : memref<10000x128xf32, #tpu.memory_space<hbm>> -> memref<10000x128xf32, #tpu.memory_space<hbm>>
    tpu.enqueue_indirect_dma source(%dma_start3A_36 : memref<10000x128xf32, #tpu.memory_space<hbm>>) target(%arg13 : memref<125x128xf32, #tpu.memory_space<vmem>>) offsets(%dma_start3A_33 : memref<125xi32, #tpu.memory_space<vmem>>) semaphore(%arg19 : memref<!tpu.dma_semaphore, #tpu.memory_space<semaphore_mem>>)
    %scan3A = arith.constant 0 : i32
    %scan3A_37 = arith.constant 0 : i32
    %scan3A_38 = arith.constant 16 : i32
    %scan3A_39 = arith.addi %scan3A_37, %scan3A_38 : i32
    %scan3A_40 = arith.constant 1 : i32
    scf.for %scan3A_48 = %scan3A_37 to %scan3A_39 step %scan3A_40  : i32 {
      %mul3A_49 = arith.constant 5 : i32
      %mul3A_50 = arith.muli %mul3A_49, %scan3A_48 : i32
      %add3A_51 = arith.constant 0 : i32
      %add3A_52 = arith.addi %mul3A_50, %add3A_51 : i32
      %dma_wait3A = arith.constant 0 : i32
      %dma_wait3A_53 = tpu.memref_slice %arg7[%add3A_52, %dma_wait3A] : memref<80x125xi32, #tpu.memory_space<vmem>> -> memref<1x125xi32, #tpu.memory_space<vmem>>
      %dma_wait3A_54 = tpu.memref_squeeze %dma_wait3A_53 : memref<1x125xi32, #tpu.memory_space<vmem>> -> memref<125xi32, #tpu.memory_space<vmem>>
      %dma_wait3A_55 = arith.constant 0 : i32
      %dma_wait3A_56 = arith.constant 0 : i32
      %dma_wait3A_57 = tpu.memref_slice %arg2[%dma_wait3A_55, %dma_wait3A_56] : memref<10000x128xf32, #tpu.memory_space<hbm>> -> memref<10000x128xf32, #tpu.memory_space<hbm>>
      tpu.wait_indirect_dma semaphore(%arg15 : memref<!tpu.dma_semaphore, #tpu.memory_space<semaphore_mem>>) src(%dma_wait3A_57 : memref<10000x128xf32, #tpu.memory_space<hbm>>) dst(%arg9 : memref<125x128xf32, #tpu.memory_space<vmem>>)
      %dma_start3A_58 = arith.constant 0 : i32
      %dma_start3A_59 = tpu.memref_slice %arg8[%add3A_52, %dma_start3A_58] : memref<80x125xi32, #tpu.memory_space<vmem>> -> memref<1x125xi32, #tpu.memory_space<vmem>>
      %dma_start3A_60 = tpu.memref_squeeze %dma_start3A_59 : memref<1x125xi32, #tpu.memory_space<vmem>> -> memref<125xi32, #tpu.memory_space<vmem>>
      %dma_start3A_61 = arith.constant 0 : i32
      %dma_start3A_62 = arith.constant 0 : i32
      %dma_start3A_63 = tpu.memref_slice %arg14[%dma_start3A_61, %dma_start3A_62] : memref<2048x128xf32, #tpu.memory_space<vmem_shared>> -> memref<2048x128xf32, #tpu.memory_space<vmem_shared>>
      tpu.enqueue_indirect_dma source(%arg9 : memref<125x128xf32, #tpu.memory_space<vmem>>) target(%dma_start3A_63 : memref<2048x128xf32, #tpu.memory_space<vmem_shared>>) offsets(%dma_start3A_60 : memref<125xi32, #tpu.memory_space<vmem>>) semaphore(%arg20 : memref<!tpu.dma_semaphore, #tpu.memory_space<semaphore_mem>>) {add = true}
      %add3A_64 = arith.constant 1 : i32
      %add3A_65 = arith.addi %mul3A_50, %add3A_64 : i32
      %dma_wait3A_66 = arith.constant 0 : i32
      %dma_wait3A_67 = tpu.memref_slice %arg7[%add3A_65, %dma_wait3A_66] : memref<80x125xi32, #tpu.memory_space<vmem>> -> memref<1x125xi32, #tpu.memory_space<vmem>>
      %dma_wait3A_68 = tpu.memref_squeeze %dma_wait3A_67 : memref<1x125xi32, #tpu.memory_space<vmem>> -> memref<125xi32, #tpu.memory_space<vmem>>
      %dma_wait3A_69 = arith.constant 0 : i32
      %dma_wait3A_70 = arith.constant 0 : i32
      %dma_wait3A_71 = tpu.memref_slice %arg2[%dma_wait3A_69, %dma_wait3A_70] : memref<10000x128xf32, #tpu.memory_space<hbm>> -> memref<10000x128xf32, #tpu.memory_space<hbm>>
      tpu.wait_indirect_dma semaphore(%arg16 : memref<!tpu.dma_semaphore, #tpu.memory_space<semaphore_mem>>) src(%dma_wait3A_71 : memref<10000x128xf32, #tpu.memory_space<hbm>>) dst(%arg10 : memref<125x128xf32, #tpu.memory_space<vmem>>)
      %dma_start3A_72 = arith.constant 0 : i32
      %dma_start3A_73 = tpu.memref_slice %arg8[%add3A_65, %dma_start3A_72] : memref<80x125xi32, #tpu.memory_space<vmem>> -> memref<1x125xi32, #tpu.memory_space<vmem>>
      %dma_start3A_74 = tpu.memref_squeeze %dma_start3A_73 : memref<1x125xi32, #tpu.memory_space<vmem>> -> memref<125xi32, #tpu.memory_space<vmem>>
      %dma_start3A_75 = arith.constant 0 : i32
      %dma_start3A_76 = arith.constant 0 : i32
      %dma_start3A_77 = tpu.memref_slice %arg14[%dma_start3A_75, %dma_start3A_76] : memref<2048x128xf32, #tpu.memory_space<vmem_shared>> -> memref<2048x128xf32, #tpu.memory_space<vmem_shared>>
      tpu.enqueue_indirect_dma source(%arg10 : memref<125x128xf32, #tpu.memory_space<vmem>>) target(%dma_start3A_77 : memref<2048x128xf32, #tpu.memory_space<vmem_shared>>) offsets(%dma_start3A_74 : memref<125xi32, #tpu.memory_space<vmem>>) semaphore(%arg21 : memref<!tpu.dma_semaphore, #tpu.memory_space<semaphore_mem>>) {add = true}
      %add3A_78 = arith.constant 2 : i32
      %add3A_79 = arith.addi %mul3A_50, %add3A_78 : i32
      %dma_wait3A_80 = arith.constant 0 : i32
      %dma_wait3A_81 = tpu.memref_slice %arg7[%add3A_79, %dma_wait3A_80] : memref<80x125xi32, #tpu.memory_space<vmem>> -> memref<1x125xi32, #tpu.memory_space<vmem>>
      %dma_wait3A_82 = tpu.memref_squeeze %dma_wait3A_81 : memref<1x125xi32, #tpu.memory_space<vmem>> -> memref<125xi32, #tpu.memory_space<vmem>>
      %dma_wait3A_83 = arith.constant 0 : i32
      %dma_wait3A_84 = arith.constant 0 : i32
      %dma_wait3A_85 = tpu.memref_slice %arg2[%dma_wait3A_83, %dma_wait3A_84] : memref<10000x128xf32, #tpu.memory_space<hbm>> -> memref<10000x128xf32, #tpu.memory_space<hbm>>
      tpu.wait_indirect_dma semaphore(%arg17 : memref<!tpu.dma_semaphore, #tpu.memory_space<semaphore_mem>>) src(%dma_wait3A_85 : memref<10000x128xf32, #tpu.memory_space<hbm>>) dst(%arg11 : memref<125x128xf32, #tpu.memory_space<vmem>>)
      %dma_start3A_86 = arith.constant 0 : i32
      %dma_start3A_87 = tpu.memref_slice %arg8[%add3A_79, %dma_start3A_86] : memref<80x125xi32, #tpu.memory_space<vmem>> -> memref<1x125xi32, #tpu.memory_space<vmem>>
      %dma_start3A_88 = tpu.memref_squeeze %dma_start3A_87 : memref<1x125xi32, #tpu.memory_space<vmem>> -> memref<125xi32, #tpu.memory_space<vmem>>
      %dma_start3A_89 = arith.constant 0 : i32
      %dma_start3A_90 = arith.constant 0 : i32
      %dma_start3A_91 = tpu.memref_slice %arg14[%dma_start3A_89, %dma_start3A_90] : memref<2048x128xf32, #tpu.memory_space<vmem_shared>> -> memref<2048x128xf32, #tpu.memory_space<vmem_shared>>
      tpu.enqueue_indirect_dma source(%arg11 : memref<125x128xf32, #tpu.memory_space<vmem>>) target(%dma_start3A_91 : memref<2048x128xf32, #tpu.memory_space<vmem_shared>>) offsets(%dma_start3A_88 : memref<125xi32, #tpu.memory_space<vmem>>) semaphore(%arg22 : memref<!tpu.dma_semaphore, #tpu.memory_space<semaphore_mem>>) {add = true}
      %add3A_92 = arith.constant 3 : i32
      %add3A_93 = arith.addi %mul3A_50, %add3A_92 : i32
      %dma_wait3A_94 = arith.constant 0 : i32
      %dma_wait3A_95 = tpu.memref_slice %arg7[%add3A_93, %dma_wait3A_94] : memref<80x125xi32, #tpu.memory_space<vmem>> -> memref<1x125xi32, #tpu.memory_space<vmem>>
      %dma_wait3A_96 = tpu.memref_squeeze %dma_wait3A_95 : memref<1x125xi32, #tpu.memory_space<vmem>> -> memref<125xi32, #tpu.memory_space<vmem>>
      %dma_wait3A_97 = arith.constant 0 : i32
      %dma_wait3A_98 = arith.constant 0 : i32
      %dma_wait3A_99 = tpu.memref_slice %arg2[%dma_wait3A_97, %dma_wait3A_98] : memref<10000x128xf32, #tpu.memory_space<hbm>> -> memref<10000x128xf32, #tpu.memory_space<hbm>>
      tpu.wait_indirect_dma semaphore(%arg18 : memref<!tpu.dma_semaphore, #tpu.memory_space<semaphore_mem>>) src(%dma_wait3A_99 : memref<10000x128xf32, #tpu.memory_space<hbm>>) dst(%arg12 : memref<125x128xf32, #tpu.memory_space<vmem>>)
      %dma_start3A_100 = arith.constant 0 : i32
      %dma_start3A_101 = tpu.memref_slice %arg8[%add3A_93, %dma_start3A_100] : memref<80x125xi32, #tpu.memory_space<vmem>> -> memref<1x125xi32, #tpu.memory_space<vmem>>
      %dma_start3A_102 = tpu.memref_squeeze %dma_start3A_101 : memref<1x125xi32, #tpu.memory_space<vmem>> -> memref<125xi32, #tpu.memory_space<vmem>>
      %dma_start3A_103 = arith.constant 0 : i32
      %dma_start3A_104 = arith.constant 0 : i32
      %dma_start3A_105 = tpu.memref_slice %arg14[%dma_start3A_103, %dma_start3A_104] : memref<2048x128xf32, #tpu.memory_space<vmem_shared>> -> memref<2048x128xf32, #tpu.memory_space<vmem_shared>>
      tpu.enqueue_indirect_dma source(%arg12 : memref<125x128xf32, #tpu.memory_space<vmem>>) target(%dma_start3A_105 : memref<2048x128xf32, #tpu.memory_space<vmem_shared>>) offsets(%dma_start3A_102 : memref<125xi32, #tpu.memory_space<vmem>>) semaphore(%arg23 : memref<!tpu.dma_semaphore, #tpu.memory_space<semaphore_mem>>) {add = true}
      %add3A_106 = arith.constant 4 : i32
      %add3A_107 = arith.addi %mul3A_50, %add3A_106 : i32
      %dma_wait3A_108 = arith.constant 0 : i32
      %dma_wait3A_109 = tpu.memref_slice %arg7[%add3A_107, %dma_wait3A_108] : memref<80x125xi32, #tpu.memory_space<vmem>> -> memref<1x125xi32, #tpu.memory_space<vmem>>
      %dma_wait3A_110 = tpu.memref_squeeze %dma_wait3A_109 : memref<1x125xi32, #tpu.memory_space<vmem>> -> memref<125xi32, #tpu.memory_space<vmem>>
      %dma_wait3A_111 = arith.constant 0 : i32
      %dma_wait3A_112 = arith.constant 0 : i32
      %dma_wait3A_113 = tpu.memref_slice %arg2[%dma_wait3A_111, %dma_wait3A_112] : memref<10000x128xf32, #tpu.memory_space<hbm>> -> memref<10000x128xf32, #tpu.memory_space<hbm>>
      tpu.wait_indirect_dma semaphore(%arg19 : memref<!tpu.dma_semaphore, #tpu.memory_space<semaphore_mem>>) src(%dma_wait3A_113 : memref<10000x128xf32, #tpu.memory_space<hbm>>) dst(%arg13 : memref<125x128xf32, #tpu.memory_space<vmem>>)
      %dma_start3A_114 = arith.constant 0 : i32
      %dma_start3A_115 = tpu.memref_slice %arg8[%add3A_107, %dma_start3A_114] : memref<80x125xi32, #tpu.memory_space<vmem>> -> memref<1x125xi32, #tpu.memory_space<vmem>>
      %dma_start3A_116 = tpu.memref_squeeze %dma_start3A_115 : memref<1x125xi32, #tpu.memory_space<vmem>> -> memref<125xi32, #tpu.memory_space<vmem>>
      %dma_start3A_117 = arith.constant 0 : i32
      %dma_start3A_118 = arith.constant 0 : i32
      %dma_start3A_119 = tpu.memref_slice %arg14[%dma_start3A_117, %dma_start3A_118] : memref<2048x128xf32, #tpu.memory_space<vmem_shared>> -> memref<2048x128xf32, #tpu.memory_space<vmem_shared>>
      tpu.enqueue_indirect_dma source(%arg13 : memref<125x128xf32, #tpu.memory_space<vmem>>) target(%dma_start3A_119 : memref<2048x128xf32, #tpu.memory_space<vmem_shared>>) offsets(%dma_start3A_116 : memref<125xi32, #tpu.memory_space<vmem>>) semaphore(%arg24 : memref<!tpu.dma_semaphore, #tpu.memory_space<semaphore_mem>>) {add = true}
      %add3A_120 = arith.constant 0 : i32
      %add3A_121 = arith.addi %mul3A_50, %add3A_120 : i32
      %dma_wait3A_122 = arith.constant 0 : i32
      %dma_wait3A_123 = tpu.memref_slice %arg8[%add3A_121, %dma_wait3A_122] : memref<80x125xi32, #tpu.memory_space<vmem>> -> memref<1x125xi32, #tpu.memory_space<vmem>>
      %dma_wait3A_124 = tpu.memref_squeeze %dma_wait3A_123 : memref<1x125xi32, #tpu.memory_space<vmem>> -> memref<125xi32, #tpu.memory_space<vmem>>
      %dma_wait3A_125 = arith.constant 0 : i32
      %dma_wait3A_126 = arith.constant 0 : i32
      %dma_wait3A_127 = tpu.memref_slice %arg14[%dma_wait3A_125, %dma_wait3A_126] : memref<2048x128xf32, #tpu.memory_space<vmem_shared>> -> memref<2048x128xf32, #tpu.memory_space<vmem_shared>>
      tpu.wait_indirect_dma semaphore(%arg20 : memref<!tpu.dma_semaphore, #tpu.memory_space<semaphore_mem>>) src(%arg9 : memref<125x128xf32, #tpu.memory_space<vmem>>) dst(%dma_wait3A_127 : memref<2048x128xf32, #tpu.memory_space<vmem_shared>>)
      %lt3A_128 = arith.constant 15 : i32
      %lt3A_129 = arith.cmpi slt, %scan3A_48, %lt3A_128 : i32
      %convert_element_type3A_130 = arith.extui %lt3A_129 : i1 to i32
      %cond3A_131 = arith.constant 0 : i32
      %cond3A_132 = arith.cmpi ne, %convert_element_type3A_130, %cond3A_131 : i32
      scf.if %cond3A_132 {
        %add3A_185 = arith.constant 5 : i32
        %add3A_186 = arith.addi %add3A_121, %add3A_185 : i32
        %dma_start3A_187 = arith.constant 0 : i32
        %dma_start3A_188 = tpu.memref_slice %arg7[%add3A_186, %dma_start3A_187] : memref<80x125xi32, #tpu.memory_space<vmem>> -> memref<1x125xi32, #tpu.memory_space<vmem>>
        %dma_start3A_189 = tpu.memref_squeeze %dma_start3A_188 : memref<1x125xi32, #tpu.memory_space<vmem>> -> memref<125xi32, #tpu.memory_space<vmem>>
        %dma_start3A_190 = arith.constant 0 : i32
        %dma_start3A_191 = arith.constant 0 : i32
        %dma_start3A_192 = tpu.memref_slice %arg2[%dma_start3A_190, %dma_start3A_191] : memref<10000x128xf32, #tpu.memory_space<hbm>> -> memref<10000x128xf32, #tpu.memory_space<hbm>>
        tpu.enqueue_indirect_dma source(%dma_start3A_192 : memref<10000x128xf32, #tpu.memory_space<hbm>>) target(%arg9 : memref<125x128xf32, #tpu.memory_space<vmem>>) offsets(%dma_start3A_189 : memref<125xi32, #tpu.memory_space<vmem>>) semaphore(%arg15 : memref<!tpu.dma_semaphore, #tpu.memory_space<semaphore_mem>>)
      } else {
      }
      %add3A_133 = arith.constant 1 : i32
      %add3A_134 = arith.addi %mul3A_50, %add3A_133 : i32
      %dma_wait3A_135 = arith.constant 0 : i32
      %dma_wait3A_136 = tpu.memref_slice %arg8[%add3A_134, %dma_wait3A_135] : memref<80x125xi32, #tpu.memory_space<vmem>> -> memref<1x125xi32, #tpu.memory_space<vmem>>
      %dma_wait3A_137 = tpu.memref_squeeze %dma_wait3A_136 : memref<1x125xi32, #tpu.memory_space<vmem>> -> memref<125xi32, #tpu.memory_space<vmem>>
      %dma_wait3A_138 = arith.constant 0 : i32
      %dma_wait3A_139 = arith.constant 0 : i32
      %dma_wait3A_140 = tpu.memref_slice %arg14[%dma_wait3A_138, %dma_wait3A_139] : memref<2048x128xf32, #tpu.memory_space<vmem_shared>> -> memref<2048x128xf32, #tpu.memory_space<vmem_shared>>
      tpu.wait_indirect_dma semaphore(%arg21 : memref<!tpu.dma_semaphore, #tpu.memory_space<semaphore_mem>>) src(%arg10 : memref<125x128xf32, #tpu.memory_space<vmem>>) dst(%dma_wait3A_140 : memref<2048x128xf32, #tpu.memory_space<vmem_shared>>)
      %lt3A_141 = arith.constant 15 : i32
      %lt3A_142 = arith.cmpi slt, %scan3A_48, %lt3A_141 : i32
      %convert_element_type3A_143 = arith.extui %lt3A_142 : i1 to i32
      %cond3A_144 = arith.constant 0 : i32
      %cond3A_145 = arith.cmpi ne, %convert_element_type3A_143, %cond3A_144 : i32
      scf.if %cond3A_145 {
        %add3A_185 = arith.constant 5 : i32
        %add3A_186 = arith.addi %add3A_134, %add3A_185 : i32
        %dma_start3A_187 = arith.constant 0 : i32
        %dma_start3A_188 = tpu.memref_slice %arg7[%add3A_186, %dma_start3A_187] : memref<80x125xi32, #tpu.memory_space<vmem>> -> memref<1x125xi32, #tpu.memory_space<vmem>>
        %dma_start3A_189 = tpu.memref_squeeze %dma_start3A_188 : memref<1x125xi32, #tpu.memory_space<vmem>> -> memref<125xi32, #tpu.memory_space<vmem>>
        %dma_start3A_190 = arith.constant 0 : i32
        %dma_start3A_191 = arith.constant 0 : i32
        %dma_start3A_192 = tpu.memref_slice %arg2[%dma_start3A_190, %dma_start3A_191] : memref<10000x128xf32, #tpu.memory_space<hbm>> -> memref<10000x128xf32, #tpu.memory_space<hbm>>
        tpu.enqueue_indirect_dma source(%dma_start3A_192 : memref<10000x128xf32, #tpu.memory_space<hbm>>) target(%arg10 : memref<125x128xf32, #tpu.memory_space<vmem>>) offsets(%dma_start3A_189 : memref<125xi32, #tpu.memory_space<vmem>>) semaphore(%arg16 : memref<!tpu.dma_semaphore, #tpu.memory_space<semaphore_mem>>)
      } else {
      }
      %add3A_146 = arith.constant 2 : i32
      %add3A_147 = arith.addi %mul3A_50, %add3A_146 : i32
      %dma_wait3A_148 = arith.constant 0 : i32
      %dma_wait3A_149 = tpu.memref_slice %arg8[%add3A_147, %dma_wait3A_148] : memref<80x125xi32, #tpu.memory_space<vmem>> -> memref<1x125xi32, #tpu.memory_space<vmem>>
      %dma_wait3A_150 = tpu.memref_squeeze %dma_wait3A_149 : memref<1x125xi32, #tpu.memory_space<vmem>> -> memref<125xi32, #tpu.memory_space<vmem>>
      %dma_wait3A_151 = arith.constant 0 : i32
      %dma_wait3A_152 = arith.constant 0 : i32
      %dma_wait3A_153 = tpu.memref_slice %arg14[%dma_wait3A_151, %dma_wait3A_152] : memref<2048x128xf32, #tpu.memory_space<vmem_shared>> -> memref<2048x128xf32, #tpu.memory_space<vmem_shared>>
      tpu.wait_indirect_dma semaphore(%arg22 : memref<!tpu.dma_semaphore, #tpu.memory_space<semaphore_mem>>) src(%arg11 : memref<125x128xf32, #tpu.memory_space<vmem>>) dst(%dma_wait3A_153 : memref<2048x128xf32, #tpu.memory_space<vmem_shared>>)
      %lt3A_154 = arith.constant 15 : i32
      %lt3A_155 = arith.cmpi slt, %scan3A_48, %lt3A_154 : i32
      %convert_element_type3A_156 = arith.extui %lt3A_155 : i1 to i32
      %cond3A_157 = arith.constant 0 : i32
      %cond3A_158 = arith.cmpi ne, %convert_element_type3A_156, %cond3A_157 : i32
      scf.if %cond3A_158 {
        %add3A_185 = arith.constant 5 : i32
        %add3A_186 = arith.addi %add3A_147, %add3A_185 : i32
        %dma_start3A_187 = arith.constant 0 : i32
        %dma_start3A_188 = tpu.memref_slice %arg7[%add3A_186, %dma_start3A_187] : memref<80x125xi32, #tpu.memory_space<vmem>> -> memref<1x125xi32, #tpu.memory_space<vmem>>
        %dma_start3A_189 = tpu.memref_squeeze %dma_start3A_188 : memref<1x125xi32, #tpu.memory_space<vmem>> -> memref<125xi32, #tpu.memory_space<vmem>>
        %dma_start3A_190 = arith.constant 0 : i32
        %dma_start3A_191 = arith.constant 0 : i32
        %dma_start3A_192 = tpu.memref_slice %arg2[%dma_start3A_190, %dma_start3A_191] : memref<10000x128xf32, #tpu.memory_space<hbm>> -> memref<10000x128xf32, #tpu.memory_space<hbm>>
        tpu.enqueue_indirect_dma source(%dma_start3A_192 : memref<10000x128xf32, #tpu.memory_space<hbm>>) target(%arg11 : memref<125x128xf32, #tpu.memory_space<vmem>>) offsets(%dma_start3A_189 : memref<125xi32, #tpu.memory_space<vmem>>) semaphore(%arg17 : memref<!tpu.dma_semaphore, #tpu.memory_space<semaphore_mem>>)
      } else {
      }
      %add3A_159 = arith.constant 3 : i32
      %add3A_160 = arith.addi %mul3A_50, %add3A_159 : i32
      %dma_wait3A_161 = arith.constant 0 : i32
      %dma_wait3A_162 = tpu.memref_slice %arg8[%add3A_160, %dma_wait3A_161] : memref<80x125xi32, #tpu.memory_space<vmem>> -> memref<1x125xi32, #tpu.memory_space<vmem>>
      %dma_wait3A_163 = tpu.memref_squeeze %dma_wait3A_162 : memref<1x125xi32, #tpu.memory_space<vmem>> -> memref<125xi32, #tpu.memory_space<vmem>>
      %dma_wait3A_164 = arith.constant 0 : i32
      %dma_wait3A_165 = arith.constant 0 : i32
      %dma_wait3A_166 = tpu.memref_slice %arg14[%dma_wait3A_164, %dma_wait3A_165] : memref<2048x128xf32, #tpu.memory_space<vmem_shared>> -> memref<2048x128xf32, #tpu.memory_space<vmem_shared>>
      tpu.wait_indirect_dma semaphore(%arg23 : memref<!tpu.dma_semaphore, #tpu.memory_space<semaphore_mem>>) src(%arg12 : memref<125x128xf32, #tpu.memory_space<vmem>>) dst(%dma_wait3A_166 : memref<2048x128xf32, #tpu.memory_space<vmem_shared>>)
      %lt3A_167 = arith.constant 15 : i32
      %lt3A_168 = arith.cmpi slt, %scan3A_48, %lt3A_167 : i32
      %convert_element_type3A_169 = arith.extui %lt3A_168 : i1 to i32
      %cond3A_170 = arith.constant 0 : i32
      %cond3A_171 = arith.cmpi ne, %convert_element_type3A_169, %cond3A_170 : i32
      scf.if %cond3A_171 {
        %add3A_185 = arith.constant 5 : i32
        %add3A_186 = arith.addi %add3A_160, %add3A_185 : i32
        %dma_start3A_187 = arith.constant 0 : i32
        %dma_start3A_188 = tpu.memref_slice %arg7[%add3A_186, %dma_start3A_187] : memref<80x125xi32, #tpu.memory_space<vmem>> -> memref<1x125xi32, #tpu.memory_space<vmem>>
        %dma_start3A_189 = tpu.memref_squeeze %dma_start3A_188 : memref<1x125xi32, #tpu.memory_space<vmem>> -> memref<125xi32, #tpu.memory_space<vmem>>
        %dma_start3A_190 = arith.constant 0 : i32
        %dma_start3A_191 = arith.constant 0 : i32
        %dma_start3A_192 = tpu.memref_slice %arg2[%dma_start3A_190, %dma_start3A_191] : memref<10000x128xf32, #tpu.memory_space<hbm>> -> memref<10000x128xf32, #tpu.memory_space<hbm>>
        tpu.enqueue_indirect_dma source(%dma_start3A_192 : memref<10000x128xf32, #tpu.memory_space<hbm>>) target(%arg12 : memref<125x128xf32, #tpu.memory_space<vmem>>) offsets(%dma_start3A_189 : memref<125xi32, #tpu.memory_space<vmem>>) semaphore(%arg18 : memref<!tpu.dma_semaphore, #tpu.memory_space<semaphore_mem>>)
      } else {
      }
      %add3A_172 = arith.constant 4 : i32
      %add3A_173 = arith.addi %mul3A_50, %add3A_172 : i32
      %dma_wait3A_174 = arith.constant 0 : i32
      %dma_wait3A_175 = tpu.memref_slice %arg8[%add3A_173, %dma_wait3A_174] : memref<80x125xi32, #tpu.memory_space<vmem>> -> memref<1x125xi32, #tpu.memory_space<vmem>>
      %dma_wait3A_176 = tpu.memref_squeeze %dma_wait3A_175 : memref<1x125xi32, #tpu.memory_space<vmem>> -> memref<125xi32, #tpu.memory_space<vmem>>
      %dma_wait3A_177 = arith.constant 0 : i32
      %dma_wait3A_178 = arith.constant 0 : i32
      %dma_wait3A_179 = tpu.memref_slice %arg14[%dma_wait3A_177, %dma_wait3A_178] : memref<2048x128xf32, #tpu.memory_space<vmem_shared>> -> memref<2048x128xf32, #tpu.memory_space<vmem_shared>>
      tpu.wait_indirect_dma semaphore(%arg24 : memref<!tpu.dma_semaphore, #tpu.memory_space<semaphore_mem>>) src(%arg13 : memref<125x128xf32, #tpu.memory_space<vmem>>) dst(%dma_wait3A_179 : memref<2048x128xf32, #tpu.memory_space<vmem_shared>>)
      %lt3A_180 = arith.constant 15 : i32
      %lt3A_181 = arith.cmpi slt, %scan3A_48, %lt3A_180 : i32
      %convert_element_type3A_182 = arith.extui %lt3A_181 : i1 to i32
      %cond3A_183 = arith.constant 0 : i32
      %cond3A_184 = arith.cmpi ne, %convert_element_type3A_182, %cond3A_183 : i32
      scf.if %cond3A_184 {
        %add3A_185 = arith.constant 5 : i32
        %add3A_186 = arith.addi %add3A_173, %add3A_185 : i32
        %dma_start3A_187 = arith.constant 0 : i32
        %dma_start3A_188 = tpu.memref_slice %arg7[%add3A_186, %dma_start3A_187] : memref<80x125xi32, #tpu.memory_space<vmem>> -> memref<1x125xi32, #tpu.memory_space<vmem>>
        %dma_start3A_189 = tpu.memref_squeeze %dma_start3A_188 : memref<1x125xi32, #tpu.memory_space<vmem>> -> memref<125xi32, #tpu.memory_space<vmem>>
        %dma_start3A_190 = arith.constant 0 : i32
        %dma_start3A_191 = arith.constant 0 : i32
        %dma_start3A_192 = tpu.memref_slice %arg2[%dma_start3A_190, %dma_start3A_191] : memref<10000x128xf32, #tpu.memory_space<hbm>> -> memref<10000x128xf32, #tpu.memory_space<hbm>>
        tpu.enqueue_indirect_dma source(%dma_start3A_192 : memref<10000x128xf32, #tpu.memory_space<hbm>>) target(%arg13 : memref<125x128xf32, #tpu.memory_space<vmem>>) offsets(%dma_start3A_189 : memref<125xi32, #tpu.memory_space<vmem>>) semaphore(%arg19 : memref<!tpu.dma_semaphore, #tpu.memory_space<semaphore_mem>>)
      } else {
      }
    }
    %scan3A_41 = arith.constant 16 : i32
    %barrier3A_42 = arith.constant 0 : index
    tpu.barrier barrier_id(%barrier3A_42)
    %lt3A_43 = arith.constant 16 : i32
    %lt3A_44 = arith.cmpi slt, %arg1, %lt3A_43 : i32
    %convert_element_type3A_45 = arith.extui %lt3A_44 : i1 to i32
    %cond3A_46 = arith.constant 0 : i32
    %cond3A_47 = arith.cmpi ne, %convert_element_type3A_45, %cond3A_46 : i32
    scf.if %cond3A_47 {
      %mul3A_48 = arith.constant 128 : i32
      %mul3A_49 = arith.muli %arg1, %mul3A_48 : i32
      %mul3A_50 = arith.constant 2048 : i32
      %mul3A_51 = arith.muli %arg0, %mul3A_50 : i32
      %mul3A_52 = arith.constant 128 : i32
      %mul3A_53 = arith.muli %arg1, %mul3A_52 : i32
      %add3A_54 = arith.addi %mul3A_51, %mul3A_53 : i32
      "tpu.region"() ({
        %run_scoped3A = tpu.sem_alloc : memref<!tpu.dma_semaphore, #tpu.memory_space<semaphore_mem>>
        %dma_start3A_55 = arith.constant 0 : i32
        %dma_start3A_56 = tpu.memref_slice %arg6[%add3A_54, %dma_start3A_55] : memref<4096x128xf32, #tpu.memory_space<hbm>> -> memref<128x128xf32, #tpu.memory_space<hbm>>
        %dma_start3A_57 = arith.constant 0 : i32
        %dma_start3A_58 = tpu.memref_slice %arg14[%mul3A_49, %dma_start3A_57] : memref<2048x128xf32, #tpu.memory_space<vmem_shared>> -> memref<128x128xf32, #tpu.memory_space<vmem_shared>>
        tpu.enqueue_dma source(%dma_start3A_58 : memref<128x128xf32, #tpu.memory_space<vmem_shared>>) target(%dma_start3A_56 : memref<128x128xf32, #tpu.memory_space<hbm>>) target_semaphore(%run_scoped3A : memref<!tpu.dma_semaphore, #tpu.memory_space<semaphore_mem>>)
        %dma_wait3A = arith.constant 0 : i32
        %dma_wait3A_59 = tpu.memref_slice %arg6[%add3A_54, %dma_wait3A] : memref<4096x128xf32, #tpu.memory_space<hbm>> -> memref<128x128xf32, #tpu.memory_space<hbm>>
        %dma_wait3A_60 = arith.constant 0 : i32
        %dma_wait3A_61 = tpu.memref_slice %arg14[%mul3A_49, %dma_wait3A_60] : memref<2048x128xf32, #tpu.memory_space<vmem_shared>> -> memref<128x128xf32, #tpu.memory_space<vmem_shared>>
        tpu.wait_dma2 semaphore(%run_scoped3A : memref<!tpu.dma_semaphore, #tpu.memory_space<semaphore_mem>>) src(%dma_wait3A_61 : memref<128x128xf32, #tpu.memory_space<vmem_shared>>) dst(%dma_wait3A_59 : memref<128x128xf32, #tpu.memory_space<hbm>>)
        tpu.yield
      }) : () -> ()
    } else {
    }
    return
  }
}

module attributes {stable_mosaic.version = 14 : i64} {
  func.func @body(%arg0: i32, %arg1: memref<1000x128xf32, #tpu.memory_space<vmem>>, %arg2: memref<128x128xf32, #tpu.memory_space<vmem>>, %arg3: memref<1x128xf32, #tpu.memory_space<vmem>>, %arg4: memref<1000x128xf32, #tpu.memory_space<vmem>>) attributes {dimension_semantics = [#tpu.dimension_semantics<arbitrary>], iteration_bounds = array<i64: 10>, scalar_prefetch = 0 : i64, scratch_operands = 0 : i64, tpu.core_type = #tpu.core_type<tc>, window_params = [{transform_indices = @transform_0, window_bounds = array<i64: 1000, 128>}, {pipeline_mode = #tpu.pipeline_mode<synchronous>, transform_indices = @transform_1, window_bounds = array<i64: 128, 128>}, {pipeline_mode = #tpu.pipeline_mode<synchronous>, transform_indices = @transform_2, window_bounds = array<i64: 1, 128>}, {transform_indices = @transform_3, window_bounds = array<i64: 1000, 128>}]} {
    %get3A = arith.constant 0 : index
    %get3A_0 = arith.constant 0 : index
    %get3A_1 = vector.load %arg1[%get3A, %get3A_0] : memref<1000x128xf32, #tpu.memory_space<vmem>>, vector<1000x128xf32>
    %get3A_2 = arith.constant 0 : index
    %get3A_3 = arith.constant 0 : index
    %get3A_4 = vector.load %arg2[%get3A_2, %get3A_3] : memref<128x128xf32, #tpu.memory_space<vmem>>, vector<128x128xf32>
    %dot_general3A = arith.constant dense<0.000000e+00> : vector<1000x128xf32>
    %dot_general3A_5 = tpu.matmul %get3A_1, %get3A_4, %dot_general3A {dimension_numbers = #tpu.dot_dimension_numbers<[1], [1], [0], [0], [0, 0, 1, 0], [], []>, transpose_lhs_hint = false} : vector<1000x128xf32>, vector<128x128xf32>, vector<1000x128xf32> -> vector<1000x128xf32>
    %get3A_6 = arith.constant 0 : index
    %get3A_7 = arith.constant 0 : index
    %get3A_8 = vector.load %arg3[%get3A_6, %get3A_7] : memref<1x128xf32, #tpu.memory_space<vmem>>, vector<1x128xf32>
    %add3A = vector.broadcast %get3A_8 : vector<1x128xf32> to vector<1000x128xf32>
    %add3A_9 = arith.addf %dot_general3A_5, %add3A : vector<1000x128xf32>
    %swap3A = arith.constant 0 : index
    %swap3A_10 = arith.constant 0 : index
    %swap3A_11 = vector.load %arg4[%swap3A, %swap3A_10] : memref<1000x128xf32, #tpu.memory_space<vmem>>, vector<1000x128xf32>
    tpu.vector_store %arg4[%swap3A, %swap3A_10], %add3A_9 {strides = array<i32>} : memref<1000x128xf32, #tpu.memory_space<vmem>>, vector<1000x128xf32>,
    return
  }
  func.func @transform_0(%arg0: i32) -> (i32, i32) {
    %c0_i32 = arith.constant 0 : i32
    %c0_i32_0 = arith.constant 0 : i32
    return %arg0, %c0_i32 : i32, i32
  }
  func.func @transform_1(%arg0: i32) -> (i32, i32) {
    %c0_i32 = arith.constant 0 : i32
    %c0_i32_0 = arith.constant 0 : i32
    %c0_i32_1 = arith.constant 0 : i32
    return %c0_i32, %c0_i32_0 : i32, i32
  }
  func.func @transform_2(%arg0: i32) -> (i32, i32) {
    %c0_i32 = arith.constant 0 : i32
    %c0_i32_0 = arith.constant 0 : i32
    %c0_i32_1 = arith.constant 0 : i32
    return %c0_i32, %c0_i32_0 : i32, i32
  }
  func.func @transform_3(%arg0: i32) -> (i32, i32) {
    %c0_i32 = arith.constant 0 : i32
    %c0_i32_0 = arith.constant 0 : i32
    return %arg0, %c0_i32 : i32, i32
  }
}

module attributes {stable_mosaic.version = 14 : i64} {
  func.func @body(%arg0: i32, %arg1: memref<2x2048x128xf32, #tpu.memory_space<vmem>>, %arg2: memref<32x2048xf32, #tpu.memory_space<vmem>>, %arg3: memref<32x10240xf32, #tpu.memory_space<vmem>>, %arg4: memref<2048x128xf32, #tpu.memory_space<vmem>>, %arg5: memref<10240x1xf32, #tpu.memory_space<vmem>>) attributes {dimension_semantics = [#tpu.dimension_semantics<arbitrary>], iteration_bounds = array<i64: 1>, scalar_prefetch = 0 : i64, scratch_operands = 0 : i64, tpu.core_type = #tpu.core_type<tc>, window_params = [{pipeline_mode = #tpu.pipeline_mode<synchronous>, transform_indices = @transform_0, window_bounds = array<i64: 2, 2048, 128>}, {pipeline_mode = #tpu.pipeline_mode<synchronous>, transform_indices = @transform_1, window_bounds = array<i64: 32, 2048>}, {pipeline_mode = #tpu.pipeline_mode<synchronous>, transform_indices = @transform_2, window_bounds = array<i64: 32, 10240>}, {pipeline_mode = #tpu.pipeline_mode<synchronous>, transform_indices = @transform_3, window_bounds = array<i64: 2048, 128>}, {pipeline_mode = #tpu.pipeline_mode<synchronous>, transform_indices = @transform_4, window_bounds = array<i64: 10240, 1>}]} {
    %broadcast_in_dim3A = arith.constant 1.000000e+00 : f32
    %broadcast_in_dim3A_0 = vector.broadcast %broadcast_in_dim3A : f32 to vector<32x1xf32>
    %get3A = arith.constant 0 : index
    %get3A_1 = arith.constant 0 : index
    %get3A_2 = vector.load %arg2[%get3A, %get3A_1] : memref<32x2048xf32, #tpu.memory_space<vmem>>, vector<32x2048xf32>
    %dot_general3A = arith.constant dense<0.000000e+00> : vector<2048x1xf32>
    %dot_general3A_3 = tpu.matmul %get3A_2, %broadcast_in_dim3A_0, %dot_general3A {dimension_numbers = #tpu.dot_dimension_numbers<[0], [0], [1], [1], [0, 1, 1, 1], [], []>, transpose_lhs_hint = false} : vector<32x2048xf32>, vector<32x1xf32>, vector<2048x1xf32> -> vector<2048x1xf32>
    %gt3A = arith.constant 0.000000e+00 : f32
    %gt3A_4 = vector.broadcast %gt3A : f32 to vector<2048x1xf32>
    %gt3A_5 = arith.cmpf ogt, %dot_general3A_3, %gt3A_4 : vector<2048x1xf32>
    %max3A = arith.constant 1.000000e+00 : f32
    %max3A_6 = vector.broadcast %max3A : f32 to vector<2048x1xf32>
    %max3A_7 = arith.maximumf %dot_general3A_3, %max3A_6 : vector<2048x1xf32>
    %div3A = arith.constant 1.000000e+00 : f32
    %div3A_8 = vector.broadcast %div3A : f32 to vector<2048x1xf32>
    %div3A_9 = arith.divf %div3A_8, %max3A_7 : vector<2048x1xf32>
    %jit3A = arith.constant 0.000000e+00 : f32
    %broadcast_in_dim3A_10 = vector.broadcast %jit3A : f32 to vector<2048x1xf32>
    %select_n3A = arith.select %gt3A_5, %div3A_9, %broadcast_in_dim3A_10 : vector<2048x1xi1>, vector<2048x1xf32>
    %get3A_11 = arith.constant 0 : index
    %get3A_12 = arith.constant 0 : index
    %get3A_13 = arith.constant 0 : index
    %get3A_14 = vector.load %arg1[%get3A_11, %get3A_12, %get3A_13] : memref<2x2048x128xf32, #tpu.memory_space<vmem>>, vector<1x2048x128xf32>
    %get3A_15 = vector.shape_cast %get3A_14 : vector<1x2048x128xf32> to vector<2048x128xf32>
    %get3A_16 = arith.constant 1 : index
    %get3A_17 = arith.constant 0 : index
    %get3A_18 = arith.constant 0 : index
    %get3A_19 = vector.load %arg1[%get3A_16, %get3A_17, %get3A_18] : memref<2x2048x128xf32, #tpu.memory_space<vmem>>, vector<1x2048x128xf32>
    %get3A_20 = vector.shape_cast %get3A_19 : vector<1x2048x128xf32> to vector<2048x128xf32>
    %add3A = arith.addf %get3A_15, %get3A_20 : vector<2048x128xf32>
    %mul3A = vector.broadcast %select_n3A : vector<2048x1xf32> to vector<2048x128xf32>
    %mul3A_21 = arith.mulf %add3A, %mul3A : vector<2048x128xf32>
    %swap3A = arith.constant 0 : index
    %swap3A_22 = arith.constant 0 : index
    %swap3A_23 = vector.load %arg4[%swap3A, %swap3A_22] : memref<2048x128xf32, #tpu.memory_space<vmem>>, vector<2048x128xf32>
    tpu.vector_store %arg4[%swap3A, %swap3A_22], %mul3A_21 {strides = array<i32>} : memref<2048x128xf32, #tpu.memory_space<vmem>>, vector<2048x128xf32>,
    %get3A_24 = arith.constant 0 : index
    %get3A_25 = arith.constant 0 : index
    %get3A_26 = vector.load %arg3[%get3A_24, %get3A_25] : memref<32x10240xf32, #tpu.memory_space<vmem>>, vector<32x10240xf32>
    %dot_general3A_27 = arith.constant dense<0.000000e+00> : vector<10240x1xf32>
    %dot_general3A_28 = tpu.matmul %get3A_26, %broadcast_in_dim3A_0, %dot_general3A_27 {dimension_numbers = #tpu.dot_dimension_numbers<[0], [0], [1], [1], [0, 1, 1, 1], [], []>, transpose_lhs_hint = false} : vector<32x10240xf32>, vector<32x1xf32>, vector<10240x1xf32> -> vector<10240x1xf32>
    %swap3A_29 = arith.constant 0 : index
    %swap3A_30 = arith.constant 0 : index
    %swap3A_31 = vector.load %arg5[%swap3A_29, %swap3A_30] : memref<10240x1xf32, #tpu.memory_space<vmem>>, vector<10240x1xf32>
    tpu.vector_store %arg5[%swap3A_29, %swap3A_30], %dot_general3A_28 {strides = array<i32>} : memref<10240x1xf32, #tpu.memory_space<vmem>>, vector<10240x1xf32>,
    return
  }
  func.func @transform_0(%arg0: i32) -> (i32, i32, i32) {
    %c0_i32 = arith.constant 0 : i32
    %c0_i32_0 = arith.constant 0 : i32
    %c0_i32_1 = arith.constant 0 : i32
    %c0_i32_2 = arith.constant 0 : i32
    return %c0_i32, %c0_i32_0, %c0_i32_1 : i32, i32, i32
  }
  func.func @transform_1(%arg0: i32) -> (i32, i32) {
    %c0_i32 = arith.constant 0 : i32
    %c0_i32_0 = arith.constant 0 : i32
    %c0_i32_1 = arith.constant 0 : i32
    return %c0_i32, %c0_i32_0 : i32, i32
  }
  func.func @transform_2(%arg0: i32) -> (i32, i32) {
    %c0_i32 = arith.constant 0 : i32
    %c0_i32_0 = arith.constant 0 : i32
    %c0_i32_1 = arith.constant 0 : i32
    return %c0_i32, %c0_i32_0 : i32, i32
  }
  func.func @transform_3(%arg0: i32) -> (i32, i32) {
    %c0_i32 = arith.constant 0 : i32
    %c0_i32_0 = arith.constant 0 : i32
    %c0_i32_1 = arith.constant 0 : i32
    return %c0_i32, %c0_i32_0 : i32, i32
  }
  func.func @transform_4(%arg0: i32) -> (i32, i32) {
    %c0_i32 = arith.constant 0 : i32
    %c0_i32_0 = arith.constant 0 : i32
    %c0_i32_1 = arith.constant 0 : i32
    return %c0_i32, %c0_i32_0 : i32, i32
  }
}

module attributes {stable_mosaic.version = 14 : i64} {
  func.func @body(%arg0: i32, %arg1: memref<2x1000x128xf32, #tpu.memory_space<vmem>>, %arg2: memref<1000x1xf32, #tpu.memory_space<vmem>>, %arg3: memref<1000x128xf32, #tpu.memory_space<vmem>>) attributes {dimension_semantics = [#tpu.dimension_semantics<arbitrary>], iteration_bounds = array<i64: 10>, scalar_prefetch = 0 : i64, scratch_operands = 0 : i64, tpu.core_type = #tpu.core_type<tc>, window_params = [{transform_indices = @transform_0, window_bounds = array<i64: 2, 1000, 128>}, {transform_indices = @transform_1, window_bounds = array<i64: 1000, 1>}, {transform_indices = @transform_2, window_bounds = array<i64: 1000, 128>}]} {
    %get3A = arith.constant 0 : index
    %get3A_0 = arith.constant 0 : index
    %get3A_1 = vector.load %arg2[%get3A, %get3A_0] : memref<1000x1xf32, #tpu.memory_space<vmem>>, vector<1000x1xf32>
    %gt3A = arith.constant 0.000000e+00 : f32
    %gt3A_2 = vector.broadcast %gt3A : f32 to vector<1000x1xf32>
    %gt3A_3 = arith.cmpf ogt, %get3A_1, %gt3A_2 : vector<1000x1xf32>
    %max3A = arith.constant 1.000000e+00 : f32
    %max3A_4 = vector.broadcast %max3A : f32 to vector<1000x1xf32>
    %max3A_5 = arith.maximumf %get3A_1, %max3A_4 : vector<1000x1xf32>
    %div3A = arith.constant 1.000000e+00 : f32
    %div3A_6 = vector.broadcast %div3A : f32 to vector<1000x1xf32>
    %div3A_7 = arith.divf %div3A_6, %max3A_5 : vector<1000x1xf32>
    %jit3A = arith.constant 0.000000e+00 : f32
    %broadcast_in_dim3A = vector.broadcast %jit3A : f32 to vector<1000x1xf32>
    %select_n3A = arith.select %gt3A_3, %div3A_7, %broadcast_in_dim3A : vector<1000x1xi1>, vector<1000x1xf32>
    %get3A_8 = arith.constant 0 : index
    %get3A_9 = arith.constant 0 : index
    %get3A_10 = arith.constant 0 : index
    %get3A_11 = vector.load %arg1[%get3A_8, %get3A_9, %get3A_10] : memref<2x1000x128xf32, #tpu.memory_space<vmem>>, vector<1x1000x128xf32>
    %get3A_12 = vector.shape_cast %get3A_11 : vector<1x1000x128xf32> to vector<1000x128xf32>
    %get3A_13 = arith.constant 1 : index
    %get3A_14 = arith.constant 0 : index
    %get3A_15 = arith.constant 0 : index
    %get3A_16 = vector.load %arg1[%get3A_13, %get3A_14, %get3A_15] : memref<2x1000x128xf32, #tpu.memory_space<vmem>>, vector<1x1000x128xf32>
    %get3A_17 = vector.shape_cast %get3A_16 : vector<1x1000x128xf32> to vector<1000x128xf32>
    %add3A = arith.addf %get3A_12, %get3A_17 : vector<1000x128xf32>
    %mul3A = vector.broadcast %select_n3A : vector<1000x1xf32> to vector<1000x128xf32>
    %mul3A_18 = arith.mulf %add3A, %mul3A : vector<1000x128xf32>
    %max3A_19 = arith.constant 0.000000e+00 : f32
    %max3A_20 = vector.broadcast %max3A_19 : f32 to vector<1000x128xf32>
    %max3A_21 = arith.maximumf %mul3A_18, %max3A_20 : vector<1000x128xf32>
    %swap3A = arith.constant 0 : index
    %swap3A_22 = arith.constant 0 : index
    %swap3A_23 = vector.load %arg3[%swap3A, %swap3A_22] : memref<1000x128xf32, #tpu.memory_space<vmem>>, vector<1000x128xf32>
    tpu.vector_store %arg3[%swap3A, %swap3A_22], %max3A_21 {strides = array<i32>} : memref<1000x128xf32, #tpu.memory_space<vmem>>, vector<1000x128xf32>,
    return
  }
  func.func @transform_0(%arg0: i32) -> (i32, i32, i32) {
    %c0_i32 = arith.constant 0 : i32
    %c0_i32_0 = arith.constant 0 : i32
    %c0_i32_1 = arith.constant 0 : i32
    return %c0_i32, %arg0, %c0_i32_0 : i32, i32, i32
  }
  func.func @transform_1(%arg0: i32) -> (i32, i32) {
    %c0_i32 = arith.constant 0 : i32
    %c0_i32_0 = arith.constant 0 : i32
    return %arg0, %c0_i32 : i32, i32
  }
  func.func @transform_2(%arg0: i32) -> (i32, i32) {
    %c0_i32 = arith.constant 0 : i32
    %c0_i32_0 = arith.constant 0 : i32
    return %arg0, %c0_i32 : i32, i32
  }
}

module attributes {stable_mosaic.version = 14 : i64} {
  func.func @body(%arg0: i32, %arg1: memref<1000x128xf32, #tpu.memory_space<vmem>>, %arg2: memref<1x128xf32, #tpu.memory_space<vmem>>, %arg3: memref<1000x128xbf16, #tpu.memory_space<vmem>>, %arg4: memref<1000x1xf32, #tpu.memory_space<vmem>>) attributes {dimension_semantics = [#tpu.dimension_semantics<arbitrary>], iteration_bounds = array<i64: 10>, scalar_prefetch = 0 : i64, scratch_operands = 0 : i64, tpu.core_type = #tpu.core_type<tc>, window_params = [{transform_indices = @transform_0, window_bounds = array<i64: 1000, 128>}, {pipeline_mode = #tpu.pipeline_mode<synchronous>, transform_indices = @transform_1, window_bounds = array<i64: 1, 128>}, {transform_indices = @transform_2, window_bounds = array<i64: 1000, 128>}, {transform_indices = @transform_3, window_bounds = array<i64: 1000, 1>}]} {
    %get3A = arith.constant 0 : index
    %get3A_0 = arith.constant 0 : index
    %get3A_1 = vector.load %arg1[%get3A, %get3A_0] : memref<1000x128xf32, #tpu.memory_space<vmem>>, vector<1000x128xf32>
    %get3A_2 = arith.constant 0 : index
    %get3A_3 = arith.constant 0 : index
    %get3A_4 = vector.load %arg2[%get3A_2, %get3A_3] : memref<1x128xf32, #tpu.memory_space<vmem>>, vector<1x128xf32>
    %mul3A = vector.broadcast %get3A_4 : vector<1x128xf32> to vector<1000x128xf32>
    %mul3A_5 = arith.mulf %get3A_1, %mul3A : vector<1000x128xf32>
    %mul3A_6 = arith.mulf %mul3A_5, %mul3A_5 : vector<1000x128xf32>
    %reduce_sum3A = arith.constant dense<0.000000e+00> : vector<1000xf32>
    %reduce_sum3A_7 = vector.multi_reduction <add>, %mul3A_6, %reduce_sum3A [1] : vector<1000x128xf32> to vector<1000xf32>
    %broadcast_in_dim3A = vector.shape_cast %reduce_sum3A_7 : vector<1000xf32> to vector<1000x1xf32>
    %max3A = arith.constant 9.99999996E-13 : f32
    %max3A_8 = vector.broadcast %max3A : f32 to vector<1000x1xf32>
    %max3A_9 = arith.maximumf %broadcast_in_dim3A, %max3A_8 : vector<1000x1xf32>
    %sqrt3A = math.sqrt %max3A_9 : vector<1000x1xf32>
    %swap3A = arith.constant 0 : index
    %swap3A_10 = arith.constant 0 : index
    %swap3A_11 = vector.load %arg4[%swap3A, %swap3A_10] : memref<1000x1xf32, #tpu.memory_space<vmem>>, vector<1000x1xf32>
    tpu.vector_store %arg4[%swap3A, %swap3A_10], %sqrt3A {strides = array<i32>} : memref<1000x1xf32, #tpu.memory_space<vmem>>, vector<1000x1xf32>,
    %convert_element_type3A = arith.truncf %mul3A_5 : vector<1000x128xf32> to vector<1000x128xbf16>
    %swap3A_12 = arith.constant 0 : index
    %swap3A_13 = arith.constant 0 : index
    %swap3A_14 = vector.load %arg3[%swap3A_12, %swap3A_13] : memref<1000x128xbf16, #tpu.memory_space<vmem>>, vector<1000x128xbf16>
    tpu.vector_store %arg3[%swap3A_12, %swap3A_13], %convert_element_type3A {strides = array<i32>} : memref<1000x128xbf16, #tpu.memory_space<vmem>>, vector<1000x128xbf16>,
    return
  }
  func.func @transform_0(%arg0: i32) -> (i32, i32) {
    %c0_i32 = arith.constant 0 : i32
    %c0_i32_0 = arith.constant 0 : i32
    return %arg0, %c0_i32 : i32, i32
  }
  func.func @transform_1(%arg0: i32) -> (i32, i32) {
    %c0_i32 = arith.constant 0 : i32
    %c0_i32_0 = arith.constant 0 : i32
    %c0_i32_1 = arith.constant 0 : i32
    return %c0_i32, %c0_i32_0 : i32, i32
  }
  func.func @transform_2(%arg0: i32) -> (i32, i32) {
    %c0_i32 = arith.constant 0 : i32
    %c0_i32_0 = arith.constant 0 : i32
    return %arg0, %c0_i32 : i32, i32
  }
  func.func @transform_3(%arg0: i32) -> (i32, i32) {
    %c0_i32 = arith.constant 0 : i32
    %c0_i32_0 = arith.constant 0 : i32
    return %arg0, %c0_i32 : i32, i32
  }
}

module attributes {stable_mosaic.version = 14 : i64} {
  func.func @body(%arg0: i32, %arg1: memref<2x2048x128xf32, #tpu.memory_space<vmem>>, %arg2: memref<1x128xf32, #tpu.memory_space<vmem>>, %arg3: memref<2048x128xbf16, #tpu.memory_space<vmem>>, %arg4: memref<1x2048xf32, #tpu.memory_space<vmem>>) attributes {dimension_semantics = [#tpu.dimension_semantics<arbitrary>], iteration_bounds = array<i64: 1>, scalar_prefetch = 0 : i64, scratch_operands = 0 : i64, tpu.core_type = #tpu.core_type<tc>, window_params = [{pipeline_mode = #tpu.pipeline_mode<synchronous>, transform_indices = @transform_0, window_bounds = array<i64: 2, 2048, 128>}, {pipeline_mode = #tpu.pipeline_mode<synchronous>, transform_indices = @transform_1, window_bounds = array<i64: 1, 128>}, {pipeline_mode = #tpu.pipeline_mode<synchronous>, transform_indices = @transform_2, window_bounds = array<i64: 2048, 128>}, {pipeline_mode = #tpu.pipeline_mode<synchronous>, transform_indices = @transform_3, window_bounds = array<i64: 1, 2048>}]} {
    %get3A = arith.constant 0 : index
    %get3A_0 = arith.constant 0 : index
    %get3A_1 = arith.constant 0 : index
    %get3A_2 = vector.load %arg1[%get3A, %get3A_0, %get3A_1] : memref<2x2048x128xf32, #tpu.memory_space<vmem>>, vector<1x2048x128xf32>
    %get3A_3 = vector.shape_cast %get3A_2 : vector<1x2048x128xf32> to vector<2048x128xf32>
    %get3A_4 = arith.constant 1 : index
    %get3A_5 = arith.constant 0 : index
    %get3A_6 = arith.constant 0 : index
    %get3A_7 = vector.load %arg1[%get3A_4, %get3A_5, %get3A_6] : memref<2x2048x128xf32, #tpu.memory_space<vmem>>, vector<1x2048x128xf32>
    %get3A_8 = vector.shape_cast %get3A_7 : vector<1x2048x128xf32> to vector<2048x128xf32>
    %add3A = arith.addf %get3A_3, %get3A_8 : vector<2048x128xf32>
    %get3A_9 = arith.constant 0 : index
    %get3A_10 = arith.constant 0 : index
    %get3A_11 = vector.load %arg2[%get3A_9, %get3A_10] : memref<1x128xf32, #tpu.memory_space<vmem>>, vector<1x128xf32>
    %mul3A = vector.broadcast %get3A_11 : vector<1x128xf32> to vector<2048x128xf32>
    %mul3A_12 = arith.mulf %add3A, %mul3A : vector<2048x128xf32>
    %convert_element_type3A = arith.truncf %mul3A_12 : vector<2048x128xf32> to vector<2048x128xbf16>
    %swap3A = arith.constant 0 : index
    %swap3A_13 = arith.constant 0 : index
    %swap3A_14 = vector.load %arg3[%swap3A, %swap3A_13] : memref<2048x128xbf16, #tpu.memory_space<vmem>>, vector<2048x128xbf16>
    tpu.vector_store %arg3[%swap3A, %swap3A_13], %convert_element_type3A {strides = array<i32>} : memref<2048x128xbf16, #tpu.memory_space<vmem>>, vector<2048x128xbf16>,
    %broadcast_in_dim3A = arith.constant 1.000000e+00 : f32
    %broadcast_in_dim3A_15 = vector.broadcast %broadcast_in_dim3A : f32 to vector<1x128xf32>
    %mul3A_16 = arith.mulf %mul3A_12, %mul3A_12 : vector<2048x128xf32>
    %dot_general3A = arith.constant dense<0.000000e+00> : vector<1x2048xf32>
    %dot_general3A_17 = tpu.matmul %broadcast_in_dim3A_15, %mul3A_16, %dot_general3A {dimension_numbers = #tpu.dot_dimension_numbers<[1], [1], [0], [0], [0, 0, 1, 0], [], []>, transpose_lhs_hint = false} : vector<1x128xf32>, vector<2048x128xf32>, vector<1x2048xf32> -> vector<1x2048xf32>
    %max3A = arith.constant 9.99999996E-13 : f32
    %max3A_18 = vector.broadcast %max3A : f32 to vector<1x2048xf32>
    %max3A_19 = arith.maximumf %dot_general3A_17, %max3A_18 : vector<1x2048xf32>
    %sqrt3A = math.sqrt %max3A_19 : vector<1x2048xf32>
    %swap3A_20 = arith.constant 0 : index
    %swap3A_21 = arith.constant 0 : index
    %swap3A_22 = vector.load %arg4[%swap3A_20, %swap3A_21] : memref<1x2048xf32, #tpu.memory_space<vmem>>, vector<1x2048xf32>
    tpu.vector_store %arg4[%swap3A_20, %swap3A_21], %sqrt3A {strides = array<i32>} : memref<1x2048xf32, #tpu.memory_space<vmem>>, vector<1x2048xf32>,
    return
  }
  func.func @transform_0(%arg0: i32) -> (i32, i32, i32) {
    %c0_i32 = arith.constant 0 : i32
    %c0_i32_0 = arith.constant 0 : i32
    %c0_i32_1 = arith.constant 0 : i32
    %c0_i32_2 = arith.constant 0 : i32
    return %c0_i32, %c0_i32_0, %c0_i32_1 : i32, i32, i32
  }
  func.func @transform_1(%arg0: i32) -> (i32, i32) {
    %c0_i32 = arith.constant 0 : i32
    %c0_i32_0 = arith.constant 0 : i32
    %c0_i32_1 = arith.constant 0 : i32
    return %c0_i32, %c0_i32_0 : i32, i32
  }
  func.func @transform_2(%arg0: i32) -> (i32, i32) {
    %c0_i32 = arith.constant 0 : i32
    %c0_i32_0 = arith.constant 0 : i32
    %c0_i32_1 = arith.constant 0 : i32
    return %c0_i32, %c0_i32_0 : i32, i32
  }
  func.func @transform_3(%arg0: i32) -> (i32, i32) {
    %c0_i32 = arith.constant 0 : i32
    %c0_i32_0 = arith.constant 0 : i32
    %c0_i32_1 = arith.constant 0 : i32
    return %c0_i32, %c0_i32_0 : i32, i32
  }
}

module attributes {stable_mosaic.version = 14 : i64} {
  func.func @body(%arg0: i32, %arg1: memref<1000x128xbf16, #tpu.memory_space<vmem>>, %arg2: memref<1000x1xf32, #tpu.memory_space<vmem>>, %arg3: memref<2048x128xbf16, #tpu.memory_space<vmem>>, %arg4: memref<1x2048xf32, #tpu.memory_space<vmem>>, %arg5: memref<1x1xf32, #tpu.memory_space<vmem>>) attributes {dimension_semantics = [#tpu.dimension_semantics<arbitrary>], iteration_bounds = array<i64: 10>, scalar_prefetch = 0 : i64, scratch_operands = 0 : i64, tpu.core_type = #tpu.core_type<tc>, window_params = [{transform_indices = @transform_0, window_bounds = array<i64: 1000, 128>}, {transform_indices = @transform_1, window_bounds = array<i64: 1000, 1>}, {pipeline_mode = #tpu.pipeline_mode<synchronous>, transform_indices = @transform_2, window_bounds = array<i64: 2048, 128>}, {pipeline_mode = #tpu.pipeline_mode<synchronous>, transform_indices = @transform_3, window_bounds = array<i64: 1, 2048>}, {pipeline_mode = #tpu.pipeline_mode<synchronous>, transform_indices = @transform_4, window_bounds = array<i64: 1, 1>}]} {
    %get3A = arith.constant 0 : index
    %get3A_0 = arith.constant 0 : index
    %get3A_1 = vector.load %arg1[%get3A, %get3A_0] : memref<1000x128xbf16, #tpu.memory_space<vmem>>, vector<1000x128xbf16>
    %get3A_2 = arith.constant 0 : index
    %get3A_3 = arith.constant 0 : index
    %get3A_4 = vector.load %arg3[%get3A_2, %get3A_3] : memref<2048x128xbf16, #tpu.memory_space<vmem>>, vector<2048x128xbf16>
    %dot_general3A = arith.constant dense<0.000000e+00> : vector<1000x2048xf32>
    %dot_general3A_5 = tpu.matmul %get3A_1, %get3A_4, %dot_general3A {dimension_numbers = #tpu.dot_dimension_numbers<[1], [1], [0], [0], [0, 0, 1, 0], [], []>, transpose_lhs_hint = false} : vector<1000x128xbf16>, vector<2048x128xbf16>, vector<1000x2048xf32> -> vector<1000x2048xf32>
    %get3A_6 = arith.constant 0 : index
    %get3A_7 = arith.constant 0 : index
    %get3A_8 = vector.load %arg2[%get3A_6, %get3A_7] : memref<1000x1xf32, #tpu.memory_space<vmem>>, vector<1000x1xf32>
    %get3A_9 = arith.constant 0 : index
    %get3A_10 = arith.constant 0 : index
    %get3A_11 = vector.load %arg4[%get3A_9, %get3A_10] : memref<1x2048xf32, #tpu.memory_space<vmem>>, vector<1x2048xf32>
    %mul3A = vector.broadcast %get3A_8 : vector<1000x1xf32> to vector<1000x2048xf32>
    %mul3A_12 = vector.broadcast %get3A_11 : vector<1x2048xf32> to vector<1000x2048xf32>
    %mul3A_13 = arith.mulf %mul3A, %mul3A_12 : vector<1000x2048xf32>
    %max3A = arith.constant 9.99999997E-7 : f32
    %max3A_14 = vector.broadcast %max3A : f32 to vector<1000x2048xf32>
    %max3A_15 = arith.maximumf %mul3A_13, %max3A_14 : vector<1000x2048xf32>
    %div3A = arith.divf %dot_general3A_5, %max3A_15 : vector<1000x2048xf32>
    %jit3A = arith.constant 0.000000e+00 : f32
    %jit3A_16 = arith.constant 1.000000e+00 : f32
    %max3A_17 = vector.broadcast %jit3A : f32 to vector<1000x2048xf32>
    %max3A_18 = arith.maximumf %max3A_17, %div3A : vector<1000x2048xf32>
    %min3A = vector.broadcast %jit3A_16 : f32 to vector<1000x2048xf32>
    %min3A_19 = arith.minimumf %min3A, %max3A_18 : vector<1000x2048xf32>
    %gt3A = arith.constant 0.000000e+00 : f32
    %gt3A_20 = vector.broadcast %gt3A : f32 to vector<1000x2048xf32>
    %gt3A_21 = arith.cmpf ogt, %min3A_19, %gt3A_20 : vector<1000x2048xf32>
    %mul3A_22 = arith.constant 2.000000e+00 : f32
    %mul3A_23 = vector.broadcast %mul3A_22 : f32 to vector<1000x2048xf32>
    %mul3A_24 = arith.mulf %mul3A_23, %min3A_19 : vector<1000x2048xf32>
    %log3A = math.log %mul3A_24 : vector<1000x2048xf32>
    %mul3A_25 = arith.mulf %min3A_19, %log3A : vector<1000x2048xf32>
    %jit3A_26 = arith.constant 0.000000e+00 : f32
    %broadcast_in_dim3A = vector.broadcast %jit3A_26 : f32 to vector<1000x2048xf32>
    %select_n3A = arith.select %gt3A_21, %mul3A_25, %broadcast_in_dim3A : vector<1000x2048xi1>, vector<1000x2048xf32>
    %lt3A = arith.constant 1.000000e+00 : f32
    %lt3A_27 = vector.broadcast %lt3A : f32 to vector<1000x2048xf32>
    %lt3A_28 = arith.cmpf olt, %min3A_19, %lt3A_27 : vector<1000x2048xf32>
    %sub3A = arith.constant 1.000000e+00 : f32
    %sub3A_29 = vector.broadcast %sub3A : f32 to vector<1000x2048xf32>
    %sub3A_30 = arith.subf %sub3A_29, %min3A_19 : vector<1000x2048xf32>
    %sub3A_31 = arith.constant 1.000000e+00 : f32
    %sub3A_32 = vector.broadcast %sub3A_31 : f32 to vector<1000x2048xf32>
    %sub3A_33 = arith.subf %sub3A_32, %min3A_19 : vector<1000x2048xf32>
    %mul3A_34 = arith.constant 2.000000e+00 : f32
    %mul3A_35 = vector.broadcast %mul3A_34 : f32 to vector<1000x2048xf32>
    %mul3A_36 = arith.mulf %mul3A_35, %sub3A_33 : vector<1000x2048xf32>
    %log3A_37 = math.log %mul3A_36 : vector<1000x2048xf32>
    %mul3A_38 = arith.mulf %sub3A_30, %log3A_37 : vector<1000x2048xf32>
    %jit3A_39 = arith.constant 0.000000e+00 : f32
    %broadcast_in_dim3A_40 = vector.broadcast %jit3A_39 : f32 to vector<1000x2048xf32>
    %select_n3A_41 = arith.select %lt3A_28, %mul3A_38, %broadcast_in_dim3A_40 : vector<1000x2048xi1>, vector<1000x2048xf32>
    %add3A = arith.addf %select_n3A, %select_n3A_41 : vector<1000x2048xf32>
    %reduce_sum3A = vector.shape_cast %add3A : vector<1000x2048xf32> to vector<1x1000x2048xf32>
    %reduce_sum3A_42 = arith.constant dense<0.000000e+00> : vector<1xf32>
    %reduce_sum3A_43 = vector.multi_reduction <add>, %reduce_sum3A, %reduce_sum3A_42 [1, 2] : vector<1x1000x2048xf32> to vector<1xf32>
    %reduce_sum3A_44 = vector.shape_cast %reduce_sum3A_43 : vector<1xf32> to vector<1x1x1xf32>
    %reduce_sum3A_45 = vector.extract %reduce_sum3A_44[0, 0, 0] : f32 from vector<1x1x1xf32>
    %broadcast_in_dim3A_46 = vector.broadcast %reduce_sum3A_45 : f32 to vector<1x1xf32>
    %eq3A = arith.constant 0 : i32
    %eq3A_47 = arith.cmpi eq, %arg0, %eq3A : i32
    %convert_element_type3A = arith.extui %eq3A_47 : i1 to i32
    %cond3A = arith.constant 0 : i32
    %cond3A_48 = arith.cmpi ne, %convert_element_type3A, %cond3A : i32
    scf.if %cond3A_48 {
      %broadcast_in_dim3A_55 = arith.constant 0.000000e+00 : f32
      %broadcast_in_dim3A_56 = vector.broadcast %broadcast_in_dim3A_55 : f32 to vector<1x1xf32>
      %swap3A_57 = arith.constant 0 : index
      %swap3A_58 = arith.constant 0 : index
      %swap3A_59 = vector.load %arg5[%swap3A_57, %swap3A_58] : memref<1x1xf32, #tpu.memory_space<vmem>>, vector<1x1xf32>
      tpu.vector_store %arg5[%swap3A_57, %swap3A_58], %broadcast_in_dim3A_56 {strides = array<i32>} : memref<1x1xf32, #tpu.memory_space<vmem>>, vector<1x1xf32>,
    } else {
    }
    %get3A_49 = arith.constant 0 : index
    %get3A_50 = arith.constant 0 : index
    %get3A_51 = vector.load %arg5[%get3A_49, %get3A_50] : memref<1x1xf32, #tpu.memory_space<vmem>>, vector<1x1xf32>
    %add3A_52 = arith.addf %get3A_51, %broadcast_in_dim3A_46 : vector<1x1xf32>
    %swap3A = arith.constant 0 : index
    %swap3A_53 = arith.constant 0 : index
    %swap3A_54 = vector.load %arg5[%swap3A, %swap3A_53] : memref<1x1xf32, #tpu.memory_space<vmem>>, vector<1x1xf32>
    tpu.vector_store %arg5[%swap3A, %swap3A_53], %add3A_52 {strides = array<i32>} : memref<1x1xf32, #tpu.memory_space<vmem>>, vector<1x1xf32>,
    return
  }
  func.func @transform_0(%arg0: i32) -> (i32, i32) {
    %c0_i32 = arith.constant 0 : i32
    %c0_i32_0 = arith.constant 0 : i32
    return %arg0, %c0_i32 : i32, i32
  }
  func.func @transform_1(%arg0: i32) -> (i32, i32) {
    %c0_i32 = arith.constant 0 : i32
    %c0_i32_0 = arith.constant 0 : i32
    return %arg0, %c0_i32 : i32, i32
  }
  func.func @transform_2(%arg0: i32) -> (i32, i32) {
    %c0_i32 = arith.constant 0 : i32
    %c0_i32_0 = arith.constant 0 : i32
    %c0_i32_1 = arith.constant 0 : i32
    return %c0_i32, %c0_i32_0 : i32, i32
  }
  func.func @transform_3(%arg0: i32) -> (i32, i32) {
    %c0_i32 = arith.constant 0 : i32
    %c0_i32_0 = arith.constant 0 : i32
    %c0_i32_1 = arith.constant 0 : i32
    return %c0_i32, %c0_i32_0 : i32, i32
  }
  func.func @transform_4(%arg0: i32) -> (i32, i32) {
    %c0_i32 = arith.constant 0 : i32
    %c0_i32_0 = arith.constant 0 : i32
    %c0_i32_1 = arith.constant 0 : i32
    return %c0_i32, %c0_i32_0 : i32, i32
  }
}

</mosaic_0001>

<sc_bundles>
// kernel: kernel.12.cloned.1.call-start
scs
__scs_entry_jumppad:
0x0: {  	(pc) =	sbr.rel $0x88, $3  }
0x1: {  	(tag) =	ssettag $0x0;
	lr =	simm.s32 $0x1  }
0x2: {  	[smem:$0x3F9B] =	sst lr;
	_ =	strace $0xD0000000  }
0x3: {  	_ = 	snop  }
0x4: {  	_ = 	snop  }
0x5: {  	_ = 	snop  }
0x6: {  	_ = 	snop  }
0x7: {  	_ = 	snop  }
__scs_overlays_trampoline_lowered:
0x8: {  	[smem:$0x3FAA] =	sst s0  }
0x9: {  	[smem:$0x3FAB] =	sst s1  }
0xa: {  	[smem:$0x3FAC] =	sst s2  }
0xb: {  	[smem:$0x3FAD] =	sst s3  }
0xc: {  	[smem:$0x3FAE] =	sst s4  }
0xd: {  	[smem:$0x3FAF] =	sst s5  }
0xe: {  	[smem:$0x3FB0] =	sst s6  }
0xf: {  	[smem:$0x3FB1] =	sst s7  }
0x10: {  	[smem:$0x3FB2] =	sst s8  }
0x11: {  	[smem:$0x3FB3] =	sst s9;
	s0 =	simm.s32 @!p0 $0x0  }
0x12: {  	s1 =	sld [smem:$0x3F99];
	s0 =	simm.s32 @p0 $0x1  }
0x13: {  	[smem:$0x3FB4] =	sst s0;
	s0 =	simm.s32 @!p1 $0x0  }
0x14: {  	s2 =	sld [smem:$0x3F98];
	s0 =	simm.s32 @p1 $0x1  }
0x15: {  	[smem:$0x3FB5] =	sst s0;
	s0 =	simm.s32 @!p2 $0x0  }
0x16: {  	s3 =	sld [smem:$0x3FDB];
	s0 =	simm.s32 @p2 $0x1  }
0x17: {  	s4 =	simm.s32 $0x1BF5;
	[smem:$0x3FB7] =	sst s0  }
0x18: {  	s0 =	sld [smem:$0x3F9A];
	_ =	swait.ge [sflag:s4], $0x0  }
0x19: {  	s7 =	sld [smem:$0x3F9B]  }
0x1a: {  	s8 =	sadd.s32 $0xFFFFE003, lr  }
0x1b: {  	s9 =	sadd.s32 $0xFFFFFEF7, lr;
	s5 =	simm.s32 $0xFFFFFFFF;
	p2 =	slt.u32 s8, $0xFFFFF086  }
0x1c: {  	p1 =	slt.u32 s9, $0xF7A;
	s5 =	simm.s32 @!p2 $0x0  }
0x1d: {  	s5 =	simm.s32 @p1 $0x1;
	p0 =	seq.s32 s7, s2  }
0x1e: {  	s7 =	smul.u32 @!p0 $0xF7A, s2;
	p2 =	seq.s32 @!p0 s5, $0x0  }
0x1f: {  	s9 =	smul.u32 $0xF7A, s1;
	s8 =	simm.s32 @!p0 $0x1BF5;
	p2 =	por !p2, p0  }
0x20: {  	[sflag:s8] =	ssyncset.s32 @!p0 $0xFFFFF086;
	s6 =	sadd.s32 @!p0 s3, s7;
	s7 =	simm.s32 @!p0 $0x108  }
0x21: {  	s3 =	sadd.s32 s3, s9;
	s6 =	sadd.s32 @!p0 $0x88, s6;
	s7 =	simm.s32 @p2 $0x1082  }
0x22: {  	[simem:s7], [sflag:s8] =	dma.local @!p0 [hbm:s6], $0xF7A  }
0x23: {  	s9 =	sor.u32 $0xD0000000, s2;
	s6 =	simm.s32 $0x108;
	_ =	swait.ge @!p0 [sflag:s8], $0x0  }
0x24: {  	s3 =	sadd.s32 $0x88, s3;
	s6 =	simm.s32 @!p1 $0x1082;
	[sflag:s4] =	ssyncset.s32 $0xFFFFF086  }
0x25: {  	[simem:s6], [sflag:s4] =	dma.local [hbm:s3], $0xF7A  }
0x26: {  	[smem:$0x3F9B] =	sst s1;
	(tag) =	ssettag s2;
	_ =	strace s9  }
0x27: {  	s1 =	sld [smem:$0x3FAB]  }
0x28: {  	s2 =	sld [smem:$0x3FAC]  }
0x29: {  	s4 =	sld [smem:$0x3FAE]  }
0x2a: {  	p0 =	seq.s32 s5, $0x0;
	s5 =	sld [smem:$0x3FAF]  }
0x2b: {  	s6 =	sld [smem:$0x3FB0]  }
0x2c: {  	s7 =	sld [smem:$0x3FB1]  }
0x2d: {  	s3 =	simm.s32 $0x108;
	s8 =	sld [smem:$0x3FB2]  }
0x2e: {  	s3 =	simm.s32 @!p0 $0x1082;
	s9 =	sld [smem:$0x3FB3]  }
0x2f: {  	lr =	sadd.s32 s0, s3;
	s0 =	sld [smem:$0x3FAA]  }
0x30: {  	s3 =	sld [smem:$0x3FAD]  }
0x31: {  	[smem:$0x3FB6] =	sst s10  }
0x32: {  	s10 =	sld [smem:$0x3FB4];
	_ =	sdelay $0x3  }
0x33: {  	p0 =	seq.s32 s10, $0x1;
	s10 =	sld [smem:$0x3FB6];
	_ =	sdelay $0x3  }
0x34: {  	[smem:$0x3FB6] =	sst s10  }
0x35: {  	s10 =	sld [smem:$0x3FB5];
	_ =	sdelay $0x3  }
0x36: {  	p1 =	seq.s32 s10, $0x1;
	s10 =	sld [smem:$0x3FB6];
	_ =	sdelay $0x3  }
0x37: {  	[smem:$0x3FB6] =	sst s10  }
0x38: {  	s10 =	sld [smem:$0x3FB7]  }
0x39: {  	_ = 	snop;
	(pc) =	sbr.ind lr, $3  }
0x3a: {  	_ = 	snop  }
0x3b: {  	_ = 	snop  }
0x3c: {  	p2 =	seq.s32 s10, $0x1;
	s10 =	sld [smem:$0x3FB6]  }
0x3d: {  	_ =	shalt  }
0x3e: {  	_ =	shalt  }
0x3f: {  	_ =	shalt  }
0x40: {  	_ =	shalt  }
0x41: {  	_ =	shalt  }
0x42: {  	_ =	shalt  }
0x43: {  	_ =	shalt  }
0x44: {  	_ =	shalt  }
0x45: {  	_ =	shalt  }
0x46: {  	_ =	shalt  }
0x47: {  	_ =	shalt  }
0x48: {  	_ =	shalt  }
0x49: {  	_ =	shalt  }
0x4a: {  	_ =	shalt  }
0x4b: {  	_ =	shalt  }
0x4c: {  	_ =	shalt  }
0x4d: {  	_ =	shalt  }
0x4e: {  	_ =	shalt  }
0x4f: {  	_ =	shalt  }
0x50: {  	_ =	shalt  }
0x51: {  	_ =	shalt  }
0x52: {  	_ =	shalt  }
0x53: {  	_ =	shalt  }
0x54: {  	_ =	shalt  }
0x55: {  	_ =	shalt  }
0x56: {  	_ =	shalt  }
0x57: {  	_ =	shalt  }
0x58: {  	_ =	shalt  }
0x59: {  	_ =	shalt  }
0x5a: {  	_ =	shalt  }
0x5b: {  	_ =	shalt  }
0x5c: {  	_ =	shalt  }
0x5d: {  	_ =	shalt  }
0x5e: {  	_ =	shalt  }
0x5f: {  	_ =	shalt  }
0x60: {  	_ =	shalt  }
0x61: {  	_ =	shalt  }
0x62: {  	_ =	shalt  }
0x63: {  	_ =	shalt  }
0x64: {  	_ =	shalt  }
0x65: {  	_ =	shalt  }
0x66: {  	_ =	shalt  }
0x67: {  	_ =	shalt  }
0x68: {  	_ =	shalt  }
0x69: {  	_ =	shalt  }
0x6a: {  	_ =	shalt  }
0x6b: {  	_ =	shalt  }
0x6c: {  	_ =	shalt  }
0x6d: {  	_ =	shalt  }
0x6e: {  	_ =	shalt  }
0x6f: {  	_ =	shalt  }
0x70: {  	_ =	shalt  }
0x71: {  	_ =	shalt  }
0x72: {  	_ =	shalt  }
0x73: {  	_ =	shalt  }
0x74: {  	_ =	shalt  }
0x75: {  	_ =	shalt  }
0x76: {  	_ =	shalt  }
0x77: {  	_ =	shalt  }
0x78: {  	_ =	shalt  }
0x79: {  	_ =	shalt  }
0x7a: {  	_ =	shalt  }
0x7b: {  	_ =	shalt  }
0x7c: {  	_ =	shalt  }
0x7d: {  	_ =	shalt  }
0x7e: {  	_ =	shalt  }
0x7f: {  	_ =	shalt  }
0x80: {  	_ =	shalt  }
0x81: {  	_ =	shalt  }
0x82: {  	_ =	shalt  }
0x83: {  	_ =	shalt  }
0x84: {  	_ =	shalt  }
0x85: {  	_ =	shalt  }
0x86: {  	_ =	shalt  }
0x87: {  	_ =	shalt  }
.Lfunc_end0:
.L_simem_size_0:
called_computation_lowered:
.L_overlay_start_0:
0x88: {  	s2 =	sld [smem:$0x3FD9]  }
0x89: {  	s3 =	sld [smem:$0x3FFE];
	_ =	sdelay $0x1  }
0x8a: {  	s1 =	srdreg.scid  }
0x8b: {  	s0 =	sand.u32 $0x1, s1  }
0x8c: {  	s16 =	sshll.u32 s0, $0xA;
	s2 =	sadd.s32 s3, s2  }
0x8d: {  	s2 =	sadd.s32 s2, s16  }
0x8e: {  	[smem:$0x3FC2] =	sst s2  }
0x8f: {  	_ = 	snop  }
0x90: {  	(tm) =	ssettm $0x1  }
0x91: {  	s17 =	sld [smem:$0x3FFB];
	_ =	sdelay $0x3  }
0x92: {  	_ =	strace s17  }
0x93: {  	s2 =	sld [smem:$0x3FFC];
	_ =	sdelay $0x3  }
0x94: {  	_ =	strace s2  }
0x95: {  	s2 =	sld [smem:$0x3FFD];
	_ =	sdelay $0x3  }
0x96: {  	_ =	strace s2  }
0x97: {  	_ =	strace $0x8FFFFFFF  }
0x98: {  	s18 =	sld [smem:$0x3FDB];
	_ =	sdelay $0x1  }
0x99: {  	s19 =	simm.s32 $_scs_section_size  }
0x9a: {  	s4 =	simm.s32 $_size__tile_overlayer_lowered;
	s5 =	simm.s32 $_tile_overlayer_lowered  }
0x9b: {  	s22 =	simm.s32 $0x1BFF;
	s21 =	sshll.u32 s5, $0x1;
	s2 =	sadd.s32 s19, s18  }
0x9c: {  	s6 =	simm.s32 $0x0;
	s20 =	sshll.u32 s4, $0x1;
	s4 =	sadd.s32 s21, s2  }
0x9d: {  	[timem:s6], [sflag:s22] =	dma.local [hbm:s4], s20  }
0x9e: {  	_ =	swait.ge [sflag:s22], s20  }
0x9f: {  	s3 =	ssub.s32 $0x0, s20;
	[sflag:s22] =	ssyncset.done $0x0  }
0xa0: {  	[sflag:s22] =	ssyncadd.s32 s3;
	_ =	sdelay $0x1  }
0xa1: {  	s23 =	simm.s32 $0x1B8B  }
0xa2: {  	_ =	swait.ge [sflag:s23], $0x1  }
0xa3: {  	[sflag:s23] =	ssyncset.done $0x0  }
0xa4: {  	s25 =	simm.s32 $0x1B8E;
	s24 =	sld [smem:$0x3FFE];
	[sflag:s23] =	ssyncadd.s32 $0xFFFFFFFF  }
0xa5: {  	s26 =	simm.s32 $execute0_lowered;
	[smem:$0x3FD2] =	sst s25  }
0xa6: {  	s4 =	sshll.u32 s26, $0x1;
	_ =	strace $0x80000046;
	[dreg:$0x1] =	wrdreg $0xFFFFFFFF  }
0xa7: {  	s28 =	simm.s32 $_size_execute0_lowered;
	s2 =	sadd.s32 s2, s4;
	[dreg:$0x0] =	wrdreg $0x0  }
0xa8: {  	s4 =	sshll.u32 s28, $0x1;
	[dreg:$0x2] =	wrdreg s2  }
0xa9: {  	[dreg:$0x3] =	wrdreg s4  }
0xaa: {  	[dreg:$0x4] =	wrdreg $0xC0  }
0xab: {  	_ =	task [dreg:s6], $0x5FFFF  }
0xac: {  	[dreg:$0x1] =	wrdreg $0xFFFFFFFF  }
0xad: {  	[dreg:$0x0] =	wrdreg $0x60  }
0xae: {  	[dreg:$0x2] =	wrdreg s24  }
0xaf: {  	[dreg:$0x3] =	wrdreg $0x9  }
0xb0: {  	_ =	task.clear_ibuf [dreg:s6], $0x4FFFF;
	_ =	strace $0x90000046  }
0xb1: {  	s29 =	simm.s32 $0x9;
	_ =	strace $0x80000048  }
0xb2: {  	_ =	swait.ge [sflag:s29], $0x1  }
0xb3: {  	[sflag:s29] =	ssyncadd.s32 $0xFFFFFFFF  }
0xb4: {  	_ =	strace $0x90000048  }
0xb5: {  	_ =	sfence  }
0xb6: {  	s30 =	sld [smem:$0x0];
	_ =	sdelay $0x2  }
0xb7: {  	s31 =	sshll.u32 s1, $0xD;
	s1 =	sshrl.u32 s1, $0x2  }
0xb8: {  	s3 =	sand.u32 $0x4000, s31;
	s1 =	sadd.s32 s1, s30  }
0xb9: {  	s0 =	sor.u32 s3, s0;
	s1 =	sshll.u32 s1, $0x11  }
0xba: {  	s0 =	sor.u32 s1, s0  }
0xbb: {  	s0 =	sadd.s32 $0x8F2B, s0  }
0xbc: {  	[sflag:s0] =	ssyncadd.remote.s32 $0x1  }
0xbd: {  	_ =	sfence.sel $0xFFFF  }
0xbe: {  	[dreg:$0x0] =	wrdreg $0xFFFFFFFF;
	(pc) =	sbr.abs _section_cstart, $3  }
0xbf: {  	[dreg:$0x1] =	wrdreg $0xFFFFFFFF  }
0xc0: {  	_ =	task.clear_ibuf [dreg:s6], $0x2FFFF;
	_ =	strace $0x9FFFFFFF  }
0xc1: {  	(tm) =	ssettm $0x7FFFFFFF  }
tec
execute0_lowered:
.L_overlay_start_1:
0x0: {  	(tag) =	ssettag $0x1  }
0x1: {  	s1 =	srdreg.scid  }
0x2: {  	s0 =	stileid.u32;
	s4 =	rddreg [dreg:$0x0];
	s2 =	simm.s32 $0x0  }
0x3: {  	s11 =	simm.s32 $0x5000;
	s3 =	sand.u32 $0x1, s1;
	s5 =	sshll.u32 s0, $0x1  }
0x4: {  	s12 =	simm.s32 $0x5880;
	s1 =	rddreg [dreg:$0x1];
	s5 =	sor.u32 s3, s5  }
0x5: {  	s13 =	simm.s32 $0x0;
	[smem:$0x7FF] =	sst s2;
	s6 =	smul.u32 $0x500, s5  }
0x6: {  	_ =	strace $0x80000047;
	s7 =	ssub.s32 $0x2, s3;
	s5 =	smul.u32 $0x110, s5  }
0x7: {  	s3 =	sadd.s32 $0x17800, s4;
	s31 =	sshrl.u32 s7, $0x1;
	s8 =	sadd.s32 s6, s4  }
0x8: {  	s10 =	ssub.s32 s7, s31;
	s9 =	sadd.s32 s5, s4;
	s4 =	sadd.s32 $0xD800, s8  }
0x9: {  	s5 =	sadd.s32 $0x3800, s8;
	s6 =	sadd.s32 $0x17E00, s9;
	s7 =	sadd.s32 $0x1A000, s8  }
0xa: {  	v0 =	vimm.f32 $1.000000000e+00;
	s8 =	smax.u32 s10, $0x1;
	s9 =	simm.s32 $0x1;
	s10 =	simm.s32 $0x2800  }
.LBB2_1:
0xb: {  	[tilespmem:s2], [sflag:$0x1] =	stream.linear.gather [hbm4b:s4+s2], $0x2800, $0x38;
	[tilespmem:$0x8080] =	vst v63  }
0xc: {  	_ =	swait.ge [sflag:s9], $0x2800  }
0xd: {  	[sflag:s9] =	ssyncset.done $0x0  }
0xe: {  	[sflag:s9] =	ssyncadd.s32 $0xFFFFD800  }
0xf: {  	[tilespmem:s10], [sflag:$0x1] =	stream.linear.gather [hbm4b:s5+s2], $0x2800, $0x38;
	[tilespmem:$0x8080] =	vst v63  }
0x10: {  	_ =	swait.ge [sflag:s9], $0x2800  }
0x11: {  	[sflag:s9] =	ssyncset.done $0x0  }
0x12: {  	[sflag:s9] =	ssyncadd.s32 $0xFFFFD800  }
0x13: {  	[tilespmem:s11], [sflag:$0x1] =	stream.linear.gather [hbm4b:s3+s2], $0x880, $0x38;
	[tilespmem:$0x8080] =	vst v63  }
0x14: {  	_ =	swait.ge [sflag:s9], $0x880  }
0x15: {  	[sflag:s9] =	ssyncset.done $0x0  }
0x16: {  	[sflag:s9] =	ssyncadd.s32 $0xFFFFF780  }
0x17: {  	[tilespmem:s12], [sflag:$0x1] =	stream.linear.gather [hbm4b:s3+s2], $0x2800, $0x38;
	[tilespmem:$0x8080] =	vst v63  }
0x18: {  	_ =	swait.ge [sflag:s9], $0x2800  }
0x19: {  	[sflag:s9] =	ssyncset.done $0x0  }
0x1a: {  	s14 =	simm.s32 $0x0;
	[sflag:s9] =	ssyncadd.s32 $0xFFFFD800  }
.LBB2_2:
0x1b: {  	s15 =	sshra.s32 s14, $0x2  }
0x1c: {  	v1 =	vld [tilespmem:s15+$0x0];
	_ =	sdelay $0x7  }
0x1d: {  	[tilespmem:v1+s11+$0x0] =	vst.idx.add.f32.msk $0xffff, v0  }
0x1e: {  	v1 =	vld [tilespmem:s15+$0x2800];
	_ =	sdelay $0x7  }
0x1f: {  	[tilespmem:v1+s12+$0x0] =	vst.idx.add.f32.msk $0xffff, v0  }
0x20: {  	v1 =	vld [tilespmem:s15+$0x10];
	_ =	sdelay $0x7  }
0x21: {  	[tilespmem:v1+s11+$0x0] =	vst.idx.add.f32.msk $0xffff, v0  }
0x22: {  	v1 =	vld [tilespmem:s15+$0x2810];
	_ =	sdelay $0x7  }
0x23: {  	[tilespmem:v1+s12+$0x0] =	vst.idx.add.f32.msk $0xffff, v0  }
0x24: {  	v1 =	vld [tilespmem:s15+$0x20];
	_ =	sdelay $0x7  }
0x25: {  	[tilespmem:v1+s11+$0x0] =	vst.idx.add.f32.msk $0xffff, v0  }
0x26: {  	v1 =	vld [tilespmem:s15+$0x2820];
	_ =	sdelay $0x7  }
0x27: {  	[tilespmem:v1+s12+$0x0] =	vst.idx.add.f32.msk $0xffff, v0  }
0x28: {  	v1 =	vld [tilespmem:s15+$0x30];
	_ =	sdelay $0x7  }
0x29: {  	[tilespmem:v1+s11+$0x0] =	vst.idx.add.f32.msk $0xffff, v0  }
0x2a: {  	v1 =	vld [tilespmem:s15+$0x2830];
	_ =	sdelay $0x2  }
0x2b: {  	p0 =	sne.s32 s14, $0x9F00  }
.Ltmp0:
0x2c: {  	_ = 	snop;
	(pc) =	sbr.rel @p0 .LBB2_2-.Ltmp0, $2  }
0x2d: {  	_ =	sdelay $0x2  }
0x2e: {  	s14 =	sadd.s32 $0x100, s14;
	[tilespmem:v1+s12+$0x0] =	vst.idx.add.f32.msk $0xffff, v0  }
0x2f: {  	[hbm4b:s6+s2] =	stream.linear.scatter [tilespmem:s11], [sflag:$0x1], $0x880, $0x38;
	[tilespmem:$0x8080] =	vst v63  }
0x30: {  	s13 =	sadd.s32 $0x1, s13;
	_ =	swait.ge [sflag:s9], $0x880  }
0x31: {  	p0 =	sne.s32 s13, s8;
	[sflag:s9] =	ssyncset.done $0x0  }
.Ltmp1:
0x32: {  	[sflag:s9] =	ssyncadd.s32 $0xFFFFF780;
	(pc) =	sbr.rel @p0 .LBB2_1-.Ltmp1, $4  }
0x33: {  	[hbm4b:s7+s2] =	stream.linear.scatter [tilespmem:s12], [sflag:$0x1], $0x2800, $0x38;
	[tilespmem:$0x8080] =	vst v63  }
0x34: {  	_ =	swait.ge [sflag:s9], $0x2800  }
0x35: {  	[sflag:s9] =	ssyncset.done $0x0  }
0x36: {  	[sflag:s9] =	ssyncadd.s32 $0xFFFFD800  }
0x37: {  	_ =	sfence.sel $0x180000  }
0x38: {  	[bflag:$0x0] =	sbarrier.arrive $0xFFFF  }
0x39: {  	p0 =	sne.s32 s0, $0x0;
	_ =	strace $0x90000047  }
0x3a: {  	s0 =	sadd.s32 @!p0 $0x100000, s1;
	[bflag:$0x2] =	sbarrier.arrive $0xFFFF  }
0x3b: {  	[sflag:s0] =	ssyncadd.tile.s32 @!p0 $0x1;
	_ =	shalt  }
.Lfunc_end2:
_tile_overlayer_lowered:
.L_overlay_start_2:
0x3c: {  	(tag) =	ssettag $0x2  }
0x3d: {  	s0 =	rddreg [dreg:$0x0];
	s2 =	stileid.u32  }
0x3e: {  	s1 =	rddreg [dreg:$0x1];
	p0 =	sne.s32 s2, $0x0  }
0x3f: {  	s3 =	rddreg [dreg:$0x2];
	[bflag:$0x3] =	sbarrier.arrive $0xFFFF;
	s2 =	simm.s32 @!p0 $0x1C01  }
0x40: {  	[timem:s3], [sflag:s2] =	dma.local @!p0 [hbm:s0], s1  }
0x41: {  	s0 =	simm.s32 @!p0 $0x1  }
0x42: {  	_ =	swait.ge @!p0 [sflag:s0], s1  }
0x43: {  	s1 =	ssub.s32 @!p0 $0x0, s1;
	[sflag:s0] =	ssyncset.done @!p0 $0x0  }
0x44: {  	[sflag:s0] =	ssyncadd.s32 @!p0 s1  }
0x45: {  	[bflag:$0x3] =	sbarrier.arrive $0xFFFF  }
0x46: {  	_ =	shalt  }

// kernel: kernel.15.cloned.1.call-start
scs
__scs_entry_jumppad:
0x0: {  	(pc) =	sbr.rel $0x88, $3  }
0x1: {  	(tag) =	ssettag $0x0;
	lr =	simm.s32 $0x1  }
0x2: {  	[smem:$0x3F9B] =	sst lr;
	_ =	strace $0xD0000000  }
0x3: {  	_ = 	snop  }
0x4: {  	_ = 	snop  }
0x5: {  	_ = 	snop  }
0x6: {  	_ = 	snop  }
0x7: {  	_ = 	snop  }
__scs_overlays_trampoline_lowered:
0x8: {  	[smem:$0x3FAA] =	sst s0  }
0x9: {  	[smem:$0x3FAB] =	sst s1  }
0xa: {  	[smem:$0x3FAC] =	sst s2  }
0xb: {  	[smem:$0x3FAD] =	sst s3  }
0xc: {  	[smem:$0x3FAE] =	sst s4  }
0xd: {  	[smem:$0x3FAF] =	sst s5  }
0xe: {  	[smem:$0x3FB0] =	sst s6  }
0xf: {  	[smem:$0x3FB1] =	sst s7  }
0x10: {  	[smem:$0x3FB2] =	sst s8  }
0x11: {  	[smem:$0x3FB3] =	sst s9;
	s0 =	simm.s32 @!p0 $0x0  }
0x12: {  	s1 =	sld [smem:$0x3F99];
	s0 =	simm.s32 @p0 $0x1  }
0x13: {  	[smem:$0x3FB4] =	sst s0;
	s0 =	simm.s32 @!p1 $0x0  }
0x14: {  	s2 =	sld [smem:$0x3F98];
	s0 =	simm.s32 @p1 $0x1  }
0x15: {  	[smem:$0x3FB5] =	sst s0;
	s0 =	simm.s32 @!p2 $0x0  }
0x16: {  	s3 =	sld [smem:$0x3FDB];
	s0 =	simm.s32 @p2 $0x1  }
0x17: {  	s4 =	simm.s32 $0x1BF5;
	[smem:$0x3FB7] =	sst s0  }
0x18: {  	s0 =	sld [smem:$0x3F9A];
	_ =	swait.ge [sflag:s4], $0x0  }
0x19: {  	s7 =	sld [smem:$0x3F9B]  }
0x1a: {  	s8 =	sadd.s32 $0xFFFFE003, lr  }
0x1b: {  	s9 =	sadd.s32 $0xFFFFFEF7, lr;
	s5 =	simm.s32 $0xFFFFFFFF;
	p2 =	slt.u32 s8, $0xFFFFF086  }
0x1c: {  	p1 =	slt.u32 s9, $0xF7A;
	s5 =	simm.s32 @!p2 $0x0  }
0x1d: {  	s5 =	simm.s32 @p1 $0x1;
	p0 =	seq.s32 s7, s2  }
0x1e: {  	s7 =	smul.u32 @!p0 $0xF7A, s2;
	p2 =	seq.s32 @!p0 s5, $0x0  }
0x1f: {  	s9 =	smul.u32 $0xF7A, s1;
	s8 =	simm.s32 @!p0 $0x1BF5;
	p2 =	por !p2, p0  }
0x20: {  	[sflag:s8] =	ssyncset.s32 @!p0 $0xFFFFF086;
	s6 =	sadd.s32 @!p0 s3, s7;
	s7 =	simm.s32 @!p0 $0x108  }
0x21: {  	s3 =	sadd.s32 s3, s9;
	s6 =	sadd.s32 @!p0 $0x88, s6;
	s7 =	simm.s32 @p2 $0x1082  }
0x22: {  	[simem:s7], [sflag:s8] =	dma.local @!p0 [hbm:s6], $0xF7A  }
0x23: {  	s9 =	sor.u32 $0xD0000000, s2;
	s6 =	simm.s32 $0x108;
	_ =	swait.ge @!p0 [sflag:s8], $0x0  }
0x24: {  	s3 =	sadd.s32 $0x88, s3;
	s6 =	simm.s32 @!p1 $0x1082;
	[sflag:s4] =	ssyncset.s32 $0xFFFFF086  }
0x25: {  	[simem:s6], [sflag:s4] =	dma.local [hbm:s3], $0xF7A  }
0x26: {  	[smem:$0x3F9B] =	sst s1;
	(tag) =	ssettag s2;
	_ =	strace s9  }
0x27: {  	s1 =	sld [smem:$0x3FAB]  }
0x28: {  	s2 =	sld [smem:$0x3FAC]  }
0x29: {  	s4 =	sld [smem:$0x3FAE]  }
0x2a: {  	p0 =	seq.s32 s5, $0x0;
	s5 =	sld [smem:$0x3FAF]  }
0x2b: {  	s6 =	sld [smem:$0x3FB0]  }
0x2c: {  	s7 =	sld [smem:$0x3FB1]  }
0x2d: {  	s3 =	simm.s32 $0x108;
	s8 =	sld [smem:$0x3FB2]  }
0x2e: {  	s3 =	simm.s32 @!p0 $0x1082;
	s9 =	sld [smem:$0x3FB3]  }
0x2f: {  	lr =	sadd.s32 s0, s3;
	s0 =	sld [smem:$0x3FAA]  }
0x30: {  	s3 =	sld [smem:$0x3FAD]  }
0x31: {  	[smem:$0x3FB6] =	sst s10  }
0x32: {  	s10 =	sld [smem:$0x3FB4];
	_ =	sdelay $0x3  }
0x33: {  	p0 =	seq.s32 s10, $0x1;
	s10 =	sld [smem:$0x3FB6];
	_ =	sdelay $0x3  }
0x34: {  	[smem:$0x3FB6] =	sst s10  }
0x35: {  	s10 =	sld [smem:$0x3FB5];
	_ =	sdelay $0x3  }
0x36: {  	p1 =	seq.s32 s10, $0x1;
	s10 =	sld [smem:$0x3FB6];
	_ =	sdelay $0x3  }
0x37: {  	[smem:$0x3FB6] =	sst s10  }
0x38: {  	s10 =	sld [smem:$0x3FB7]  }
0x39: {  	_ = 	snop;
	(pc) =	sbr.ind lr, $3  }
0x3a: {  	_ = 	snop  }
0x3b: {  	_ = 	snop  }
0x3c: {  	p2 =	seq.s32 s10, $0x1;
	s10 =	sld [smem:$0x3FB6]  }
0x3d: {  	_ =	shalt  }
0x3e: {  	_ =	shalt  }
0x3f: {  	_ =	shalt  }
0x40: {  	_ =	shalt  }
0x41: {  	_ =	shalt  }
0x42: {  	_ =	shalt  }
0x43: {  	_ =	shalt  }
0x44: {  	_ =	shalt  }
0x45: {  	_ =	shalt  }
0x46: {  	_ =	shalt  }
0x47: {  	_ =	shalt  }
0x48: {  	_ =	shalt  }
0x49: {  	_ =	shalt  }
0x4a: {  	_ =	shalt  }
0x4b: {  	_ =	shalt  }
0x4c: {  	_ =	shalt  }
0x4d: {  	_ =	shalt  }
0x4e: {  	_ =	shalt  }
0x4f: {  	_ =	shalt  }
0x50: {  	_ =	shalt  }
0x51: {  	_ =	shalt  }
0x52: {  	_ =	shalt  }
0x53: {  	_ =	shalt  }
0x54: {  	_ =	shalt  }
0x55: {  	_ =	shalt  }
0x56: {  	_ =	shalt  }
0x57: {  	_ =	shalt  }
0x58: {  	_ =	shalt  }
0x59: {  	_ =	shalt  }
0x5a: {  	_ =	shalt  }
0x5b: {  	_ =	shalt  }
0x5c: {  	_ =	shalt  }
0x5d: {  	_ =	shalt  }
0x5e: {  	_ =	shalt  }
0x5f: {  	_ =	shalt  }
0x60: {  	_ =	shalt  }
0x61: {  	_ =	shalt  }
0x62: {  	_ =	shalt  }
0x63: {  	_ =	shalt  }
0x64: {  	_ =	shalt  }
0x65: {  	_ =	shalt  }
0x66: {  	_ =	shalt  }
0x67: {  	_ =	shalt  }
0x68: {  	_ =	shalt  }
0x69: {  	_ =	shalt  }
0x6a: {  	_ =	shalt  }
0x6b: {  	_ =	shalt  }
0x6c: {  	_ =	shalt  }
0x6d: {  	_ =	shalt  }
0x6e: {  	_ =	shalt  }
0x6f: {  	_ =	shalt  }
0x70: {  	_ =	shalt  }
0x71: {  	_ =	shalt  }
0x72: {  	_ =	shalt  }
0x73: {  	_ =	shalt  }
0x74: {  	_ =	shalt  }
0x75: {  	_ =	shalt  }
0x76: {  	_ =	shalt  }
0x77: {  	_ =	shalt  }
0x78: {  	_ =	shalt  }
0x79: {  	_ =	shalt  }
0x7a: {  	_ =	shalt  }
0x7b: {  	_ =	shalt  }
0x7c: {  	_ =	shalt  }
0x7d: {  	_ =	shalt  }
0x7e: {  	_ =	shalt  }
0x7f: {  	_ =	shalt  }
0x80: {  	_ =	shalt  }
0x81: {  	_ =	shalt  }
0x82: {  	_ =	shalt  }
0x83: {  	_ =	shalt  }
0x84: {  	_ =	shalt  }
0x85: {  	_ =	shalt  }
0x86: {  	_ =	shalt  }
0x87: {  	_ =	shalt  }
.Lfunc_end0:
.L_simem_size_0:
called_computation.1_lowered:
.L_overlay_start_0:
0x88: {  	s2 =	sld [smem:$0x3FD9]  }
0x89: {  	s3 =	sld [smem:$0x3FFE];
	_ =	sdelay $0x1  }
0x8a: {  	s1 =	srdreg.scid  }
0x8b: {  	s0 =	sand.u32 $0x1, s1  }
0x8c: {  	s15 =	sshll.u32 s0, $0xA;
	s2 =	sadd.s32 s3, s2  }
0x8d: {  	s2 =	sadd.s32 s2, s15  }
0x8e: {  	[smem:$0x3FC2] =	sst s2  }
0x8f: {  	_ = 	snop  }
0x90: {  	s2 =	sld [smem:$0x3FD0];
	_ =	sdelay $0x2  }
0x91: {  	s16 =	simm.s32 $0xB;
	s4 =	simm.s32 $0x10  }
0x92: {  	[smem:s4], [sflag:s16] =	dma.local [hbm:s2], $0x1  }
0x93: {  	_ =	swait.eq [sflag:s16], $0x1  }
0x94: {  	[sflag:s16] =	ssyncset.done $0x0  }
0x95: {  	[sflag:s16] =	ssyncadd.s32 $0xFFFFFFFF  }
0x96: {  	s17 =	sld [smem:$0x10];
	(tm) =	ssettm $0x1  }
0x97: {  	s18 =	sld [smem:$0x3FFB];
	_ =	sdelay $0x3  }
0x98: {  	_ =	strace s18  }
0x99: {  	s2 =	sld [smem:$0x3FFC];
	_ =	sdelay $0x3  }
0x9a: {  	_ =	strace s2  }
0x9b: {  	s2 =	sld [smem:$0x3FFD];
	_ =	sdelay $0x3  }
0x9c: {  	_ =	strace s2  }
0x9d: {  	_ =	strace $0x8FFFFFFF  }
0x9e: {  	s19 =	sld [smem:$0x3FDB];
	_ =	sdelay $0x1  }
0x9f: {  	s20 =	simm.s32 $_scs_section_size  }
0xa0: {  	s5 =	simm.s32 $_size__tile_overlayer_lowered;
	s6 =	simm.s32 $_tile_overlayer_lowered  }
0xa1: {  	s7 =	simm.s32 $0x1BFF;
	s21 =	sshll.u32 s6, $0x1;
	s4 =	sadd.s32 s20, s19  }
0xa2: {  	s22 =	simm.s32 $0x0;
	s5 =	sshll.u32 s5, $0x1;
	s6 =	sadd.s32 s21, s4  }
0xa3: {  	[timem:s22], [sflag:s7] =	dma.local [hbm:s6], s5  }
0xa4: {  	_ =	swait.ge [sflag:s7], s5  }
0xa5: {  	s5 =	ssub.s32 $0x0, s5;
	[sflag:s7] =	ssyncset.done $0x0  }
0xa6: {  	[sflag:s7] =	ssyncadd.s32 s5;
	_ =	sdelay $0x1  }
0xa7: {  	s23 =	simm.s32 $0x1B8B  }
0xa8: {  	_ =	swait.ge [sflag:s23], $0x1  }
0xa9: {  	[sflag:s23] =	ssyncset.done $0x0  }
0xaa: {  	[sflag:s23] =	ssyncadd.s32 $0xFFFFFFFF  }
0xab: {  	s5 =	sld [smem:$0x0]  }
0xac: {  	s6 =	sand.u32 $0xFFFFFFFE, s1  }
0xad: {  	p0 =	sne.s32 s1, s6  }
0xae: {  	s6 =	sshll.u32 @p0 s6, $0xE  }
0xaf: {  	s6 =	sadd.s32 @p0 $0x11B8D, s6;
	s7 =	sshll.u32 @p0 s5, $0x11  }
0xb0: {  	s6 =	sor.u32 @p0 s7, s6  }
0xb1: {  	[sflag:s6] =	ssyncadd.remote.s32 @p0 $0x1;
	_ =	sdelay $0x1  }
0xb2: {  	s6 =	simm.s32 @p0 $0x1B8D  }
0xb3: {  	_ =	swait.eq @p0 [sflag:s6], $0x1  }
0xb4: {  	[sflag:s6] =	ssyncadd.s32 @p0 $0xFFFFFFFF  }
0xb5: {  	s7 =	sshll.u32 @!p0 s1, $0xE  }
0xb6: {  	s7 =	sor.u32 @!p0 $0x4000, s7;
	s6 =	simm.s32 @!p0 $0x1B8D  }
0xb7: {  	s5 =	sshll.u32 @!p0 s5, $0x11;
	s7 =	sadd.s32 @!p0 $0x11B8D, s7;
	_ =	swait.eq @!p0 [sflag:s6], $0x1  }
0xb8: {  	s5 =	sor.u32 @!p0 s5, s7;
	[sflag:s6] =	ssyncadd.s32 @!p0 $0xFFFFFFFF  }
0xb9: {  	s25 =	simm.s32 $0x1B8E;
	s24 =	sld [smem:$0x3FFE];
	[sflag:s5] =	ssyncadd.remote.s32 @!p0 $0x1  }
0xba: {  	s26 =	simm.s32 $execute0_lowered;
	[smem:$0x3FD2] =	sst s25  }
0xbb: {  	s6 =	sshll.u32 s26, $0x1;
	_ =	strace $0x80000049;
	[dreg:$0x1] =	wrdreg $0xFFFFFFFF  }
0xbc: {  	s28 =	simm.s32 $_size_execute0_lowered;
	s4 =	sadd.s32 s4, s6;
	[dreg:$0x0] =	wrdreg $0x0  }
0xbd: {  	s6 =	sshll.u32 s28, $0x1;
	[dreg:$0x2] =	wrdreg s4  }
0xbe: {  	[dreg:$0x3] =	wrdreg s6  }
0xbf: {  	[dreg:$0x4] =	wrdreg $0xC0  }
0xc0: {  	_ =	task [dreg:s22], $0x5FFFF  }
0xc1: {  	[dreg:$0x1] =	wrdreg $0xFFFFFFFF  }
0xc2: {  	[dreg:$0x0] =	wrdreg $0x60  }
0xc3: {  	[dreg:$0x2] =	wrdreg s17  }
0xc4: {  	[dreg:$0x3] =	wrdreg s24  }
0xc5: {  	[dreg:$0x4] =	wrdreg $0x190000  }
0xc6: {  	[dreg:$0x5] =	wrdreg $0xA  }
0xc7: {  	_ =	task.clear_ibuf [dreg:s22], $0x6FFFF;
	_ =	strace $0x90000049  }
0xc8: {  	s29 =	simm.s32 $0xA;
	_ =	strace $0x8000004B  }
0xc9: {  	_ =	swait.ge [sflag:s29], $0x1  }
0xca: {  	[sflag:s29] =	ssyncadd.s32 $0xFFFFFFFF  }
0xcb: {  	_ =	strace $0x9000004B  }
0xcc: {  	_ =	sfence  }
0xcd: {  	s30 =	sld [smem:$0x0];
	_ =	sdelay $0x2  }
0xce: {  	s31 =	sshll.u32 s1, $0xD;
	s1 =	sshrl.u32 s1, $0x2  }
0xcf: {  	s4 =	sand.u32 $0x4000, s31;
	s1 =	sadd.s32 s1, s30  }
0xd0: {  	s0 =	sor.u32 s4, s0;
	s1 =	sshll.u32 s1, $0x11  }
0xd1: {  	s0 =	sor.u32 s1, s0  }
0xd2: {  	s0 =	sadd.s32 $0x8F2B, s0  }
0xd3: {  	[sflag:s0] =	ssyncadd.remote.s32 $0x1  }
0xd4: {  	_ =	sfence.sel $0xFFFF  }
0xd5: {  	[dreg:$0x0] =	wrdreg $0xFFFFFFFF;
	(pc) =	sbr.abs _section_cstart, $3  }
0xd6: {  	[dreg:$0x1] =	wrdreg $0xFFFFFFFF  }
0xd7: {  	_ =	task.clear_ibuf [dreg:s22], $0x2FFFF;
	_ =	strace $0x9FFFFFFF  }
0xd8: {  	(tm) =	ssettm $0x7FFFFFFF  }
0xd9: {  	_ =	shalt  }
tec
execute0_lowered:
.L_overlay_start_1:
0x0: {  	(tag) =	ssettag $0x1  }
0x1: {  	s1 =	rddreg [dreg:$0x0]  }
0x2: {  	s0 =	rddreg [dreg:$0x1];
	s2 =	srdreg.scid  }
0x3: {  	s11 =	stileid.u32;
	s3 =	rddreg [dreg:$0x2];
	s4 =	simm.s32 $0x0  }
0x4: {  	s12 =	simm.s32 $0xB;
	s14 =	simm.s32 $0x7D;
	s15 =	simm.s32 $0x5000  }
0x5: {  	s17 =	simm.s32 $0x9000;
	s19 =	simm.s32 $0xD000;
	s21 =	simm.s32 $0x11000  }
0x6: {  	s23 =	simm.s32 $0x15000;
	s28 =	simm.s32 $0x4;
	s29 =	simm.s32 $0x5  }
0x7: {  	s30 =	simm.s32 $0x6;
	s31 =	simm.s32 $0x7;
	s13 =	simm.s32 $0xA  }
0x8: {  	s18 =	simm.s32 $0x0;
	s2 =	sand.u32 $0x1, s2;
	s5 =	sshll.u32 s11, $0x1  }
0x9: {  	[smem:$0x7FF] =	sst s4;
	s7 =	sshll.u32 s11, $0xB;
	s24 =	sshll.u32 s11, $0xE  }
0xa: {  	s25 =	sshll.u32 s11, $0x6;
	s5 =	sor.u32 s2, s5;
	_ =	strace $0x8000004A  }
0xb: {  	s6 =	ssub.s32 $0x2, s2;
	s2 =	sshll.u32 s2, $0xF;
	s26 =	sadd.s32 s24, s3  }
0xc: {  	s24 =	simm.s32 $0x1;
	s5 =	smul.u32 $0x500, s5;
	s9 =	sshrl.u32 s6, $0x1  }
0xd: {  	s11 =	sshrl.u32 s26, $0x3;
	s26 =	simm.s32 $0x3;
	s10 =	ssub.s32 s6, s9  }
0xe: {  	s6 =	sor.u32 $0x1C0B, s25;
	s25 =	simm.s32 $0x2;
	s8 =	sadd.s32 s5, s0  }
0xf: {  	s5 =	sadd.s32 $0x38000, s0;
	s0 =	sadd.s32 s7, s0;
	s10 =	smax.u32 s10, $0x1  }
0x10: {  	s0 =	sadd.s32 s2, s0;
	s7 =	sadd.s32 $0x24000, s8;
	s8 =	sadd.s32 $0x2E000, s8  }
0x11: {  	s2 =	simm.s32 $0x8;
	s9 =	sadd.s32 $0x3C000, s0;
	s0 =	simm.s32 $0x9  }
.LBB2_1:
0x12: {  	[spmem:s11], [sflag:s6] =	dma.local [hbm:s5], $0x800  }
0x13: {  	_ =	swait.ge [sflag:s12], $0x800  }
0x14: {  	[sflag:s12] =	ssyncset.done $0x0  }
0x15: {  	[sflag:s12] =	ssyncadd.s32 $0xFFFFF800  }
0x16: {  	[bflag:$0x0] =	sbarrier.arrive $0xFFFF  }
0x17: {  	[tilespmem:s4], [sflag:$0xB] =	stream.linear.gather [hbm4b:s7+s4], $0x2800, $0x38;
	[tilespmem:$0x1D000] =	vst v63  }
0x18: {  	_ =	swait.ge [sflag:s12], $0x2800  }
0x19: {  	[sflag:s12] =	ssyncset.done $0x0  }
0x1a: {  	s16 =	simm.s32 $0x2800;
	[sflag:s12] =	ssyncadd.s32 $0xFFFFD800  }
0x1b: {  	[tilespmem:s16], [sflag:$0xB] =	stream.linear.gather [hbm4b:s8+s4], $0x2800, $0x38;
	[tilespmem:$0x1D000] =	vst v63  }
0x1c: {  	_ =	swait.ge [sflag:s12], $0x2800  }
0x1d: {  	[sflag:s12] =	ssyncset.done $0x0  }
0x1e: {  	[sflag:s12] =	ssyncadd.s32 $0xFFFFD800  }
0x1f: {  	[tilespmem:s15], [sflag:$0x1] =	stream.indirect.gather [hbm4b:s1+s14], $0x80, s4, s14, $0xb8;
	[tilespmem:$0x1D000] =	vst v63  }
0x20: {  	s20 =	simm.s32 $0x80  }
0x21: {  	[tilespmem:s17], [sflag:$0x2] =	stream.indirect.gather [hbm4b:s1+s14], $0x80, s20, s14, $0xb8;
	[tilespmem:$0x1D000] =	vst v63  }
0x22: {  	s22 =	simm.s32 $0x100  }
0x23: {  	[tilespmem:s19], [sflag:$0x3] =	stream.indirect.gather [hbm4b:s1+s14], $0x80, s22, s14, $0xb8;
	[tilespmem:$0x1D000] =	vst v63  }
0x24: {  	s20 =	simm.s32 $0x180  }
0x25: {  	[tilespmem:s21], [sflag:$0x4] =	stream.indirect.gather [hbm4b:s1+s14], $0x80, s20, s14, $0xb8;
	[tilespmem:$0x1D000] =	vst v63  }
0x26: {  	s22 =	simm.s32 $0x200  }
0x27: {  	[tilespmem:s23], [sflag:$0x5] =	stream.indirect.gather [hbm4b:s1+s14], $0x80, s22, s14, $0xb8;
	[tilespmem:$0x1D000] =	vst v63  }
0x28: {  	_ =	swait.ge [sflag:s24], $0x3E80  }
0x29: {  	[sflag:s24] =	ssyncset.done $0x0  }
0x2a: {  	s20 =	simm.s32 $0x2800;
	[sflag:s24] =	ssyncadd.s32 $0xFFFFC180  }
0x2b: {  	[spmem:s3] =	stream.indirect.scatter.add.f32 [tilespmem:s15], [sflag:$0x6], $0x80, s20, s14, $0xb8;
	[tilespmem:$0x1D000] =	vst v63  }
0x2c: {  	_ =	swait.ge [sflag:s25], $0x3E80  }
0x2d: {  	[sflag:s25] =	ssyncset.done $0x0  }
0x2e: {  	s16 =	simm.s32 $0x2880;
	[sflag:s25] =	ssyncadd.s32 $0xFFFFC180  }
0x2f: {  	[spmem:s3] =	stream.indirect.scatter.add.f32 [tilespmem:s17], [sflag:$0x7], $0x80, s16, s14, $0xb8;
	[tilespmem:$0x1D000] =	vst v63  }
0x30: {  	_ =	swait.ge [sflag:s26], $0x3E80  }
0x31: {  	[sflag:s26] =	ssyncset.done $0x0  }
0x32: {  	s22 =	simm.s32 $0x2900;
	[sflag:s26] =	ssyncadd.s32 $0xFFFFC180  }
0x33: {  	[spmem:s3] =	stream.indirect.scatter.add.f32 [tilespmem:s19], [sflag:$0x8], $0x80, s22, s14, $0xb8;
	[tilespmem:$0x1D000] =	vst v63  }
0x34: {  	_ =	swait.ge [sflag:s28], $0x3E80  }
0x35: {  	[sflag:s28] =	ssyncset.done $0x0  }
0x36: {  	s16 =	simm.s32 $0x2980;
	[sflag:s28] =	ssyncadd.s32 $0xFFFFC180  }
0x37: {  	[spmem:s3] =	stream.indirect.scatter.add.f32 [tilespmem:s21], [sflag:$0x9], $0x80, s16, s14, $0xb8;
	[tilespmem:$0x1D000] =	vst v63  }
0x38: {  	_ =	swait.ge [sflag:s29], $0x3E80  }
0x39: {  	[sflag:s29] =	ssyncset.done $0x0  }
0x3a: {  	s22 =	simm.s32 $0x2A00;
	[sflag:s29] =	ssyncadd.s32 $0xFFFFC180  }
0x3b: {  	[spmem:s3] =	stream.indirect.scatter.add.f32 [tilespmem:s23], [sflag:$0xA], $0x80, s22, s14, $0xb8;
	[tilespmem:$0x1D000] =	vst v63  }
0x3c: {  	_ =	swait.ge [sflag:s30], $0x3E80  }
0x3d: {  	[sflag:s30] =	ssyncset.done $0x0  }
0x3e: {  	s16 =	simm.s32 $0x280;
	[sflag:s30] =	ssyncadd.s32 $0xFFFFC180  }
0x3f: {  	[tilespmem:s15], [sflag:$0x1] =	stream.indirect.gather [hbm4b:s1+s14], $0x80, s16, s14, $0xb8;
	[tilespmem:$0x1D000] =	vst v63  }
0x40: {  	_ =	swait.ge [sflag:s31], $0x3E80  }
0x41: {  	[sflag:s31] =	ssyncset.done $0x0  }
0x42: {  	s22 =	simm.s32 $0x300;
	[sflag:s31] =	ssyncadd.s32 $0xFFFFC180  }
0x43: {  	[tilespmem:s17], [sflag:$0x2] =	stream.indirect.gather [hbm4b:s1+s14], $0x80, s22, s14, $0xb8;
	[tilespmem:$0x1D000] =	vst v63  }
0x44: {  	_ =	swait.ge [sflag:s2], $0x3E80  }
0x45: {  	[sflag:s2] =	ssyncset.done $0x0  }
0x46: {  	s16 =	simm.s32 $0x380;
	[sflag:s2] =	ssyncadd.s32 $0xFFFFC180  }
0x47: {  	[tilespmem:s19], [sflag:$0x3] =	stream.indirect.gather [hbm4b:s1+s14], $0x80, s16, s14, $0xb8;
	[tilespmem:$0x1D000] =	vst v63  }
0x48: {  	_ =	swait.ge [sflag:s0], $0x3E80  }
0x49: {  	[sflag:s0] =	ssyncset.done $0x0  }
0x4a: {  	s22 =	simm.s32 $0x400;
	[sflag:s0] =	ssyncadd.s32 $0xFFFFC180  }
0x4b: {  	[tilespmem:s21], [sflag:$0x4] =	stream.indirect.gather [hbm4b:s1+s14], $0x80, s22, s14, $0xb8;
	[tilespmem:$0x1D000] =	vst v63  }
0x4c: {  	_ =	swait.ge [sflag:s13], $0x3E80  }
0x4d: {  	[sflag:s13] =	ssyncset.done $0x0  }
0x4e: {  	s20 =	simm.s32 $0xA00;
	s22 =	simm.s32 $0x480;
	[sflag:s13] =	ssyncadd.s32 $0xFFFFC180  }
.LBB2_2:
0x4f: {  	[tilespmem:s23], [sflag:$0x5] =	stream.indirect.gather [hbm4b:s1+s14], $0x80, s22, s14, $0xb8;
	[tilespmem:$0x1D000] =	vst v63  }
0x50: {  	s22 =	smov.u32 s20  }
0x51: {  	p0 =	sne.s32 s20, $0x8C00;
	s20 =	sadd.s32 $0xA00, s20;
	_ =	swait.ge [sflag:s24], $0x3E80  }
0x52: {  	s22 =	sshra.s32 s22, $0x2;
	[sflag:s24] =	ssyncset.done $0x0  }
0x53: {  	s16 =	sadd.s32 $0x2800, s22;
	[sflag:s24] =	ssyncadd.s32 $0xFFFFC180  }
0x54: {  	[spmem:s3] =	stream.indirect.scatter.add.f32 [tilespmem:s15], [sflag:$0x6], $0x80, s16, s14, $0xb8;
	[tilespmem:$0x1D000] =	vst v63  }
0x55: {  	_ =	swait.ge [sflag:s25], $0x3E80  }
0x56: {  	[sflag:s25] =	ssyncset.done $0x0  }
0x57: {  	s16 =	sadd.s32 $0x2880, s22;
	[sflag:s25] =	ssyncadd.s32 $0xFFFFC180  }
0x58: {  	[spmem:s3] =	stream.indirect.scatter.add.f32 [tilespmem:s17], [sflag:$0x7], $0x80, s16, s14, $0xb8;
	[tilespmem:$0x1D000] =	vst v63  }
0x59: {  	_ =	swait.ge [sflag:s26], $0x3E80  }
0x5a: {  	[sflag:s26] =	ssyncset.done $0x0  }
0x5b: {  	s16 =	sadd.s32 $0x2900, s22;
	[sflag:s26] =	ssyncadd.s32 $0xFFFFC180  }
0x5c: {  	[spmem:s3] =	stream.indirect.scatter.add.f32 [tilespmem:s19], [sflag:$0x8], $0x80, s16, s14, $0xb8;
	[tilespmem:$0x1D000] =	vst v63  }
0x5d: {  	_ =	swait.ge [sflag:s28], $0x3E80  }
0x5e: {  	[sflag:s28] =	ssyncset.done $0x0  }
0x5f: {  	s16 =	sadd.s32 $0x2980, s22;
	[sflag:s28] =	ssyncadd.s32 $0xFFFFC180  }
0x60: {  	[spmem:s3] =	stream.indirect.scatter.add.f32 [tilespmem:s21], [sflag:$0x9], $0x80, s16, s14, $0xb8;
	[tilespmem:$0x1D000] =	vst v63  }
0x61: {  	_ =	swait.ge [sflag:s29], $0x3E80  }
0x62: {  	[sflag:s29] =	ssyncset.done $0x0  }
0x63: {  	s16 =	sadd.s32 $0x2A00, s22;
	[sflag:s29] =	ssyncadd.s32 $0xFFFFC180  }
0x64: {  	[spmem:s3] =	stream.indirect.scatter.add.f32 [tilespmem:s23], [sflag:$0xA], $0x80, s16, s14, $0xb8;
	[tilespmem:$0x1D000] =	vst v63  }
0x65: {  	_ =	swait.ge [sflag:s30], $0x3E80  }
0x66: {  	[sflag:s30] =	ssyncset.done $0x0  }
0x67: {  	s16 =	sadd.s32 $0x280, s22;
	[sflag:s30] =	ssyncadd.s32 $0xFFFFC180  }
0x68: {  	[tilespmem:s15], [sflag:$0x1] =	stream.indirect.gather [hbm4b:s1+s14], $0x80, s16, s14, $0xb8;
	[tilespmem:$0x1D000] =	vst v63  }
0x69: {  	_ =	swait.ge [sflag:s31], $0x3E80  }
0x6a: {  	[sflag:s31] =	ssyncset.done $0x0  }
0x6b: {  	s16 =	sadd.s32 $0x300, s22;
	[sflag:s31] =	ssyncadd.s32 $0xFFFFC180  }
0x6c: {  	[tilespmem:s17], [sflag:$0x2] =	stream.indirect.gather [hbm4b:s1+s14], $0x80, s16, s14, $0xb8;
	[tilespmem:$0x1D000] =	vst v63  }
0x6d: {  	_ =	swait.ge [sflag:s2], $0x3E80  }
0x6e: {  	[sflag:s2] =	ssyncset.done $0x0  }
0x6f: {  	s16 =	sadd.s32 $0x380, s22;
	[sflag:s2] =	ssyncadd.s32 $0xFFFFC180  }
0x70: {  	[tilespmem:s19], [sflag:$0x3] =	stream.indirect.gather [hbm4b:s1+s14], $0x80, s16, s14, $0xb8;
	[tilespmem:$0x1D000] =	vst v63  }
0x71: {  	_ =	swait.ge [sflag:s0], $0x3E80  }
0x72: {  	[sflag:s0] =	ssyncset.done $0x0  }
.Ltmp0:
0x73: {  	s16 =	sadd.s32 $0x400, s22;
	[sflag:s0] =	ssyncadd.s32 $0xFFFFC180;
	(pc) =	sbr.rel @p0 .LBB2_2-.Ltmp0, $4  }
0x74: {  	[tilespmem:s21], [sflag:$0x4] =	stream.indirect.gather [hbm4b:s1+s14], $0x80, s16, s14, $0xb8;
	[tilespmem:$0x1D000] =	vst v63  }
0x75: {  	_ =	swait.ge [sflag:s13], $0x3E80  }
0x76: {  	[sflag:s13] =	ssyncset.done $0x0  }
0x77: {  	s22 =	sadd.s32 $0x480, s22;
	[sflag:s13] =	ssyncadd.s32 $0xFFFFC180  }
0x78: {  	[tilespmem:s23], [sflag:$0x5] =	stream.indirect.gather [hbm4b:s1+s14], $0x80, s22, s14, $0xb8;
	[tilespmem:$0x1D000] =	vst v63  }
0x79: {  	_ =	swait.ge [sflag:s24], $0x3E80  }
0x7a: {  	[sflag:s24] =	ssyncset.done $0x0  }
0x7b: {  	s16 =	simm.s32 $0x4D80;
	[sflag:s24] =	ssyncadd.s32 $0xFFFFC180  }
0x7c: {  	[spmem:s3] =	stream.indirect.scatter.add.f32 [tilespmem:s15], [sflag:$0x6], $0x80, s16, s14, $0xb8;
	[tilespmem:$0x1D000] =	vst v63  }
0x7d: {  	_ =	swait.ge [sflag:s25], $0x3E80  }
0x7e: {  	[sflag:s25] =	ssyncset.done $0x0  }
0x7f: {  	s20 =	simm.s32 $0x4E00;
	[sflag:s25] =	ssyncadd.s32 $0xFFFFC180  }
0x80: {  	[spmem:s3] =	stream.indirect.scatter.add.f32 [tilespmem:s17], [sflag:$0x7], $0x80, s20, s14, $0xb8;
	[tilespmem:$0x1D000] =	vst v63  }
0x81: {  	_ =	swait.ge [sflag:s26], $0x3E80  }
0x82: {  	[sflag:s26] =	ssyncset.done $0x0  }
0x83: {  	s22 =	simm.s32 $0x4E80;
	[sflag:s26] =	ssyncadd.s32 $0xFFFFC180  }
0x84: {  	[spmem:s3] =	stream.indirect.scatter.add.f32 [tilespmem:s19], [sflag:$0x8], $0x80, s22, s14, $0xb8;
	[tilespmem:$0x1D000] =	vst v63  }
0x85: {  	_ =	swait.ge [sflag:s28], $0x3E80  }
0x86: {  	[sflag:s28] =	ssyncset.done $0x0  }
0x87: {  	s20 =	simm.s32 $0x4F00;
	[sflag:s28] =	ssyncadd.s32 $0xFFFFC180  }
0x88: {  	[spmem:s3] =	stream.indirect.scatter.add.f32 [tilespmem:s21], [sflag:$0x9], $0x80, s20, s14, $0xb8;
	[tilespmem:$0x1D000] =	vst v63  }
0x89: {  	_ =	swait.ge [sflag:s29], $0x3E80  }
0x8a: {  	[sflag:s29] =	ssyncset.done $0x0  }
0x8b: {  	s22 =	simm.s32 $0x4F80;
	[sflag:s29] =	ssyncadd.s32 $0xFFFFC180  }
0x8c: {  	[spmem:s3] =	stream.indirect.scatter.add.f32 [tilespmem:s23], [sflag:$0xA], $0x80, s22, s14, $0xb8;
	[tilespmem:$0x1D000] =	vst v63  }
0x8d: {  	_ =	swait.ge [sflag:s30], $0x3E80  }
0x8e: {  	[sflag:s30] =	ssyncset.done $0x0  }
0x8f: {  	[sflag:s30] =	ssyncadd.s32 $0xFFFFC180  }
0x90: {  	_ =	swait.ge [sflag:s31], $0x3E80  }
0x91: {  	[sflag:s31] =	ssyncset.done $0x0  }
0x92: {  	[sflag:s31] =	ssyncadd.s32 $0xFFFFC180  }
0x93: {  	_ =	swait.ge [sflag:s2], $0x3E80  }
0x94: {  	[sflag:s2] =	ssyncset.done $0x0  }
0x95: {  	[sflag:s2] =	ssyncadd.s32 $0xFFFFC180  }
0x96: {  	_ =	swait.ge [sflag:s0], $0x3E80  }
0x97: {  	[sflag:s0] =	ssyncset.done $0x0  }
0x98: {  	[sflag:s0] =	ssyncadd.s32 $0xFFFFC180  }
0x99: {  	_ =	swait.ge [sflag:s13], $0x3E80  }
0x9a: {  	s18 =	sadd.s32 $0x1, s18;
	[sflag:s13] =	ssyncset.done $0x0  }
0x9b: {  	p0 =	sne.s32 s18, s10;
	[sflag:s13] =	ssyncadd.s32 $0xFFFFC180  }
.Ltmp1:
0x9c: {  	[bflag:$0x0] =	sbarrier.arrive $0xFFFF;
	(pc) =	sbr.rel @p0 .LBB2_1-.Ltmp1, $4  }
0x9d: {  	[hbm:s9], [sflag:s6] =	dma.local [spmem:s11], $0x800  }
0x9e: {  	_ =	swait.ge [sflag:s12], $0x800  }
0x9f: {  	[sflag:s12] =	ssyncset.done $0x0  }
0xa0: {  	[sflag:s12] =	ssyncadd.s32 $0xFFFFF800  }
0xa1: {  	_ =	sfence.sel $0x180000  }
0xa2: {  	[bflag:$0x0] =	sbarrier.arrive $0xFFFF  }
0xa3: {  	_ =	strace $0x9000004A  }
0xa4: {  	s0 =	stileid.u32;
	[bflag:$0x2] =	sbarrier.arrive $0xFFFF  }
0xa5: {  	p0 =	sne.s32 s0, $0x0;
	s0 =	rddreg [dreg:$0x3]  }
0xa6: {  	s0 =	sadd.s32 @!p0 $0x100000, s0  }
0xa7: {  	[sflag:s0] =	ssyncadd.tile.s32 @!p0 $0x1;
	_ =	shalt  }
.Lfunc_end2:
_tile_overlayer_lowered:
.L_overlay_start_2:
0xa8: {  	(tag) =	ssettag $0x2  }
0xa9: {  	s0 =	rddreg [dreg:$0x0];
	s2 =	stileid.u32  }
0xaa: {  	s1 =	rddreg [dreg:$0x1];
	p0 =	sne.s32 s2, $0x0  }
0xab: {  	s3 =	rddreg [dreg:$0x2];
	[bflag:$0x3] =	sbarrier.arrive $0xFFFF;
	s2 =	simm.s32 @!p0 $0x1C0B  }
0xac: {  	[timem:s3], [sflag:s2] =	dma.local @!p0 [hbm:s0], s1  }
0xad: {  	s0 =	simm.s32 @!p0 $0xB  }
0xae: {  	_ =	swait.ge @!p0 [sflag:s0], s1  }
0xaf: {  	s1 =	ssub.s32 @!p0 $0x0, s1;
	[sflag:s0] =	ssyncset.done @!p0 $0x0  }
0xb0: {  	[sflag:s0] =	ssyncadd.s32 @!p0 s1  }
0xb1: {  	[bflag:$0x3] =	sbarrier.arrive $0xFFFF  }
0xb2: {  	_ =	shalt  }

// kernel: kernel.18.cloned.1.call-start
scs
__scs_entry_jumppad:
0x0: {  	(pc) =	sbr.rel $0x88, $3  }
0x1: {  	(tag) =	ssettag $0x0;
	lr =	simm.s32 $0x1  }
0x2: {  	[smem:$0x3F9B] =	sst lr;
	_ =	strace $0xD0000000  }
0x3: {  	_ = 	snop  }
0x4: {  	_ = 	snop  }
0x5: {  	_ = 	snop  }
0x6: {  	_ = 	snop  }
0x7: {  	_ = 	snop  }
__scs_overlays_trampoline_lowered:
0x8: {  	[smem:$0x3FAA] =	sst s0  }
0x9: {  	[smem:$0x3FAB] =	sst s1  }
0xa: {  	[smem:$0x3FAC] =	sst s2  }
0xb: {  	[smem:$0x3FAD] =	sst s3  }
0xc: {  	[smem:$0x3FAE] =	sst s4  }
0xd: {  	[smem:$0x3FAF] =	sst s5  }
0xe: {  	[smem:$0x3FB0] =	sst s6  }
0xf: {  	[smem:$0x3FB1] =	sst s7  }
0x10: {  	[smem:$0x3FB2] =	sst s8  }
0x11: {  	[smem:$0x3FB3] =	sst s9;
	s0 =	simm.s32 @!p0 $0x0  }
0x12: {  	s1 =	sld [smem:$0x3F99];
	s0 =	simm.s32 @p0 $0x1  }
0x13: {  	[smem:$0x3FB4] =	sst s0;
	s0 =	simm.s32 @!p1 $0x0  }
0x14: {  	s2 =	sld [smem:$0x3F98];
	s0 =	simm.s32 @p1 $0x1  }
0x15: {  	[smem:$0x3FB5] =	sst s0;
	s0 =	simm.s32 @!p2 $0x0  }
0x16: {  	s3 =	sld [smem:$0x3FDB];
	s0 =	simm.s32 @p2 $0x1  }
0x17: {  	s4 =	simm.s32 $0x1BF5;
	[smem:$0x3FB7] =	sst s0  }
0x18: {  	s0 =	sld [smem:$0x3F9A];
	_ =	swait.ge [sflag:s4], $0x0  }
0x19: {  	s7 =	sld [smem:$0x3F9B]  }
0x1a: {  	s8 =	sadd.s32 $0xFFFFE003, lr  }
0x1b: {  	s9 =	sadd.s32 $0xFFFFFEF7, lr;
	s5 =	simm.s32 $0xFFFFFFFF;
	p2 =	slt.u32 s8, $0xFFFFF086  }
0x1c: {  	p1 =	slt.u32 s9, $0xF7A;
	s5 =	simm.s32 @!p2 $0x0  }
0x1d: {  	s5 =	simm.s32 @p1 $0x1;
	p0 =	seq.s32 s7, s2  }
0x1e: {  	s7 =	smul.u32 @!p0 $0xF7A, s2;
	p2 =	seq.s32 @!p0 s5, $0x0  }
0x1f: {  	s9 =	smul.u32 $0xF7A, s1;
	s8 =	simm.s32 @!p0 $0x1BF5;
	p2 =	por !p2, p0  }
0x20: {  	[sflag:s8] =	ssyncset.s32 @!p0 $0xFFFFF086;
	s6 =	sadd.s32 @!p0 s3, s7;
	s7 =	simm.s32 @!p0 $0x108  }
0x21: {  	s3 =	sadd.s32 s3, s9;
	s6 =	sadd.s32 @!p0 $0x88, s6;
	s7 =	simm.s32 @p2 $0x1082  }
0x22: {  	[simem:s7], [sflag:s8] =	dma.local @!p0 [hbm:s6], $0xF7A  }
0x23: {  	s9 =	sor.u32 $0xD0000000, s2;
	s6 =	simm.s32 $0x108;
	_ =	swait.ge @!p0 [sflag:s8], $0x0  }
0x24: {  	s3 =	sadd.s32 $0x88, s3;
	s6 =	simm.s32 @!p1 $0x1082;
	[sflag:s4] =	ssyncset.s32 $0xFFFFF086  }
0x25: {  	[simem:s6], [sflag:s4] =	dma.local [hbm:s3], $0xF7A  }
0x26: {  	[smem:$0x3F9B] =	sst s1;
	(tag) =	ssettag s2;
	_ =	strace s9  }
0x27: {  	s1 =	sld [smem:$0x3FAB]  }
0x28: {  	s2 =	sld [smem:$0x3FAC]  }
0x29: {  	s4 =	sld [smem:$0x3FAE]  }
0x2a: {  	p0 =	seq.s32 s5, $0x0;
	s5 =	sld [smem:$0x3FAF]  }
0x2b: {  	s6 =	sld [smem:$0x3FB0]  }
0x2c: {  	s7 =	sld [smem:$0x3FB1]  }
0x2d: {  	s3 =	simm.s32 $0x108;
	s8 =	sld [smem:$0x3FB2]  }
0x2e: {  	s3 =	simm.s32 @!p0 $0x1082;
	s9 =	sld [smem:$0x3FB3]  }
0x2f: {  	lr =	sadd.s32 s0, s3;
	s0 =	sld [smem:$0x3FAA]  }
0x30: {  	s3 =	sld [smem:$0x3FAD]  }
0x31: {  	[smem:$0x3FB6] =	sst s10  }
0x32: {  	s10 =	sld [smem:$0x3FB4];
	_ =	sdelay $0x3  }
0x33: {  	p0 =	seq.s32 s10, $0x1;
	s10 =	sld [smem:$0x3FB6];
	_ =	sdelay $0x3  }
0x34: {  	[smem:$0x3FB6] =	sst s10  }
0x35: {  	s10 =	sld [smem:$0x3FB5];
	_ =	sdelay $0x3  }
0x36: {  	p1 =	seq.s32 s10, $0x1;
	s10 =	sld [smem:$0x3FB6];
	_ =	sdelay $0x3  }
0x37: {  	[smem:$0x3FB6] =	sst s10  }
0x38: {  	s10 =	sld [smem:$0x3FB7]  }
0x39: {  	_ = 	snop;
	(pc) =	sbr.ind lr, $3  }
0x3a: {  	_ = 	snop  }
0x3b: {  	_ = 	snop  }
0x3c: {  	p2 =	seq.s32 s10, $0x1;
	s10 =	sld [smem:$0x3FB6]  }
0x3d: {  	_ =	shalt  }
0x3e: {  	_ =	shalt  }
0x3f: {  	_ =	shalt  }
0x40: {  	_ =	shalt  }
0x41: {  	_ =	shalt  }
0x42: {  	_ =	shalt  }
0x43: {  	_ =	shalt  }
0x44: {  	_ =	shalt  }
0x45: {  	_ =	shalt  }
0x46: {  	_ =	shalt  }
0x47: {  	_ =	shalt  }
0x48: {  	_ =	shalt  }
0x49: {  	_ =	shalt  }
0x4a: {  	_ =	shalt  }
0x4b: {  	_ =	shalt  }
0x4c: {  	_ =	shalt  }
0x4d: {  	_ =	shalt  }
0x4e: {  	_ =	shalt  }
0x4f: {  	_ =	shalt  }
0x50: {  	_ =	shalt  }
0x51: {  	_ =	shalt  }
0x52: {  	_ =	shalt  }
0x53: {  	_ =	shalt  }
0x54: {  	_ =	shalt  }
0x55: {  	_ =	shalt  }
0x56: {  	_ =	shalt  }
0x57: {  	_ =	shalt  }
0x58: {  	_ =	shalt  }
0x59: {  	_ =	shalt  }
0x5a: {  	_ =	shalt  }
0x5b: {  	_ =	shalt  }
0x5c: {  	_ =	shalt  }
0x5d: {  	_ =	shalt  }
0x5e: {  	_ =	shalt  }
0x5f: {  	_ =	shalt  }
0x60: {  	_ =	shalt  }
0x61: {  	_ =	shalt  }
0x62: {  	_ =	shalt  }
0x63: {  	_ =	shalt  }
0x64: {  	_ =	shalt  }
0x65: {  	_ =	shalt  }
0x66: {  	_ =	shalt  }
0x67: {  	_ =	shalt  }
0x68: {  	_ =	shalt  }
0x69: {  	_ =	shalt  }
0x6a: {  	_ =	shalt  }
0x6b: {  	_ =	shalt  }
0x6c: {  	_ =	shalt  }
0x6d: {  	_ =	shalt  }
0x6e: {  	_ =	shalt  }
0x6f: {  	_ =	shalt  }
0x70: {  	_ =	shalt  }
0x71: {  	_ =	shalt  }
0x72: {  	_ =	shalt  }
0x73: {  	_ =	shalt  }
0x74: {  	_ =	shalt  }
0x75: {  	_ =	shalt  }
0x76: {  	_ =	shalt  }
0x77: {  	_ =	shalt  }
0x78: {  	_ =	shalt  }
0x79: {  	_ =	shalt  }
0x7a: {  	_ =	shalt  }
0x7b: {  	_ =	shalt  }
0x7c: {  	_ =	shalt  }
0x7d: {  	_ =	shalt  }
0x7e: {  	_ =	shalt  }
0x7f: {  	_ =	shalt  }
0x80: {  	_ =	shalt  }
0x81: {  	_ =	shalt  }
0x82: {  	_ =	shalt  }
0x83: {  	_ =	shalt  }
0x84: {  	_ =	shalt  }
0x85: {  	_ =	shalt  }
0x86: {  	_ =	shalt  }
0x87: {  	_ =	shalt  }
.Lfunc_end0:
.L_simem_size_0:
called_computation.2_lowered:
.L_overlay_start_0:
0x88: {  	s2 =	sld [smem:$0x3FD9]  }
0x89: {  	s3 =	sld [smem:$0x3FFE];
	_ =	sdelay $0x1  }
0x8a: {  	s1 =	srdreg.scid  }
0x8b: {  	s0 =	sand.u32 $0x1, s1  }
0x8c: {  	s14 =	sshll.u32 s0, $0xA;
	s2 =	sadd.s32 s3, s2  }
0x8d: {  	s2 =	sadd.s32 s2, s14  }
0x8e: {  	[smem:$0x3FC2] =	sst s2  }
0x8f: {  	_ = 	snop  }
0x90: {  	s2 =	sld [smem:$0x3FD0];
	_ =	sdelay $0x2  }
0x91: {  	s15 =	simm.s32 $0xB;
	s4 =	simm.s32 $0x10  }
0x92: {  	[smem:s4], [sflag:s15] =	dma.local [hbm:s2], $0x1  }
0x93: {  	_ =	swait.eq [sflag:s15], $0x1  }
0x94: {  	[sflag:s15] =	ssyncset.done $0x0  }
0x95: {  	[sflag:s15] =	ssyncadd.s32 $0xFFFFFFFF  }
0x96: {  	s16 =	sld [smem:$0x10];
	(tm) =	ssettm $0x1  }
0x97: {  	s17 =	sld [smem:$0x3FFB];
	_ =	sdelay $0x3  }
0x98: {  	_ =	strace s17  }
0x99: {  	s3 =	sld [smem:$0x3FFC];
	_ =	sdelay $0x3  }
0x9a: {  	_ =	strace s3  }
0x9b: {  	s3 =	sld [smem:$0x3FFD];
	_ =	sdelay $0x3  }
0x9c: {  	_ =	strace s3  }
0x9d: {  	_ =	strace $0x8FFFFFFF  }
0x9e: {  	s18 =	sld [smem:$0x3FDB];
	_ =	sdelay $0x1  }
0x9f: {  	s19 =	simm.s32 $_scs_section_size  }
0xa0: {  	s5 =	simm.s32 $_size__tile_overlayer_lowered;
	s6 =	simm.s32 $_tile_overlayer_lowered  }
0xa1: {  	s22 =	simm.s32 $0x1BFF;
	s21 =	sshll.u32 s6, $0x1;
	s3 =	sadd.s32 s19, s18  }
0xa2: {  	s7 =	simm.s32 $0x0;
	s20 =	sshll.u32 s5, $0x1;
	s5 =	sadd.s32 s21, s3  }
0xa3: {  	[timem:s7], [sflag:s22] =	dma.local [hbm:s5], s20  }
0xa4: {  	_ =	swait.ge [sflag:s22], s20  }
0xa5: {  	s4 =	ssub.s32 $0x0, s20;
	[sflag:s22] =	ssyncset.done $0x0  }
0xa6: {  	[sflag:s22] =	ssyncadd.s32 s4;
	_ =	sdelay $0x1  }
0xa7: {  	s23 =	simm.s32 $0x1B8B  }
0xa8: {  	_ =	swait.ge [sflag:s23], $0x1  }
0xa9: {  	[sflag:s23] =	ssyncset.done $0x0  }
0xaa: {  	s25 =	simm.s32 $0x1B8E;
	s24 =	sld [smem:$0x3FFE];
	[sflag:s23] =	ssyncadd.s32 $0xFFFFFFFF  }
0xab: {  	s26 =	simm.s32 $execute0_lowered;
	[smem:$0x3FD2] =	sst s25  }
0xac: {  	s5 =	sshll.u32 s26, $0x1;
	_ =	strace $0x8000004C;
	[dreg:$0x1] =	wrdreg $0xFFFFFFFF  }
0xad: {  	s28 =	simm.s32 $_size_execute0_lowered;
	s3 =	sadd.s32 s3, s5;
	[dreg:$0x0] =	wrdreg $0x0  }
0xae: {  	s5 =	sshll.u32 s28, $0x1;
	[dreg:$0x2] =	wrdreg s3  }
0xaf: {  	[dreg:$0x3] =	wrdreg s5  }
0xb0: {  	[dreg:$0x4] =	wrdreg $0xC0  }
0xb1: {  	_ =	task [dreg:s7], $0x5FFFF  }
0xb2: {  	[dreg:$0x1] =	wrdreg $0xFFFFFFFF  }
0xb3: {  	[dreg:$0x0] =	wrdreg $0x60  }
0xb4: {  	[dreg:$0x2] =	wrdreg s16  }
0xb5: {  	[dreg:$0x3] =	wrdreg s24  }
0xb6: {  	[dreg:$0x4] =	wrdreg $0xA8000  }
0xb7: {  	[dreg:$0x5] =	wrdreg $0x9  }
0xb8: {  	_ =	task.clear_ibuf [dreg:s7], $0x6FFFF;
	_ =	strace $0x9000004C  }
0xb9: {  	s29 =	simm.s32 $0x9;
	_ =	strace $0x8000004E  }
0xba: {  	_ =	swait.ge [sflag:s29], $0x1  }
0xbb: {  	[sflag:s29] =	ssyncadd.s32 $0xFFFFFFFF  }
0xbc: {  	_ =	strace $0x9000004E  }
0xbd: {  	_ =	sfence  }
0xbe: {  	s30 =	sld [smem:$0x0];
	_ =	sdelay $0x2  }
0xbf: {  	s31 =	sshll.u32 s1, $0xD;
	s1 =	sshrl.u32 s1, $0x2  }
0xc0: {  	s3 =	sand.u32 $0x4000, s31;
	s1 =	sadd.s32 s1, s30  }
0xc1: {  	s0 =	sor.u32 s3, s0;
	s1 =	sshll.u32 s1, $0x11  }
0xc2: {  	s0 =	sor.u32 s1, s0  }
0xc3: {  	s0 =	sadd.s32 $0x8F2B, s0  }
0xc4: {  	[sflag:s0] =	ssyncadd.remote.s32 $0x1  }
0xc5: {  	_ =	sfence.sel $0xFFFF  }
0xc6: {  	[dreg:$0x0] =	wrdreg $0xFFFFFFFF;
	(pc) =	sbr.abs _section_cstart, $3  }
0xc7: {  	[dreg:$0x1] =	wrdreg $0xFFFFFFFF  }
0xc8: {  	_ =	task.clear_ibuf [dreg:s7], $0x2FFFF;
	_ =	strace $0x9FFFFFFF  }
0xc9: {  	(tm) =	ssettm $0x7FFFFFFF  }
tec
execute0_lowered:
.L_overlay_start_1:
0x0: {  	(tag) =	ssettag $0x1  }
0x1: {  	s1 =	rddreg [dreg:$0x0]  }
0x2: {  	s6 =	rddreg [dreg:$0x1]  }
0x3: {  	s2 =	rddreg [dreg:$0x2]  }
0x4: {  	s0 =	rddreg [dreg:$0x3]  }
0x5: {  	s4 =	simm.s32 $0x0;
	s3 =	srdreg.scid;
	s15 =	simm.s32 $0x1400  }
0x6: {  	s16 =	simm.s32 $0x7D;
	s17 =	simm.s32 $0x2800;
	s18 =	simm.s32 $0x80  }
0x7: {  	s19 =	simm.s32 $0x6800;
	s20 =	simm.s32 $0x1;
	s21 =	simm.s32 $0x2  }
0x8: {  	s22 =	simm.s32 $0x2700;
	s23 =	simm.s32 $0x2780;
	s24 =	simm.s32 $0x0  }
0x9: {  	[smem:$0x7FF] =	sst s4;
	s7 =	sand.u32 $0x1, s3;
	s3 =	stileid.u32  }
0xa: {  	s10 =	sadd.s32 $0x2E000, s6;
	s12 =	sadd.s32 $0x24000, s6;
	s5 =	smul.u32 $0x27100, s7  }
0xb: {  	_ =	strace $0x8000004D;
	s8 =	smul.u32 $0x3E80, s3;
	s9 =	sshll.u32 s3, $0x1  }
0xc: {  	s11 =	smul.u32 $0x7D000, s3;
	s29 =	ssub.s32 $0x2, s7;
	s9 =	sor.u32 s7, s9  }
0xd: {  	p0 =	sgt.u32 s3, $0x9;
	s7 =	sshrl.u32 s29, $0x1;
	s9 =	smul.u32 $0x2800, s9  }
0xe: {  	s8 =	sadd.s32 s8, s5;
	s5 =	sadd.s32 $0x38000, s6;
	s30 =	sshrl.u32 s11, $0x2  }
0xf: {  	s31 =	ssub.s32 s29, s7;
	s13 =	sadd.s32 s8, s6;
	s9 =	sshrl.u32 s9, $0x3  }
0x10: {  	s6 =	sadd.s32 s10, s9;
	s7 =	sadd.s32 s12, s9;
	s9 =	sadd.s32 $0x280, s9  }
0x11: {  	s14 =	sadd.s32 s30, s2;
	s11 =	smax.u32 s31, $0x1;
	s8 =	sadd.s32 s10, s9  }
0x12: {  	s9 =	sadd.s32 s12, s9;
	s12 =	sshll.u32 @!p0 s3, $0x6;
	s10 =	sadd.s32 $0x3C000, s13  }
0x13: {  	s13 =	sshrl.u32 @!p0 s14, $0x3;
	s14 =	simm.s32 $0x3;
	s12 =	sor.u32 @!p0 $0x1C03, s12  }
.LBB2_1:
0x14: {  	[spmem:s13], [sflag:s12] =	dma.local @!p0 [hbm:s5], $0x3E80  }
0x15: {  	s25 =	simm.s32 @!p0 $0x3  }
0x16: {  	_ =	swait.ge @!p0 [sflag:s25], $0x3E80  }
0x17: {  	[sflag:s25] =	ssyncset.done @!p0 $0x0  }
0x18: {  	[sflag:s25] =	ssyncadd.s32 @!p0 $0xFFFFC180  }
0x19: {  	[bflag:$0x0] =	sbarrier.arrive $0xFFFF  }
0x1a: {  	[tilespmem:s4], [sflag:$0x3] =	stream.linear.gather [hbm4b:s6+s4], $0x1400, $0x38;
	[tilespmem:$0x1E080] =	vst v63  }
0x1b: {  	_ =	swait.ge [sflag:s14], $0x1400  }
0x1c: {  	[sflag:s14] =	ssyncset.done $0x0  }
0x1d: {  	[sflag:s14] =	ssyncadd.s32 $0xFFFFEC00  }
0x1e: {  	[tilespmem:s15], [sflag:$0x3] =	stream.linear.gather [hbm4b:s7+s4], $0x1400, $0x38;
	[tilespmem:$0x1E080] =	vst v63  }
0x1f: {  	_ =	swait.ge [sflag:s14], $0x1400  }
0x20: {  	[sflag:s14] =	ssyncset.done $0x0  }
0x21: {  	[sflag:s14] =	ssyncadd.s32 $0xFFFFEC00  }
0x22: {  	[tilespmem:s17], [sflag:$0x1] =	stream.indirect.gather [hbm4b:s1+s16], $0x80, s4, s16, $0xb8;
	[tilespmem:$0x1E080] =	vst v63  }
0x23: {  	_ = 	snop  }
0x24: {  	[tilespmem:s19], [sflag:$0x2] =	stream.indirect.gather [hbm4b:s1+s16], $0x80, s18, s16, $0xb8;
	[tilespmem:$0x1E080] =	vst v63  }
0x25: {  	_ =	swait.ge [sflag:s20], $0x3E80  }
0x26: {  	[sflag:s20] =	ssyncset.done $0x0  }
0x27: {  	s29 =	simm.s32 $0x1400;
	[sflag:s20] =	ssyncadd.s32 $0xFFFFC180  }
0x28: {  	[spmem:s2] =	stream.indirect.scatter.add.f32 [tilespmem:s17], [sflag:$0x3], $0x80, s29, s16, $0xb8;
	[tilespmem:$0x1E080] =	vst v63  }
0x29: {  	_ =	swait.ge [sflag:s14], $0x3E80  }
0x2a: {  	[sflag:s14] =	ssyncset.done $0x0  }
0x2b: {  	[sflag:s14] =	ssyncadd.s32 $0xFFFFC180  }
0x2c: {  	_ =	swait.ge [sflag:s21], $0x3E80  }
0x2d: {  	[sflag:s21] =	ssyncset.done $0x0  }
0x2e: {  	s30 =	simm.s32 $0x100;
	[sflag:s21] =	ssyncadd.s32 $0xFFFFC180  }
0x2f: {  	[tilespmem:s17], [sflag:$0x1] =	stream.indirect.gather [hbm4b:s1+s16], $0x80, s30, s16, $0xb8;
	[tilespmem:$0x1E080] =	vst v63  }
0x30: {  	s31 =	simm.s32 $0x1480  }
0x31: {  	[spmem:s2] =	stream.indirect.scatter.add.f32 [tilespmem:s19], [sflag:$0x3], $0x80, s31, s16, $0xb8;
	[tilespmem:$0x1E080] =	vst v63  }
0x32: {  	_ =	swait.ge [sflag:s14], $0x3E80  }
0x33: {  	[sflag:s14] =	ssyncset.done $0x0  }
0x34: {  	s26 =	simm.s32 $0x180;
	s25 =	simm.s32 $0x400;
	[sflag:s14] =	ssyncadd.s32 $0xFFFFC180  }
.LBB2_2:
0x35: {  	[tilespmem:s19], [sflag:$0x2] =	stream.indirect.gather [hbm4b:s1+s16], $0x80, s26, s16, $0xb8;
	[tilespmem:$0x1E080] =	vst v63  }
0x36: {  	s26 =	smov.u32 s25  }
0x37: {  	p1 =	sne.s32 s25, $0x4800;
	s25 =	sadd.s32 $0x400, s25;
	_ =	swait.ge [sflag:s20], $0x3E80  }
0x38: {  	s26 =	sshra.s32 s26, $0x2;
	[sflag:s20] =	ssyncset.done $0x0  }
0x39: {  	s28 =	sadd.s32 $0x1400, s26;
	[sflag:s20] =	ssyncadd.s32 $0xFFFFC180  }
0x3a: {  	[spmem:s2] =	stream.indirect.scatter.add.f32 [tilespmem:s17], [sflag:$0x3], $0x80, s28, s16, $0xb8;
	[tilespmem:$0x1E080] =	vst v63  }
0x3b: {  	_ =	swait.ge [sflag:s14], $0x3E80  }
0x3c: {  	[sflag:s14] =	ssyncset.done $0x0  }
0x3d: {  	[sflag:s14] =	ssyncadd.s32 $0xFFFFC180  }
0x3e: {  	_ =	swait.ge [sflag:s21], $0x3E80  }
0x3f: {  	[sflag:s21] =	ssyncset.done $0x0  }
0x40: {  	s28 =	sadd.s32 $0x100, s26;
	[sflag:s21] =	ssyncadd.s32 $0xFFFFC180  }
0x41: {  	[tilespmem:s17], [sflag:$0x1] =	stream.indirect.gather [hbm4b:s1+s16], $0x80, s28, s16, $0xb8;
	[tilespmem:$0x1E080] =	vst v63  }
.Ltmp0:
0x42: {  	s28 =	sadd.s32 $0x1480, s26;
	(pc) =	sbr.rel @p1 .LBB2_2-.Ltmp0, $4  }
0x43: {  	[spmem:s2] =	stream.indirect.scatter.add.f32 [tilespmem:s19], [sflag:$0x3], $0x80, s28, s16, $0xb8;
	[tilespmem:$0x1E080] =	vst v63  }
0x44: {  	_ =	swait.ge [sflag:s14], $0x3E80  }
0x45: {  	[sflag:s14] =	ssyncset.done $0x0  }
0x46: {  	s26 =	sadd.s32 $0x180, s26;
	[sflag:s14] =	ssyncadd.s32 $0xFFFFC180  }
0x47: {  	[tilespmem:s19], [sflag:$0x2] =	stream.indirect.gather [hbm4b:s1+s16], $0x80, s26, s16, $0xb8;
	[tilespmem:$0x1E080] =	vst v63  }
0x48: {  	_ =	swait.ge [sflag:s20], $0x3E80  }
0x49: {  	[sflag:s20] =	ssyncset.done $0x0  }
0x4a: {  	[sflag:s20] =	ssyncadd.s32 $0xFFFFC180  }
0x4b: {  	[spmem:s2] =	stream.indirect.scatter.add.f32 [tilespmem:s17], [sflag:$0x3], $0x80, s22, s16, $0xb8;
	[tilespmem:$0x1E080] =	vst v63  }
0x4c: {  	_ =	swait.ge [sflag:s14], $0x3E80  }
0x4d: {  	[sflag:s14] =	ssyncset.done $0x0  }
0x4e: {  	[sflag:s14] =	ssyncadd.s32 $0xFFFFC180  }
0x4f: {  	_ =	swait.ge [sflag:s21], $0x3E80  }
0x50: {  	[sflag:s21] =	ssyncset.done $0x0  }
0x51: {  	[sflag:s21] =	ssyncadd.s32 $0xFFFFC180  }
0x52: {  	[spmem:s2] =	stream.indirect.scatter.add.f32 [tilespmem:s19], [sflag:$0x3], $0x80, s23, s16, $0xb8;
	[tilespmem:$0x1E080] =	vst v63  }
0x53: {  	_ =	swait.ge [sflag:s14], $0x3E80  }
0x54: {  	[sflag:s14] =	ssyncset.done $0x0  }
0x55: {  	s25 =	simm.s32 $0x0;
	[sflag:s14] =	ssyncadd.s32 $0xFFFFC180  }
0x56: {  	[tilespmem:s25], [sflag:$0x3] =	stream.linear.gather [hbm4b:s8+s25], $0x1400, $0x38;
	[tilespmem:$0x1E080] =	vst v63  }
0x57: {  	_ =	swait.ge [sflag:s14], $0x1400  }
0x58: {  	[sflag:s14] =	ssyncset.done $0x0  }
0x59: {  	[sflag:s14] =	ssyncadd.s32 $0xFFFFEC00  }
0x5a: {  	[tilespmem:s15], [sflag:$0x3] =	stream.linear.gather [hbm4b:s9+s25], $0x1400, $0x38;
	[tilespmem:$0x1E080] =	vst v63  }
0x5b: {  	_ =	swait.ge [sflag:s14], $0x1400  }
0x5c: {  	[sflag:s14] =	ssyncset.done $0x0  }
0x5d: {  	[sflag:s14] =	ssyncadd.s32 $0xFFFFEC00  }
0x5e: {  	[tilespmem:s17], [sflag:$0x1] =	stream.indirect.gather [hbm4b:s1+s16], $0x80, s25, s16, $0xb8;
	[tilespmem:$0x1E080] =	vst v63  }
0x5f: {  	_ = 	snop  }
0x60: {  	[tilespmem:s19], [sflag:$0x2] =	stream.indirect.gather [hbm4b:s1+s16], $0x80, s18, s16, $0xb8;
	[tilespmem:$0x1E080] =	vst v63  }
0x61: {  	_ =	swait.ge [sflag:s20], $0x3E80  }
0x62: {  	[sflag:s20] =	ssyncset.done $0x0  }
0x63: {  	s29 =	simm.s32 $0x1400;
	[sflag:s20] =	ssyncadd.s32 $0xFFFFC180  }
0x64: {  	[spmem:s2] =	stream.indirect.scatter.add.f32 [tilespmem:s17], [sflag:$0x3], $0x80, s29, s16, $0xb8;
	[tilespmem:$0x1E080] =	vst v63  }
0x65: {  	_ =	swait.ge [sflag:s14], $0x3E80  }
0x66: {  	[sflag:s14] =	ssyncset.done $0x0  }
0x67: {  	[sflag:s14] =	ssyncadd.s32 $0xFFFFC180  }
0x68: {  	_ =	swait.ge [sflag:s21], $0x3E80  }
0x69: {  	[sflag:s21] =	ssyncset.done $0x0  }
0x6a: {  	s30 =	simm.s32 $0x100;
	[sflag:s21] =	ssyncadd.s32 $0xFFFFC180  }
0x6b: {  	[tilespmem:s17], [sflag:$0x1] =	stream.indirect.gather [hbm4b:s1+s16], $0x80, s30, s16, $0xb8;
	[tilespmem:$0x1E080] =	vst v63  }
0x6c: {  	s31 =	simm.s32 $0x1480  }
0x6d: {  	[spmem:s2] =	stream.indirect.scatter.add.f32 [tilespmem:s19], [sflag:$0x3], $0x80, s31, s16, $0xb8;
	[tilespmem:$0x1E080] =	vst v63  }
0x6e: {  	_ =	swait.ge [sflag:s14], $0x3E80  }
0x6f: {  	[sflag:s14] =	ssyncset.done $0x0  }
0x70: {  	s26 =	simm.s32 $0x180;
	s25 =	simm.s32 $0x400;
	[sflag:s14] =	ssyncadd.s32 $0xFFFFC180  }
.LBB2_4:
0x71: {  	[tilespmem:s19], [sflag:$0x2] =	stream.indirect.gather [hbm4b:s1+s16], $0x80, s26, s16, $0xb8;
	[tilespmem:$0x1E080] =	vst v63  }
0x72: {  	s26 =	smov.u32 s25  }
0x73: {  	p1 =	sne.s32 s25, $0x4800;
	s25 =	sadd.s32 $0x400, s25;
	_ =	swait.ge [sflag:s20], $0x3E80  }
0x74: {  	s26 =	sshra.s32 s26, $0x2;
	[sflag:s20] =	ssyncset.done $0x0  }
0x75: {  	s28 =	sadd.s32 $0x1400, s26;
	[sflag:s20] =	ssyncadd.s32 $0xFFFFC180  }
0x76: {  	[spmem:s2] =	stream.indirect.scatter.add.f32 [tilespmem:s17], [sflag:$0x3], $0x80, s28, s16, $0xb8;
	[tilespmem:$0x1E080] =	vst v63  }
0x77: {  	_ =	swait.ge [sflag:s14], $0x3E80  }
0x78: {  	[sflag:s14] =	ssyncset.done $0x0  }
0x79: {  	[sflag:s14] =	ssyncadd.s32 $0xFFFFC180  }
0x7a: {  	_ =	swait.ge [sflag:s21], $0x3E80  }
0x7b: {  	[sflag:s21] =	ssyncset.done $0x0  }
0x7c: {  	s28 =	sadd.s32 $0x100, s26;
	[sflag:s21] =	ssyncadd.s32 $0xFFFFC180  }
0x7d: {  	[tilespmem:s17], [sflag:$0x1] =	stream.indirect.gather [hbm4b:s1+s16], $0x80, s28, s16, $0xb8;
	[tilespmem:$0x1E080] =	vst v63  }
.Ltmp1:
0x7e: {  	s28 =	sadd.s32 $0x1480, s26;
	(pc) =	sbr.rel @p1 .LBB2_4-.Ltmp1, $4  }
0x7f: {  	[spmem:s2] =	stream.indirect.scatter.add.f32 [tilespmem:s19], [sflag:$0x3], $0x80, s28, s16, $0xb8;
	[tilespmem:$0x1E080] =	vst v63  }
0x80: {  	_ =	swait.ge [sflag:s14], $0x3E80  }
0x81: {  	[sflag:s14] =	ssyncset.done $0x0  }
0x82: {  	s26 =	sadd.s32 $0x180, s26;
	[sflag:s14] =	ssyncadd.s32 $0xFFFFC180  }
0x83: {  	[tilespmem:s19], [sflag:$0x2] =	stream.indirect.gather [hbm4b:s1+s16], $0x80, s26, s16, $0xb8;
	[tilespmem:$0x1E080] =	vst v63  }
0x84: {  	_ =	swait.ge [sflag:s20], $0x3E80  }
0x85: {  	[sflag:s20] =	ssyncset.done $0x0  }
0x86: {  	[sflag:s20] =	ssyncadd.s32 $0xFFFFC180  }
0x87: {  	[spmem:s2] =	stream.indirect.scatter.add.f32 [tilespmem:s17], [sflag:$0x3], $0x80, s22, s16, $0xb8;
	[tilespmem:$0x1E080] =	vst v63  }
0x88: {  	_ =	swait.ge [sflag:s14], $0x3E80  }
0x89: {  	[sflag:s14] =	ssyncset.done $0x0  }
0x8a: {  	[sflag:s14] =	ssyncadd.s32 $0xFFFFC180  }
0x8b: {  	_ =	swait.ge [sflag:s21], $0x3E80  }
0x8c: {  	[sflag:s21] =	ssyncset.done $0x0  }
0x8d: {  	[sflag:s21] =	ssyncadd.s32 $0xFFFFC180  }
0x8e: {  	[spmem:s2] =	stream.indirect.scatter.add.f32 [tilespmem:s19], [sflag:$0x3], $0x80, s23, s16, $0xb8;
	[tilespmem:$0x1E080] =	vst v63  }
0x8f: {  	_ =	swait.ge [sflag:s14], $0x3E80  }
0x90: {  	s24 =	sadd.s32 $0x1, s24;
	[sflag:s14] =	ssyncset.done $0x0  }
0x91: {  	p1 =	sne.s32 s24, s11;
	[sflag:s14] =	ssyncadd.s32 $0xFFFFC180  }
.Ltmp2:
0x92: {  	s25 =	simm.s32 @!p0 $0x3;
	[bflag:$0x0] =	sbarrier.arrive $0xFFFF;
	(pc) =	sbr.rel @p1 .LBB2_1-.Ltmp2, $4  }
0x93: {  	[hbm:s10], [sflag:s12] =	dma.local @!p0 [spmem:s13], $0x3E80  }
0x94: {  	_ =	swait.ge @!p0 [sflag:s25], $0x3E80  }
0x95: {  	[sflag:s25] =	ssyncset.done @!p0 $0x0  }
0x96: {  	[sflag:s25] =	ssyncadd.s32 @!p0 $0xFFFFC180  }
0x97: {  	_ =	sfence.sel $0x180000  }
0x98: {  	[bflag:$0x0] =	sbarrier.arrive $0xFFFF  }
0x99: {  	p0 =	sne.s32 s3, $0x0;
	_ =	strace $0x9000004D  }
0x9a: {  	s0 =	sadd.s32 @!p0 $0x100000, s0;
	[bflag:$0x2] =	sbarrier.arrive $0xFFFF  }
0x9b: {  	[sflag:s0] =	ssyncadd.tile.s32 @!p0 $0x1;
	_ =	shalt  }
.Lfunc_end2:
_tile_overlayer_lowered:
.L_overlay_start_2:
0x9c: {  	(tag) =	ssettag $0x2  }
0x9d: {  	s0 =	rddreg [dreg:$0x0];
	s2 =	stileid.u32  }
0x9e: {  	s1 =	rddreg [dreg:$0x1];
	p0 =	sne.s32 s2, $0x0  }
0x9f: {  	s3 =	rddreg [dreg:$0x2];
	[bflag:$0x3] =	sbarrier.arrive $0xFFFF;
	s2 =	simm.s32 @!p0 $0x1C03  }
0xa0: {  	[timem:s3], [sflag:s2] =	dma.local @!p0 [hbm:s0], s1  }
0xa1: {  	s0 =	simm.s32 @!p0 $0x3  }
0xa2: {  	_ =	swait.ge @!p0 [sflag:s0], s1  }
0xa3: {  	s1 =	ssub.s32 @!p0 $0x0, s1;
	[sflag:s0] =	ssyncset.done @!p0 $0x0  }
0xa4: {  	[sflag:s0] =	ssyncadd.s32 @!p0 s1  }
0xa5: {  	[bflag:$0x3] =	sbarrier.arrive $0xFFFF  }
0xa6: {  	_ =	shalt  }

// kernel: kernel.21.cloned.1.call-start
scs
__scs_entry_jumppad:
0x0: {  	(pc) =	sbr.rel $0x88, $3  }
0x1: {  	(tag) =	ssettag $0x0;
	lr =	simm.s32 $0x1  }
0x2: {  	[smem:$0x3F9B] =	sst lr;
	_ =	strace $0xD0000000  }
0x3: {  	_ = 	snop  }
0x4: {  	_ = 	snop  }
0x5: {  	_ = 	snop  }
0x6: {  	_ = 	snop  }
0x7: {  	_ = 	snop  }
__scs_overlays_trampoline_lowered:
0x8: {  	[smem:$0x3FAA] =	sst s0  }
0x9: {  	[smem:$0x3FAB] =	sst s1  }
0xa: {  	[smem:$0x3FAC] =	sst s2  }
0xb: {  	[smem:$0x3FAD] =	sst s3  }
0xc: {  	[smem:$0x3FAE] =	sst s4  }
0xd: {  	[smem:$0x3FAF] =	sst s5  }
0xe: {  	[smem:$0x3FB0] =	sst s6  }
0xf: {  	[smem:$0x3FB1] =	sst s7  }
0x10: {  	[smem:$0x3FB2] =	sst s8  }
0x11: {  	[smem:$0x3FB3] =	sst s9;
	s0 =	simm.s32 @!p0 $0x0  }
0x12: {  	s1 =	sld [smem:$0x3F99];
	s0 =	simm.s32 @p0 $0x1  }
0x13: {  	[smem:$0x3FB4] =	sst s0;
	s0 =	simm.s32 @!p1 $0x0  }
0x14: {  	s2 =	sld [smem:$0x3F98];
	s0 =	simm.s32 @p1 $0x1  }
0x15: {  	[smem:$0x3FB5] =	sst s0;
	s0 =	simm.s32 @!p2 $0x0  }
0x16: {  	s3 =	sld [smem:$0x3FDB];
	s0 =	simm.s32 @p2 $0x1  }
0x17: {  	s4 =	simm.s32 $0x1BF5;
	[smem:$0x3FB7] =	sst s0  }
0x18: {  	s0 =	sld [smem:$0x3F9A];
	_ =	swait.ge [sflag:s4], $0x0  }
0x19: {  	s7 =	sld [smem:$0x3F9B]  }
0x1a: {  	s8 =	sadd.s32 $0xFFFFE003, lr  }
0x1b: {  	s9 =	sadd.s32 $0xFFFFFEF7, lr;
	s5 =	simm.s32 $0xFFFFFFFF;
	p2 =	slt.u32 s8, $0xFFFFF086  }
0x1c: {  	p1 =	slt.u32 s9, $0xF7A;
	s5 =	simm.s32 @!p2 $0x0  }
0x1d: {  	s5 =	simm.s32 @p1 $0x1;
	p0 =	seq.s32 s7, s2  }
0x1e: {  	s7 =	smul.u32 @!p0 $0xF7A, s2;
	p2 =	seq.s32 @!p0 s5, $0x0  }
0x1f: {  	s9 =	smul.u32 $0xF7A, s1;
	s8 =	simm.s32 @!p0 $0x1BF5;
	p2 =	por !p2, p0  }
0x20: {  	[sflag:s8] =	ssyncset.s32 @!p0 $0xFFFFF086;
	s6 =	sadd.s32 @!p0 s3, s7;
	s7 =	simm.s32 @!p0 $0x108  }
0x21: {  	s3 =	sadd.s32 s3, s9;
	s6 =	sadd.s32 @!p0 $0x88, s6;
	s7 =	simm.s32 @p2 $0x1082  }
0x22: {  	[simem:s7], [sflag:s8] =	dma.local @!p0 [hbm:s6], $0xF7A  }
0x23: {  	s9 =	sor.u32 $0xD0000000, s2;
	s6 =	simm.s32 $0x108;
	_ =	swait.ge @!p0 [sflag:s8], $0x0  }
0x24: {  	s3 =	sadd.s32 $0x88, s3;
	s6 =	simm.s32 @!p1 $0x1082;
	[sflag:s4] =	ssyncset.s32 $0xFFFFF086  }
0x25: {  	[simem:s6], [sflag:s4] =	dma.local [hbm:s3], $0xF7A  }
0x26: {  	[smem:$0x3F9B] =	sst s1;
	(tag) =	ssettag s2;
	_ =	strace s9  }
0x27: {  	s1 =	sld [smem:$0x3FAB]  }
0x28: {  	s2 =	sld [smem:$0x3FAC]  }
0x29: {  	s4 =	sld [smem:$0x3FAE]  }
0x2a: {  	p0 =	seq.s32 s5, $0x0;
	s5 =	sld [smem:$0x3FAF]  }
0x2b: {  	s6 =	sld [smem:$0x3FB0]  }
0x2c: {  	s7 =	sld [smem:$0x3FB1]  }
0x2d: {  	s3 =	simm.s32 $0x108;
	s8 =	sld [smem:$0x3FB2]  }
0x2e: {  	s3 =	simm.s32 @!p0 $0x1082;
	s9 =	sld [smem:$0x3FB3]  }
0x2f: {  	lr =	sadd.s32 s0, s3;
	s0 =	sld [smem:$0x3FAA]  }
0x30: {  	s3 =	sld [smem:$0x3FAD]  }
0x31: {  	[smem:$0x3FB6] =	sst s10  }
0x32: {  	s10 =	sld [smem:$0x3FB4];
	_ =	sdelay $0x3  }
0x33: {  	p0 =	seq.s32 s10, $0x1;
	s10 =	sld [smem:$0x3FB6];
	_ =	sdelay $0x3  }
0x34: {  	[smem:$0x3FB6] =	sst s10  }
0x35: {  	s10 =	sld [smem:$0x3FB5];
	_ =	sdelay $0x3  }
0x36: {  	p1 =	seq.s32 s10, $0x1;
	s10 =	sld [smem:$0x3FB6];
	_ =	sdelay $0x3  }
0x37: {  	[smem:$0x3FB6] =	sst s10  }
0x38: {  	s10 =	sld [smem:$0x3FB7]  }
0x39: {  	_ = 	snop;
	(pc) =	sbr.ind lr, $3  }
0x3a: {  	_ = 	snop  }
0x3b: {  	_ = 	snop  }
0x3c: {  	p2 =	seq.s32 s10, $0x1;
	s10 =	sld [smem:$0x3FB6]  }
0x3d: {  	_ =	shalt  }
0x3e: {  	_ =	shalt  }
0x3f: {  	_ =	shalt  }
0x40: {  	_ =	shalt  }
0x41: {  	_ =	shalt  }
0x42: {  	_ =	shalt  }
0x43: {  	_ =	shalt  }
0x44: {  	_ =	shalt  }
0x45: {  	_ =	shalt  }
0x46: {  	_ =	shalt  }
0x47: {  	_ =	shalt  }
0x48: {  	_ =	shalt  }
0x49: {  	_ =	shalt  }
0x4a: {  	_ =	shalt  }
0x4b: {  	_ =	shalt  }
0x4c: {  	_ =	shalt  }
0x4d: {  	_ =	shalt  }
0x4e: {  	_ =	shalt  }
0x4f: {  	_ =	shalt  }
0x50: {  	_ =	shalt  }
0x51: {  	_ =	shalt  }
0x52: {  	_ =	shalt  }
0x53: {  	_ =	shalt  }
0x54: {  	_ =	shalt  }
0x55: {  	_ =	shalt  }
0x56: {  	_ =	shalt  }
0x57: {  	_ =	shalt  }
0x58: {  	_ =	shalt  }
0x59: {  	_ =	shalt  }
0x5a: {  	_ =	shalt  }
0x5b: {  	_ =	shalt  }
0x5c: {  	_ =	shalt  }
0x5d: {  	_ =	shalt  }
0x5e: {  	_ =	shalt  }
0x5f: {  	_ =	shalt  }
0x60: {  	_ =	shalt  }
0x61: {  	_ =	shalt  }
0x62: {  	_ =	shalt  }
0x63: {  	_ =	shalt  }
0x64: {  	_ =	shalt  }
0x65: {  	_ =	shalt  }
0x66: {  	_ =	shalt  }
0x67: {  	_ =	shalt  }
0x68: {  	_ =	shalt  }
0x69: {  	_ =	shalt  }
0x6a: {  	_ =	shalt  }
0x6b: {  	_ =	shalt  }
0x6c: {  	_ =	shalt  }
0x6d: {  	_ =	shalt  }
0x6e: {  	_ =	shalt  }
0x6f: {  	_ =	shalt  }
0x70: {  	_ =	shalt  }
0x71: {  	_ =	shalt  }
0x72: {  	_ =	shalt  }
0x73: {  	_ =	shalt  }
0x74: {  	_ =	shalt  }
0x75: {  	_ =	shalt  }
0x76: {  	_ =	shalt  }
0x77: {  	_ =	shalt  }
0x78: {  	_ =	shalt  }
0x79: {  	_ =	shalt  }
0x7a: {  	_ =	shalt  }
0x7b: {  	_ =	shalt  }
0x7c: {  	_ =	shalt  }
0x7d: {  	_ =	shalt  }
0x7e: {  	_ =	shalt  }
0x7f: {  	_ =	shalt  }
0x80: {  	_ =	shalt  }
0x81: {  	_ =	shalt  }
0x82: {  	_ =	shalt  }
0x83: {  	_ =	shalt  }
0x84: {  	_ =	shalt  }
0x85: {  	_ =	shalt  }
0x86: {  	_ =	shalt  }
0x87: {  	_ =	shalt  }
.Lfunc_end0:
.L_simem_size_0:
called_computation.3_lowered:
.L_overlay_start_0:
0x88: {  	s2 =	sld [smem:$0x3FD9]  }
0x89: {  	s3 =	sld [smem:$0x3FFE];
	_ =	sdelay $0x1  }
0x8a: {  	s1 =	srdreg.scid  }
0x8b: {  	s0 =	sand.u32 $0x1, s1  }
0x8c: {  	s14 =	sshll.u32 s0, $0xA;
	s2 =	sadd.s32 s3, s2  }
0x8d: {  	s2 =	sadd.s32 s2, s14  }
0x8e: {  	[smem:$0x3FC2] =	sst s2  }
0x8f: {  	_ = 	snop  }
0x90: {  	s2 =	sld [smem:$0x3FD0];
	_ =	sdelay $0x2  }
0x91: {  	s15 =	simm.s32 $0xB;
	s4 =	simm.s32 $0x10  }
0x92: {  	[smem:s4], [sflag:s15] =	dma.local [hbm:s2], $0x1  }
0x93: {  	_ =	swait.eq [sflag:s15], $0x1  }
0x94: {  	[sflag:s15] =	ssyncset.done $0x0  }
0x95: {  	[sflag:s15] =	ssyncadd.s32 $0xFFFFFFFF  }
0x96: {  	s16 =	sld [smem:$0x10];
	(tm) =	ssettm $0x1  }
0x97: {  	s17 =	sld [smem:$0x3FFB];
	_ =	sdelay $0x3  }
0x98: {  	_ =	strace s17  }
0x99: {  	s3 =	sld [smem:$0x3FFC];
	_ =	sdelay $0x3  }
0x9a: {  	_ =	strace s3  }
0x9b: {  	s3 =	sld [smem:$0x3FFD];
	_ =	sdelay $0x3  }
0x9c: {  	_ =	strace s3  }
0x9d: {  	_ =	strace $0x8FFFFFFF  }
0x9e: {  	s18 =	sld [smem:$0x3FDB];
	_ =	sdelay $0x1  }
0x9f: {  	s19 =	simm.s32 $_scs_section_size  }
0xa0: {  	s5 =	simm.s32 $_size__tile_overlayer_lowered;
	s6 =	simm.s32 $_tile_overlayer_lowered  }
0xa1: {  	s22 =	simm.s32 $0x1BFF;
	s21 =	sshll.u32 s6, $0x1;
	s3 =	sadd.s32 s19, s18  }
0xa2: {  	s7 =	simm.s32 $0x0;
	s20 =	sshll.u32 s5, $0x1;
	s5 =	sadd.s32 s21, s3  }
0xa3: {  	[timem:s7], [sflag:s22] =	dma.local [hbm:s5], s20  }
0xa4: {  	_ =	swait.ge [sflag:s22], s20  }
0xa5: {  	s4 =	ssub.s32 $0x0, s20;
	[sflag:s22] =	ssyncset.done $0x0  }
0xa6: {  	[sflag:s22] =	ssyncadd.s32 s4;
	_ =	sdelay $0x1  }
0xa7: {  	s23 =	simm.s32 $0x1B8B  }
0xa8: {  	_ =	swait.ge [sflag:s23], $0x1  }
0xa9: {  	[sflag:s23] =	ssyncset.done $0x0  }
0xaa: {  	s25 =	simm.s32 $0x1B8E;
	s24 =	sld [smem:$0x3FFE];
	[sflag:s23] =	ssyncadd.s32 $0xFFFFFFFF  }
0xab: {  	s26 =	simm.s32 $execute0_lowered;
	[smem:$0x3FD2] =	sst s25  }
0xac: {  	s5 =	sshll.u32 s26, $0x1;
	_ =	strace $0x8000004F;
	[dreg:$0x1] =	wrdreg $0xFFFFFFFF  }
0xad: {  	s28 =	simm.s32 $_size_execute0_lowered;
	s3 =	sadd.s32 s3, s5;
	[dreg:$0x0] =	wrdreg $0x0  }
0xae: {  	s5 =	sshll.u32 s28, $0x1;
	[dreg:$0x2] =	wrdreg s3  }
0xaf: {  	[dreg:$0x3] =	wrdreg s5  }
0xb0: {  	[dreg:$0x4] =	wrdreg $0xC0  }
0xb1: {  	_ =	task [dreg:s7], $0x5FFFF  }
0xb2: {  	[dreg:$0x1] =	wrdreg $0xFFFFFFFF  }
0xb3: {  	[dreg:$0x0] =	wrdreg $0x60  }
0xb4: {  	[dreg:$0x2] =	wrdreg s16  }
0xb5: {  	[dreg:$0x3] =	wrdreg s24  }
0xb6: {  	[dreg:$0x4] =	wrdreg $0x190000  }
0xb7: {  	[dreg:$0x5] =	wrdreg $0x9  }
0xb8: {  	_ =	task.clear_ibuf [dreg:s7], $0x6FFFF;
	_ =	strace $0x9000004F  }
0xb9: {  	s29 =	simm.s32 $0x9;
	_ =	strace $0x80000051  }
0xba: {  	_ =	swait.ge [sflag:s29], $0x1  }
0xbb: {  	[sflag:s29] =	ssyncadd.s32 $0xFFFFFFFF  }
0xbc: {  	_ =	strace $0x90000051  }
0xbd: {  	_ =	sfence  }
0xbe: {  	s30 =	sld [smem:$0x0];
	_ =	sdelay $0x2  }
0xbf: {  	s31 =	sshll.u32 s1, $0xD;
	s1 =	sshrl.u32 s1, $0x2  }
0xc0: {  	s3 =	sand.u32 $0x4000, s31;
	s1 =	sadd.s32 s1, s30  }
0xc1: {  	s0 =	sor.u32 s3, s0;
	s1 =	sshll.u32 s1, $0x11  }
0xc2: {  	s0 =	sor.u32 s1, s0  }
0xc3: {  	s0 =	sadd.s32 $0x8F2B, s0  }
0xc4: {  	[sflag:s0] =	ssyncadd.remote.s32 $0x1  }
0xc5: {  	_ =	sfence.sel $0xFFFF  }
0xc6: {  	[dreg:$0x0] =	wrdreg $0xFFFFFFFF;
	(pc) =	sbr.abs _section_cstart, $3  }
0xc7: {  	[dreg:$0x1] =	wrdreg $0xFFFFFFFF  }
0xc8: {  	_ =	task.clear_ibuf [dreg:s7], $0x2FFFF;
	_ =	strace $0x9FFFFFFF  }
0xc9: {  	(tm) =	ssettm $0x7FFFFFFF  }
tec
execute0_lowered:
.L_overlay_start_1:
0x0: {  	(tag) =	ssettag $0x1  }
0x1: {  	s1 =	rddreg [dreg:$0x0]  }
0x2: {  	s0 =	rddreg [dreg:$0x1];
	s2 =	srdreg.scid  }
0x3: {  	s11 =	stileid.u32;
	s3 =	rddreg [dreg:$0x2];
	s4 =	simm.s32 $0x0  }
0x4: {  	s12 =	simm.s32 $0xB;
	s14 =	simm.s32 $0x7D;
	s15 =	simm.s32 $0x5000  }
0x5: {  	s17 =	simm.s32 $0x9000;
	s19 =	simm.s32 $0xD000;
	s21 =	simm.s32 $0x11000  }
0x6: {  	s23 =	simm.s32 $0x15000;
	s28 =	simm.s32 $0x4;
	s29 =	simm.s32 $0x5  }
0x7: {  	s30 =	simm.s32 $0x6;
	s31 =	simm.s32 $0x7;
	s13 =	simm.s32 $0xA  }
0x8: {  	s18 =	simm.s32 $0x0;
	s2 =	sand.u32 $0x1, s2;
	s5 =	sshll.u32 s11, $0x1  }
0x9: {  	[smem:$0x7FF] =	sst s4;
	s7 =	sshll.u32 s11, $0xB;
	s24 =	sshll.u32 s11, $0xE  }
0xa: {  	s25 =	sshll.u32 s11, $0x6;
	s5 =	sor.u32 s2, s5;
	_ =	strace $0x80000050  }
0xb: {  	s6 =	ssub.s32 $0x2, s2;
	s2 =	sshll.u32 s2, $0xF;
	s26 =	sadd.s32 s24, s3  }
0xc: {  	s24 =	simm.s32 $0x1;
	s5 =	smul.u32 $0x500, s5;
	s9 =	sshrl.u32 s6, $0x1  }
0xd: {  	s11 =	sshrl.u32 s26, $0x3;
	s26 =	simm.s32 $0x3;
	s10 =	ssub.s32 s6, s9  }
0xe: {  	s6 =	sor.u32 $0x1C0B, s25;
	s25 =	simm.s32 $0x2;
	s8 =	sadd.s32 s5, s0  }
0xf: {  	s5 =	sadd.s32 $0x38000, s0;
	s0 =	sadd.s32 s7, s0;
	s10 =	smax.u32 s10, $0x1  }
0x10: {  	s0 =	sadd.s32 s2, s0;
	s7 =	sadd.s32 $0x24000, s8;
	s8 =	sadd.s32 $0x2E000, s8  }
0x11: {  	s2 =	simm.s32 $0x8;
	s9 =	sadd.s32 $0x3800, s0;
	s0 =	simm.s32 $0x9  }
.LBB2_1:
0x12: {  	[spmem:s11], [sflag:s6] =	dma.local [hbm:s5], $0x800  }
0x13: {  	_ =	swait.ge [sflag:s12], $0x800  }
0x14: {  	[sflag:s12] =	ssyncset.done $0x0  }
0x15: {  	[sflag:s12] =	ssyncadd.s32 $0xFFFFF800  }
0x16: {  	[bflag:$0x0] =	sbarrier.arrive $0xFFFF  }
0x17: {  	[tilespmem:s4], [sflag:$0xB] =	stream.linear.gather [hbm4b:s7+s4], $0x2800, $0x38;
	[tilespmem:$0x1D000] =	vst v63  }
0x18: {  	_ =	swait.ge [sflag:s12], $0x2800  }
0x19: {  	[sflag:s12] =	ssyncset.done $0x0  }
0x1a: {  	s16 =	simm.s32 $0x2800;
	[sflag:s12] =	ssyncadd.s32 $0xFFFFD800  }
0x1b: {  	[tilespmem:s16], [sflag:$0xB] =	stream.linear.gather [hbm4b:s8+s4], $0x2800, $0x38;
	[tilespmem:$0x1D000] =	vst v63  }
0x1c: {  	_ =	swait.ge [sflag:s12], $0x2800  }
0x1d: {  	[sflag:s12] =	ssyncset.done $0x0  }
0x1e: {  	[sflag:s12] =	ssyncadd.s32 $0xFFFFD800  }
0x1f: {  	[tilespmem:s15], [sflag:$0x1] =	stream.indirect.gather [hbm4b:s1+s14], $0x80, s4, s14, $0xb8;
	[tilespmem:$0x1D000] =	vst v63  }
0x20: {  	s20 =	simm.s32 $0x80  }
0x21: {  	[tilespmem:s17], [sflag:$0x2] =	stream.indirect.gather [hbm4b:s1+s14], $0x80, s20, s14, $0xb8;
	[tilespmem:$0x1D000] =	vst v63  }
0x22: {  	s22 =	simm.s32 $0x100  }
0x23: {  	[tilespmem:s19], [sflag:$0x3] =	stream.indirect.gather [hbm4b:s1+s14], $0x80, s22, s14, $0xb8;
	[tilespmem:$0x1D000] =	vst v63  }
0x24: {  	s20 =	simm.s32 $0x180  }
0x25: {  	[tilespmem:s21], [sflag:$0x4] =	stream.indirect.gather [hbm4b:s1+s14], $0x80, s20, s14, $0xb8;
	[tilespmem:$0x1D000] =	vst v63  }
0x26: {  	s22 =	simm.s32 $0x200  }
0x27: {  	[tilespmem:s23], [sflag:$0x5] =	stream.indirect.gather [hbm4b:s1+s14], $0x80, s22, s14, $0xb8;
	[tilespmem:$0x1D000] =	vst v63  }
0x28: {  	_ =	swait.ge [sflag:s24], $0x3E80  }
0x29: {  	[sflag:s24] =	ssyncset.done $0x0  }
0x2a: {  	s20 =	simm.s32 $0x2800;
	[sflag:s24] =	ssyncadd.s32 $0xFFFFC180  }
0x2b: {  	[spmem:s3] =	stream.indirect.scatter.add.f32 [tilespmem:s15], [sflag:$0x6], $0x80, s20, s14, $0xb8;
	[tilespmem:$0x1D000] =	vst v63  }
0x2c: {  	_ =	swait.ge [sflag:s25], $0x3E80  }
0x2d: {  	[sflag:s25] =	ssyncset.done $0x0  }
0x2e: {  	s16 =	simm.s32 $0x2880;
	[sflag:s25] =	ssyncadd.s32 $0xFFFFC180  }
0x2f: {  	[spmem:s3] =	stream.indirect.scatter.add.f32 [tilespmem:s17], [sflag:$0x7], $0x80, s16, s14, $0xb8;
	[tilespmem:$0x1D000] =	vst v63  }
0x30: {  	_ =	swait.ge [sflag:s26], $0x3E80  }
0x31: {  	[sflag:s26] =	ssyncset.done $0x0  }
0x32: {  	s22 =	simm.s32 $0x2900;
	[sflag:s26] =	ssyncadd.s32 $0xFFFFC180  }
0x33: {  	[spmem:s3] =	stream.indirect.scatter.add.f32 [tilespmem:s19], [sflag:$0x8], $0x80, s22, s14, $0xb8;
	[tilespmem:$0x1D000] =	vst v63  }
0x34: {  	_ =	swait.ge [sflag:s28], $0x3E80  }
0x35: {  	[sflag:s28] =	ssyncset.done $0x0  }
0x36: {  	s16 =	simm.s32 $0x2980;
	[sflag:s28] =	ssyncadd.s32 $0xFFFFC180  }
0x37: {  	[spmem:s3] =	stream.indirect.scatter.add.f32 [tilespmem:s21], [sflag:$0x9], $0x80, s16, s14, $0xb8;
	[tilespmem:$0x1D000] =	vst v63  }
0x38: {  	_ =	swait.ge [sflag:s29], $0x3E80  }
0x39: {  	[sflag:s29] =	ssyncset.done $0x0  }
0x3a: {  	s22 =	simm.s32 $0x2A00;
	[sflag:s29] =	ssyncadd.s32 $0xFFFFC180  }
0x3b: {  	[spmem:s3] =	stream.indirect.scatter.add.f32 [tilespmem:s23], [sflag:$0xA], $0x80, s22, s14, $0xb8;
	[tilespmem:$0x1D000] =	vst v63  }
0x3c: {  	_ =	swait.ge [sflag:s30], $0x3E80  }
0x3d: {  	[sflag:s30] =	ssyncset.done $0x0  }
0x3e: {  	s16 =	simm.s32 $0x280;
	[sflag:s30] =	ssyncadd.s32 $0xFFFFC180  }
0x3f: {  	[tilespmem:s15], [sflag:$0x1] =	stream.indirect.gather [hbm4b:s1+s14], $0x80, s16, s14, $0xb8;
	[tilespmem:$0x1D000] =	vst v63  }
0x40: {  	_ =	swait.ge [sflag:s31], $0x3E80  }
0x41: {  	[sflag:s31] =	ssyncset.done $0x0  }
0x42: {  	s22 =	simm.s32 $0x300;
	[sflag:s31] =	ssyncadd.s32 $0xFFFFC180  }
0x43: {  	[tilespmem:s17], [sflag:$0x2] =	stream.indirect.gather [hbm4b:s1+s14], $0x80, s22, s14, $0xb8;
	[tilespmem:$0x1D000] =	vst v63  }
0x44: {  	_ =	swait.ge [sflag:s2], $0x3E80  }
0x45: {  	[sflag:s2] =	ssyncset.done $0x0  }
0x46: {  	s16 =	simm.s32 $0x380;
	[sflag:s2] =	ssyncadd.s32 $0xFFFFC180  }
0x47: {  	[tilespmem:s19], [sflag:$0x3] =	stream.indirect.gather [hbm4b:s1+s14], $0x80, s16, s14, $0xb8;
	[tilespmem:$0x1D000] =	vst v63  }
0x48: {  	_ =	swait.ge [sflag:s0], $0x3E80  }
0x49: {  	[sflag:s0] =	ssyncset.done $0x0  }
0x4a: {  	s22 =	simm.s32 $0x400;
	[sflag:s0] =	ssyncadd.s32 $0xFFFFC180  }
0x4b: {  	[tilespmem:s21], [sflag:$0x4] =	stream.indirect.gather [hbm4b:s1+s14], $0x80, s22, s14, $0xb8;
	[tilespmem:$0x1D000] =	vst v63  }
0x4c: {  	_ =	swait.ge [sflag:s13], $0x3E80  }
0x4d: {  	[sflag:s13] =	ssyncset.done $0x0  }
0x4e: {  	s20 =	simm.s32 $0xA00;
	s22 =	simm.s32 $0x480;
	[sflag:s13] =	ssyncadd.s32 $0xFFFFC180  }
.LBB2_2:
0x4f: {  	[tilespmem:s23], [sflag:$0x5] =	stream.indirect.gather [hbm4b:s1+s14], $0x80, s22, s14, $0xb8;
	[tilespmem:$0x1D000] =	vst v63  }
0x50: {  	s22 =	smov.u32 s20  }
0x51: {  	p0 =	sne.s32 s20, $0x8C00;
	s20 =	sadd.s32 $0xA00, s20;
	_ =	swait.ge [sflag:s24], $0x3E80  }
0x52: {  	s22 =	sshra.s32 s22, $0x2;
	[sflag:s24] =	ssyncset.done $0x0  }
0x53: {  	s16 =	sadd.s32 $0x2800, s22;
	[sflag:s24] =	ssyncadd.s32 $0xFFFFC180  }
0x54: {  	[spmem:s3] =	stream.indirect.scatter.add.f32 [tilespmem:s15], [sflag:$0x6], $0x80, s16, s14, $0xb8;
	[tilespmem:$0x1D000] =	vst v63  }
0x55: {  	_ =	swait.ge [sflag:s25], $0x3E80  }
0x56: {  	[sflag:s25] =	ssyncset.done $0x0  }
0x57: {  	s16 =	sadd.s32 $0x2880, s22;
	[sflag:s25] =	ssyncadd.s32 $0xFFFFC180  }
0x58: {  	[spmem:s3] =	stream.indirect.scatter.add.f32 [tilespmem:s17], [sflag:$0x7], $0x80, s16, s14, $0xb8;
	[tilespmem:$0x1D000] =	vst v63  }
0x59: {  	_ =	swait.ge [sflag:s26], $0x3E80  }
0x5a: {  	[sflag:s26] =	ssyncset.done $0x0  }
0x5b: {  	s16 =	sadd.s32 $0x2900, s22;
	[sflag:s26] =	ssyncadd.s32 $0xFFFFC180  }
0x5c: {  	[spmem:s3] =	stream.indirect.scatter.add.f32 [tilespmem:s19], [sflag:$0x8], $0x80, s16, s14, $0xb8;
	[tilespmem:$0x1D000] =	vst v63  }
0x5d: {  	_ =	swait.ge [sflag:s28], $0x3E80  }
0x5e: {  	[sflag:s28] =	ssyncset.done $0x0  }
0x5f: {  	s16 =	sadd.s32 $0x2980, s22;
	[sflag:s28] =	ssyncadd.s32 $0xFFFFC180  }
0x60: {  	[spmem:s3] =	stream.indirect.scatter.add.f32 [tilespmem:s21], [sflag:$0x9], $0x80, s16, s14, $0xb8;
	[tilespmem:$0x1D000] =	vst v63  }
0x61: {  	_ =	swait.ge [sflag:s29], $0x3E80  }
0x62: {  	[sflag:s29] =	ssyncset.done $0x0  }
0x63: {  	s16 =	sadd.s32 $0x2A00, s22;
	[sflag:s29] =	ssyncadd.s32 $0xFFFFC180  }
0x64: {  	[spmem:s3] =	stream.indirect.scatter.add.f32 [tilespmem:s23], [sflag:$0xA], $0x80, s16, s14, $0xb8;
	[tilespmem:$0x1D000] =	vst v63  }
0x65: {  	_ =	swait.ge [sflag:s30], $0x3E80  }
0x66: {  	[sflag:s30] =	ssyncset.done $0x0  }
0x67: {  	s16 =	sadd.s32 $0x280, s22;
	[sflag:s30] =	ssyncadd.s32 $0xFFFFC180  }
0x68: {  	[tilespmem:s15], [sflag:$0x1] =	stream.indirect.gather [hbm4b:s1+s14], $0x80, s16, s14, $0xb8;
	[tilespmem:$0x1D000] =	vst v63  }
0x69: {  	_ =	swait.ge [sflag:s31], $0x3E80  }
0x6a: {  	[sflag:s31] =	ssyncset.done $0x0  }
0x6b: {  	s16 =	sadd.s32 $0x300, s22;
	[sflag:s31] =	ssyncadd.s32 $0xFFFFC180  }
0x6c: {  	[tilespmem:s17], [sflag:$0x2] =	stream.indirect.gather [hbm4b:s1+s14], $0x80, s16, s14, $0xb8;
	[tilespmem:$0x1D000] =	vst v63  }
0x6d: {  	_ =	swait.ge [sflag:s2], $0x3E80  }
0x6e: {  	[sflag:s2] =	ssyncset.done $0x0  }
0x6f: {  	s16 =	sadd.s32 $0x380, s22;
	[sflag:s2] =	ssyncadd.s32 $0xFFFFC180  }
0x70: {  	[tilespmem:s19], [sflag:$0x3] =	stream.indirect.gather [hbm4b:s1+s14], $0x80, s16, s14, $0xb8;
	[tilespmem:$0x1D000] =	vst v63  }
0x71: {  	_ =	swait.ge [sflag:s0], $0x3E80  }
0x72: {  	[sflag:s0] =	ssyncset.done $0x0  }
.Ltmp0:
0x73: {  	s16 =	sadd.s32 $0x400, s22;
	[sflag:s0] =	ssyncadd.s32 $0xFFFFC180;
	(pc) =	sbr.rel @p0 .LBB2_2-.Ltmp0, $4  }
0x74: {  	[tilespmem:s21], [sflag:$0x4] =	stream.indirect.gather [hbm4b:s1+s14], $0x80, s16, s14, $0xb8;
	[tilespmem:$0x1D000] =	vst v63  }
0x75: {  	_ =	swait.ge [sflag:s13], $0x3E80  }
0x76: {  	[sflag:s13] =	ssyncset.done $0x0  }
0x77: {  	s22 =	sadd.s32 $0x480, s22;
	[sflag:s13] =	ssyncadd.s32 $0xFFFFC180  }
0x78: {  	[tilespmem:s23], [sflag:$0x5] =	stream.indirect.gather [hbm4b:s1+s14], $0x80, s22, s14, $0xb8;
	[tilespmem:$0x1D000] =	vst v63  }
0x79: {  	_ =	swait.ge [sflag:s24], $0x3E80  }
0x7a: {  	[sflag:s24] =	ssyncset.done $0x0  }
0x7b: {  	s16 =	simm.s32 $0x4D80;
	[sflag:s24] =	ssyncadd.s32 $0xFFFFC180  }
0x7c: {  	[spmem:s3] =	stream.indirect.scatter.add.f32 [tilespmem:s15], [sflag:$0x6], $0x80, s16, s14, $0xb8;
	[tilespmem:$0x1D000] =	vst v63  }
0x7d: {  	_ =	swait.ge [sflag:s25], $0x3E80  }
0x7e: {  	[sflag:s25] =	ssyncset.done $0x0  }
0x7f: {  	s20 =	simm.s32 $0x4E00;
	[sflag:s25] =	ssyncadd.s32 $0xFFFFC180  }
0x80: {  	[spmem:s3] =	stream.indirect.scatter.add.f32 [tilespmem:s17], [sflag:$0x7], $0x80, s20, s14, $0xb8;
	[tilespmem:$0x1D000] =	vst v63  }
0x81: {  	_ =	swait.ge [sflag:s26], $0x3E80  }
0x82: {  	[sflag:s26] =	ssyncset.done $0x0  }
0x83: {  	s22 =	simm.s32 $0x4E80;
	[sflag:s26] =	ssyncadd.s32 $0xFFFFC180  }
0x84: {  	[spmem:s3] =	stream.indirect.scatter.add.f32 [tilespmem:s19], [sflag:$0x8], $0x80, s22, s14, $0xb8;
	[tilespmem:$0x1D000] =	vst v63  }
0x85: {  	_ =	swait.ge [sflag:s28], $0x3E80  }
0x86: {  	[sflag:s28] =	ssyncset.done $0x0  }
0x87: {  	s20 =	simm.s32 $0x4F00;
	[sflag:s28] =	ssyncadd.s32 $0xFFFFC180  }
0x88: {  	[spmem:s3] =	stream.indirect.scatter.add.f32 [tilespmem:s21], [sflag:$0x9], $0x80, s20, s14, $0xb8;
	[tilespmem:$0x1D000] =	vst v63  }
0x89: {  	_ =	swait.ge [sflag:s29], $0x3E80  }
0x8a: {  	[sflag:s29] =	ssyncset.done $0x0  }
0x8b: {  	s22 =	simm.s32 $0x4F80;
	[sflag:s29] =	ssyncadd.s32 $0xFFFFC180  }
0x8c: {  	[spmem:s3] =	stream.indirect.scatter.add.f32 [tilespmem:s23], [sflag:$0xA], $0x80, s22, s14, $0xb8;
	[tilespmem:$0x1D000] =	vst v63  }
0x8d: {  	_ =	swait.ge [sflag:s30], $0x3E80  }
0x8e: {  	[sflag:s30] =	ssyncset.done $0x0  }
0x8f: {  	[sflag:s30] =	ssyncadd.s32 $0xFFFFC180  }
0x90: {  	_ =	swait.ge [sflag:s31], $0x3E80  }
0x91: {  	[sflag:s31] =	ssyncset.done $0x0  }
0x92: {  	[sflag:s31] =	ssyncadd.s32 $0xFFFFC180  }
0x93: {  	_ =	swait.ge [sflag:s2], $0x3E80  }
0x94: {  	[sflag:s2] =	ssyncset.done $0x0  }
0x95: {  	[sflag:s2] =	ssyncadd.s32 $0xFFFFC180  }
0x96: {  	_ =	swait.ge [sflag:s0], $0x3E80  }
0x97: {  	[sflag:s0] =	ssyncset.done $0x0  }
0x98: {  	[sflag:s0] =	ssyncadd.s32 $0xFFFFC180  }
0x99: {  	_ =	swait.ge [sflag:s13], $0x3E80  }
0x9a: {  	s18 =	sadd.s32 $0x1, s18;
	[sflag:s13] =	ssyncset.done $0x0  }
0x9b: {  	p0 =	sne.s32 s18, s10;
	[sflag:s13] =	ssyncadd.s32 $0xFFFFC180  }
.Ltmp1:
0x9c: {  	[bflag:$0x0] =	sbarrier.arrive $0xFFFF;
	(pc) =	sbr.rel @p0 .LBB2_1-.Ltmp1, $4  }
0x9d: {  	[hbm:s9], [sflag:s6] =	dma.local [spmem:s11], $0x800  }
0x9e: {  	_ =	swait.ge [sflag:s12], $0x800  }
0x9f: {  	[sflag:s12] =	ssyncset.done $0x0  }
0xa0: {  	[sflag:s12] =	ssyncadd.s32 $0xFFFFF800  }
0xa1: {  	_ =	sfence.sel $0x180000  }
0xa2: {  	[bflag:$0x0] =	sbarrier.arrive $0xFFFF  }
0xa3: {  	_ =	strace $0x90000050  }
0xa4: {  	s0 =	stileid.u32;
	[bflag:$0x2] =	sbarrier.arrive $0xFFFF  }
0xa5: {  	p0 =	sne.s32 s0, $0x0;
	s0 =	rddreg [dreg:$0x3]  }
0xa6: {  	s0 =	sadd.s32 @!p0 $0x100000, s0  }
0xa7: {  	[sflag:s0] =	ssyncadd.tile.s32 @!p0 $0x1;
	_ =	shalt  }
.Lfunc_end2:
_tile_overlayer_lowered:
.L_overlay_start_2:
0xa8: {  	(tag) =	ssettag $0x2  }
0xa9: {  	s0 =	rddreg [dreg:$0x0];
	s2 =	stileid.u32  }
0xaa: {  	s1 =	rddreg [dreg:$0x1];
	p0 =	sne.s32 s2, $0x0  }
0xab: {  	s3 =	rddreg [dreg:$0x2];
	[bflag:$0x3] =	sbarrier.arrive $0xFFFF;
	s2 =	simm.s32 @!p0 $0x1C0B  }
0xac: {  	[timem:s3], [sflag:s2] =	dma.local @!p0 [hbm:s0], s1  }
0xad: {  	s0 =	simm.s32 @!p0 $0xB  }
0xae: {  	_ =	swait.ge @!p0 [sflag:s0], s1  }
0xaf: {  	s1 =	ssub.s32 @!p0 $0x0, s1;
	[sflag:s0] =	ssyncset.done @!p0 $0x0  }
0xb0: {  	[sflag:s0] =	ssyncadd.s32 @!p0 s1  }
0xb1: {  	[bflag:$0x3] =	sbarrier.arrive $0xFFFF  }
0xb2: {  	_ =	shalt  }

</sc_bundles>
